<compile_context>
chip_gen: v7x
topology: tpu7x:2x2x1
jax: 0.10.2.dev20260603
libtpu: 0.0.44.dev20260713+nightly
codegen_flags: <defaults>
</compile_context>

<pallas_src>
import functools

import jax
import jax.numpy as jnp
from jax import lax
from jax.experimental import pallas as pl
from jax.experimental.pallas import tpu as pltpu
from jax.experimental.pallas import tpu_sc as plsc

VOCAB = 1000000
MAX_LEN = 200
DIM = 64
BATCH = 4096

NC = 2
NS = 16
NW = NC * NS
LANES = 16

BPW = BATCH // NW
LC = 2
NCHUNKS = MAX_LEN // LC
TR = DIM // 8
TCOLS = BATCH // 128
CG = DIM // LANES
TBP = 129


def _emb_body(x_hbm, table_hbm, pos_hbm, out_hbm,
              idx_all, pos_v, idx_t0, idx_t1, g0, g1,
              t00, t01, t10, t11,
              sg0, sg1, so0, so1):
    wid = lax.axis_index("s") * NC + lax.axis_index("c")
    b0 = wid * BPW

    pltpu.sync_copy(x_hbm.at[pl.ds(b0, BPW), :], idx_all)
    pltpu.sync_copy(pos_hbm, pos_v)

    idx_ts = (idx_t0, idx_t1)
    gbufs = (g0, g1)
    tbufs = ((t00, t01), (t10, t11))
    gsems = (sg0, sg1)
    osems = (so0, so1)

    iota = lax.iota(jnp.int32, LANES)
    zeros = jnp.zeros((LANES,), jnp.int32)
    r0s = [(16 * c + iota) >> 3 for c in range(CG)]
    r1s = [(16 * c + iota) & 7 for c in range(CG)]

    def build_idx_t(g, which):
        it = idx_ts[which]
        for dl in range(LC):
            col = zeros + (g * LC + dl)
            for gi in range(BPW // LANES):
                v = plsc.load_gather(idx_all, [iota + gi * LANES, col])
                it[dl, pl.ds(gi * LANES, LANES)] = v * 2

    def start_gather(which):
        it = idx_ts[which]
        gb = gbufs[which]
        for dl in range(LC):
            pltpu.async_copy(table_hbm.at[it.at[dl]], gb.at[dl], gsems[which])

    def wait_gather(which):
        it = idx_ts[which]
        gb = gbufs[which]
        for dl in range(LC):
            pltpu.make_async_copy(
                table_hbm.at[it.at[dl]], gb.at[dl], gsems[which]).wait()

    def wait_outs(which):
        for dl in range(LC):
            pltpu.make_async_copy(
                tbufs[which][dl].at[:, :, pl.ds(0, 128)],
                out_hbm.at[0, pl.ds(0, TR), 0],
                osems[which]).wait()

    def process_chunk(g, which):
        gb = gbufs[which]
        for dl in range(LC):
            l = g * LC + dl
            tb = tbufs[which][dl]
            pos_vecs = [pos_v[l, pl.ds(16 * c, LANES)] for c in range(CG)]

            @plsc.parallel_loop(0, BPW, step=1, unroll=8)
            def _rows(j):
                colj = zeros + j
                for c in range(CG):
                    v = gb[dl, j, pl.ds(16 * c, LANES)] + pos_vecs[c]
                    plsc.store_scatter(tb, [r0s[c], r1s[c], colj], v)
            pltpu.async_copy(tb.at[:, :, pl.ds(0, 128)],
                             out_hbm.at[l, pl.ds(0, TR), wid],
                             osems[which])

    build_idx_t(0, 0)
    start_gather(0)
    build_idx_t(1, 1)
    start_gather(1)

    def outer(og, _):
        for b in range(2):
            g = og * 2 + b
            wait_gather(b)

            @pl.when(g >= 2)
            def _w():
                wait_outs(b)

            process_chunk(g, b)

            @pl.when(og < NCHUNKS // 2 - 1)
            def _n():
                build_idx_t(g + 2, b)
                start_gather(b)
        return _
    lax.fori_loop(0, NCHUNKS // 2, outer, None)

    for b in range(2):
        wait_outs(b)


def _emb_call(x, table_lin, pos_emb):
    mesh = plsc.VectorSubcoreMesh(core_axis_name="c", subcore_axis_name="s")
    f = functools.partial(
        pl.kernel,
        mesh=mesh,
        out_type=jax.ShapeDtypeStruct((MAX_LEN, TR, TCOLS, 8, 128),
                                      jnp.float32),
        compiler_params=pltpu.CompilerParams(use_tc_tiling_on_sc=False,
                                             needs_layout_passes=False),
        scratch_types=[
            pltpu.VMEM((BPW, MAX_LEN), jnp.int32),
            pltpu.VMEM((MAX_LEN, DIM), jnp.float32),
            pltpu.VMEM((LC, BPW), jnp.int32),
            pltpu.VMEM((LC, BPW), jnp.int32),
            pltpu.VMEM((LC, BPW, DIM), jnp.float32),
            pltpu.VMEM((LC, BPW, DIM), jnp.float32),
            pltpu.VMEM((TR, 8, TBP), jnp.float32),
            pltpu.VMEM((TR, 8, TBP), jnp.float32),
            pltpu.VMEM((TR, 8, TBP), jnp.float32),
            pltpu.VMEM((TR, 8, TBP), jnp.float32),
            pltpu.SemaphoreType.DMA,
            pltpu.SemaphoreType.DMA,
            pltpu.SemaphoreType.DMA,
            pltpu.SemaphoreType.DMA,
        ],
    )(_emb_body)
    return f(x, table_lin, pos_emb)


TBK = 16384


def _tpose_body(in_ref, out_ref):
    out_ref[:, 0:DIM] = in_ref[...].T


def _table_relayout(class_embT):
    grid = (VOCAB + TBK - 1) // TBK
    return pl.pallas_call(
        _tpose_body,
        grid=(grid,),
        in_specs=[pl.BlockSpec((DIM, TBK), lambda i: (0, i))],
        out_specs=pl.BlockSpec((TBK, 2 * DIM), lambda i: (i, 0)),
        out_shape=jax.ShapeDtypeStruct((VOCAB, 2 * DIM), jnp.float32),
    )(class_embT)


def kernel(x, class_emb, pos_emb):
    xi = x.astype(jnp.int32)
    t128 = _table_relayout(class_emb.T)
    table2 = t128.reshape(2 * VOCAB, DIM)
    out5 = _emb_call(xi, table2, pos_emb)
    return out5.transpose(2, 4, 0, 1, 3).reshape(BATCH, MAX_LEN, DIM)

# --- scband reference (transcript-rebuilt; emitter-appended) ---
"""Pipeline reference for scband-embedding-3616362463894 (READ-ONLY COPY).

The authoritative reference and input builder live on the scoring server;
editing this copy changes nothing except your own understanding.
"""

import jax, jax.numpy as jnp
import numpy as np

VOCAB = 1000000
MAX_LEN = 200
DIM = 64
BATCH = 4096

def setup_inputs(seed: int = 0) -> dict:
    key = jax.random.key(seed)
    k1, k2, k3 = jax.random.split(key, 3)
    x = jax.random.randint(k1, (BATCH, MAX_LEN), 0, VOCAB, dtype=jnp.int64 if jax.config.jax_enable_x64 else jnp.int32)
    class_emb = jax.random.normal(k2, (VOCAB, DIM), dtype=jnp.float32) * 0.02
    pos_emb = jax.random.normal(k3, (MAX_LEN, DIM), dtype=jnp.float32) * 0.02
    return {"x": x, "class_emb": class_emb, "pos_emb": pos_emb}

def reference(x, class_emb, pos_emb):
    # class embedding lookup: gather rows of the table
    h = jnp.take(class_emb, x, axis=0)               # [B, L, D]
    # positional embedding over full max_len
    pos = jnp.arange(0, MAX_LEN)
    p = jnp.take(pos_emb, pos, axis=0)               # [L, D]
    return h + p[None, :, :]

if __name__ == "__main__":
    import jax
    _d = setup_inputs()
    print(jax.jit(kernel)(*tuple(_d.values())))

</pallas_src>

<mosaic_0001>
#map = affine_map<(d0, d1) -> (0, 0)>
#map1 = affine_map<(d0, d1) -> (0, 0, 0, 0, 0)>
module attributes {stable_mosaic.version = 14 : i64} {
  func.func @_emb_body(%arg0: i32, %arg1: i32, %arg2: memref<4096x200xi32, #tpu.memory_space<hbm>>, %arg3: memref<2000000x64xf32, #tpu.memory_space<hbm>>, %arg4: memref<200x64xf32, #tpu.memory_space<hbm>>, %arg5: memref<200x8x32x8x128xf32, #tpu.memory_space<hbm>>, %arg6: memref<128x200xi32, #tpu.memory_space<vmem>>, %arg7: memref<200x64xf32, #tpu.memory_space<vmem>>, %arg8: memref<2x128xi32, #tpu.memory_space<vmem>>, %arg9: memref<2x128xi32, #tpu.memory_space<vmem>>, %arg10: memref<2x128x64xf32, #tpu.memory_space<vmem>>, %arg11: memref<2x128x64xf32, #tpu.memory_space<vmem>>, %arg12: memref<8x8x129xf32, #tpu.memory_space<vmem>>, %arg13: memref<8x8x129xf32, #tpu.memory_space<vmem>>, %arg14: memref<8x8x129xf32, #tpu.memory_space<vmem>>, %arg15: memref<8x8x129xf32, #tpu.memory_space<vmem>>, %arg16: memref<!tpu.dma_semaphore, #tpu.memory_space<semaphore_mem>>, %arg17: memref<!tpu.dma_semaphore, #tpu.memory_space<semaphore_mem>>, %arg18: memref<!tpu.dma_semaphore, #tpu.memory_space<semaphore_mem>>, %arg19: memref<!tpu.dma_semaphore, #tpu.memory_space<semaphore_mem>>) attributes {dimension_semantics = [#tpu.dimension_semantics<core_parallel>, #tpu.dimension_semantics<subcore_parallel>], iteration_bounds = array<i64: 2, 16>, scalar_prefetch = 0 : i64, scratch_operands = 14 : i64, tpu.core_type = #tpu.core_type<sc_vector_subcore>, window_params = [{transform_indices = #map}, {transform_indices = #map}, {transform_indices = #map}, {transform_indices = #map1}]} {
    %mul3A = arith.constant 2 : i32
    %mul3A_0 = arith.muli %arg1, %mul3A : i32
    %add3A = arith.addi %mul3A_0, %arg0 : i32
    %mul3A_1 = arith.constant 128 : i32
    %mul3A_2 = arith.muli %add3A, %mul3A_1 : i32
    "tpu.region"() ({
      %run_scoped3A = tpu.sem_alloc : memref<!tpu.dma_semaphore, #tpu.memory_space<semaphore_mem>>
      %dma_start3A_542 = arith.constant 0 : i32
      %dma_start3A_543 = tpu.memref_slice %arg2[%mul3A_2, %dma_start3A_542] : memref<4096x200xi32, #tpu.memory_space<hbm>> -> memref<128x200xi32, #tpu.memory_space<hbm>>
      %dma_start3A_544 = arith.constant 0 : i32
      %dma_start3A_545 = tpu.memref_slice %arg2[%mul3A_2, %dma_start3A_544] : memref<4096x200xi32, #tpu.memory_space<hbm>> -> memref<128x200xi32, #tpu.memory_space<hbm>>
      tpu.enqueue_dma source(%dma_start3A_545 : memref<128x200xi32, #tpu.memory_space<hbm>>) target(%arg6 : memref<128x200xi32, #tpu.memory_space<vmem>>) target_semaphore(%run_scoped3A : memref<!tpu.dma_semaphore, #tpu.memory_space<semaphore_mem>>)
      %dma_wait3A_546 = arith.constant 0 : i32
      %dma_wait3A_547 = tpu.memref_slice %arg2[%mul3A_2, %dma_wait3A_546] : memref<4096x200xi32, #tpu.memory_space<hbm>> -> memref<128x200xi32, #tpu.memory_space<hbm>>
      %dma_wait3A_548 = arith.constant 0 : i32
      %dma_wait3A_549 = tpu.memref_slice %arg2[%mul3A_2, %dma_wait3A_548] : memref<4096x200xi32, #tpu.memory_space<hbm>> -> memref<128x200xi32, #tpu.memory_space<hbm>>
      tpu.wait_dma2 semaphore(%run_scoped3A : memref<!tpu.dma_semaphore, #tpu.memory_space<semaphore_mem>>) src(%dma_wait3A_549 : memref<128x200xi32, #tpu.memory_space<hbm>>) dst(%arg6 : memref<128x200xi32, #tpu.memory_space<vmem>>)
      tpu.yield
    }) : () -> ()
    "tpu.region"() ({
      %run_scoped3A = tpu.sem_alloc : memref<!tpu.dma_semaphore, #tpu.memory_space<semaphore_mem>>
      tpu.enqueue_dma source(%arg4 : memref<200x64xf32, #tpu.memory_space<hbm>>) target(%arg7 : memref<200x64xf32, #tpu.memory_space<vmem>>) target_semaphore(%run_scoped3A : memref<!tpu.dma_semaphore, #tpu.memory_space<semaphore_mem>>)
      tpu.wait_dma2 semaphore(%run_scoped3A : memref<!tpu.dma_semaphore, #tpu.memory_space<semaphore_mem>>) src(%arg4 : memref<200x64xf32, #tpu.memory_space<hbm>>) dst(%arg7 : memref<200x64xf32, #tpu.memory_space<vmem>>)
      tpu.yield
    }) : () -> ()
    %iota3A = tpu.iota {dimensions = array<i32: 0>} : vector<16xi32>
    %broadcast_in_dim3A = arith.constant 0 : i32
    %broadcast_in_dim3A_3 = vector.broadcast %broadcast_in_dim3A : i32 to vector<16xi32>
    %add3A_4 = arith.constant 0 : i32
    %add3A_5 = vector.broadcast %add3A_4 : i32 to vector<16xi32>
    %add3A_6 = arith.addi %add3A_5, %iota3A : vector<16xi32>
    %shift_right_arithmetic3A = arith.constant 3 : i32
    %shift_right_arithmetic3A_7 = vector.broadcast %shift_right_arithmetic3A : i32 to vector<16xi32>
    %shift_right_arithmetic3A_8 = arith.shrsi %add3A_6, %shift_right_arithmetic3A_7 : vector<16xi32>
    %add3A_9 = arith.constant 16 : i32
    %add3A_10 = vector.broadcast %add3A_9 : i32 to vector<16xi32>
    %add3A_11 = arith.addi %add3A_10, %iota3A : vector<16xi32>
    %shift_right_arithmetic3A_12 = arith.constant 3 : i32
    %shift_right_arithmetic3A_13 = vector.broadcast %shift_right_arithmetic3A_12 : i32 to vector<16xi32>
    %shift_right_arithmetic3A_14 = arith.shrsi %add3A_11, %shift_right_arithmetic3A_13 : vector<16xi32>
    %add3A_15 = arith.constant 32 : i32
    %add3A_16 = vector.broadcast %add3A_15 : i32 to vector<16xi32>
    %add3A_17 = arith.addi %add3A_16, %iota3A : vector<16xi32>
    %shift_right_arithmetic3A_18 = arith.constant 3 : i32
    %shift_right_arithmetic3A_19 = vector.broadcast %shift_right_arithmetic3A_18 : i32 to vector<16xi32>
    %shift_right_arithmetic3A_20 = arith.shrsi %add3A_17, %shift_right_arithmetic3A_19 : vector<16xi32>
    %add3A_21 = arith.constant 48 : i32
    %add3A_22 = vector.broadcast %add3A_21 : i32 to vector<16xi32>
    %add3A_23 = arith.addi %add3A_22, %iota3A : vector<16xi32>
    %shift_right_arithmetic3A_24 = arith.constant 3 : i32
    %shift_right_arithmetic3A_25 = vector.broadcast %shift_right_arithmetic3A_24 : i32 to vector<16xi32>
    %shift_right_arithmetic3A_26 = arith.shrsi %add3A_23, %shift_right_arithmetic3A_25 : vector<16xi32>
    %add3A_27 = arith.constant 0 : i32
    %add3A_28 = vector.broadcast %add3A_27 : i32 to vector<16xi32>
    %add3A_29 = arith.addi %add3A_28, %iota3A : vector<16xi32>
    %and3A = arith.constant 7 : i32
    %and3A_30 = vector.broadcast %and3A : i32 to vector<16xi32>
    %and3A_31 = arith.andi %add3A_29, %and3A_30 : vector<16xi32>
    %add3A_32 = arith.constant 16 : i32
    %add3A_33 = vector.broadcast %add3A_32 : i32 to vector<16xi32>
    %add3A_34 = arith.addi %add3A_33, %iota3A : vector<16xi32>
    %and3A_35 = arith.constant 7 : i32
    %and3A_36 = vector.broadcast %and3A_35 : i32 to vector<16xi32>
    %and3A_37 = arith.andi %add3A_34, %and3A_36 : vector<16xi32>
    %add3A_38 = arith.constant 32 : i32
    %add3A_39 = vector.broadcast %add3A_38 : i32 to vector<16xi32>
    %add3A_40 = arith.addi %add3A_39, %iota3A : vector<16xi32>
    %and3A_41 = arith.constant 7 : i32
    %and3A_42 = vector.broadcast %and3A_41 : i32 to vector<16xi32>
    %and3A_43 = arith.andi %add3A_40, %and3A_42 : vector<16xi32>
    %add3A_44 = arith.constant 48 : i32
    %add3A_45 = vector.broadcast %add3A_44 : i32 to vector<16xi32>
    %add3A_46 = arith.addi %add3A_45, %iota3A : vector<16xi32>
    %and3A_47 = arith.constant 7 : i32
    %and3A_48 = vector.broadcast %and3A_47 : i32 to vector<16xi32>
    %and3A_49 = arith.andi %add3A_46, %and3A_48 : vector<16xi32>
    %add3A_50 = arith.constant 0 : i32
    %add3A_51 = vector.broadcast %add3A_50 : i32 to vector<16xi32>
    %add3A_52 = arith.addi %broadcast_in_dim3A_3, %add3A_51 : vector<16xi32>
    %add3A_53 = arith.constant 0 : i32
    %add3A_54 = vector.broadcast %add3A_53 : i32 to vector<16xi32>
    %add3A_55 = arith.addi %iota3A, %add3A_54 : vector<16xi32>
    %gather3A = tpu.vector_load_idx %arg6[%add3A_55, %add3A_52] : memref<128x200xi32, #tpu.memory_space<vmem>>[vector<16xi32>, vector<16xi32>], vector<16xi32>,
    %mul3A_56 = arith.constant 2 : i32
    %mul3A_57 = vector.broadcast %mul3A_56 : i32 to vector<16xi32>
    %mul3A_58 = arith.muli %gather3A, %mul3A_57 : vector<16xi32>
    %swap3A = arith.constant 0 : i32
    %swap3A_59 = arith.index_cast %swap3A : i32 to index
    %swap3A_60 = arith.constant 0 : index
    %swap3A_61 = tpu.vector_load %arg8[%swap3A_59, %swap3A_60] {strides = array<i32>} : memref<2x128xi32, #tpu.memory_space<vmem>>, vector<16xi32>,
    tpu.vector_store %arg8[%swap3A_59, %swap3A_60], %mul3A_58 {strides = array<i32>} : memref<2x128xi32, #tpu.memory_space<vmem>>, vector<16xi32>,
    %add3A_62 = arith.constant 16 : i32
    %add3A_63 = vector.broadcast %add3A_62 : i32 to vector<16xi32>
    %add3A_64 = arith.addi %iota3A, %add3A_63 : vector<16xi32>
    %gather3A_65 = tpu.vector_load_idx %arg6[%add3A_64, %add3A_52] : memref<128x200xi32, #tpu.memory_space<vmem>>[vector<16xi32>, vector<16xi32>], vector<16xi32>,
    %mul3A_66 = arith.constant 2 : i32
    %mul3A_67 = vector.broadcast %mul3A_66 : i32 to vector<16xi32>
    %mul3A_68 = arith.muli %gather3A_65, %mul3A_67 : vector<16xi32>
    %swap3A_69 = arith.constant 0 : i32
    %swap3A_70 = arith.index_cast %swap3A_69 : i32 to index
    %swap3A_71 = arith.constant 16 : index
    %swap3A_72 = tpu.vector_load %arg8[%swap3A_70, %swap3A_71] {strides = array<i32>} : memref<2x128xi32, #tpu.memory_space<vmem>>, vector<16xi32>,
    tpu.vector_store %arg8[%swap3A_70, %swap3A_71], %mul3A_68 {strides = array<i32>} : memref<2x128xi32, #tpu.memory_space<vmem>>, vector<16xi32>,
    %add3A_73 = arith.constant 32 : i32
    %add3A_74 = vector.broadcast %add3A_73 : i32 to vector<16xi32>
    %add3A_75 = arith.addi %iota3A, %add3A_74 : vector<16xi32>
    %gather3A_76 = tpu.vector_load_idx %arg6[%add3A_75, %add3A_52] : memref<128x200xi32, #tpu.memory_space<vmem>>[vector<16xi32>, vector<16xi32>], vector<16xi32>,
    %mul3A_77 = arith.constant 2 : i32
    %mul3A_78 = vector.broadcast %mul3A_77 : i32 to vector<16xi32>
    %mul3A_79 = arith.muli %gather3A_76, %mul3A_78 : vector<16xi32>
    %swap3A_80 = arith.constant 0 : i32
    %swap3A_81 = arith.index_cast %swap3A_80 : i32 to index
    %swap3A_82 = arith.constant 32 : index
    %swap3A_83 = tpu.vector_load %arg8[%swap3A_81, %swap3A_82] {strides = array<i32>} : memref<2x128xi32, #tpu.memory_space<vmem>>, vector<16xi32>,
    tpu.vector_store %arg8[%swap3A_81, %swap3A_82], %mul3A_79 {strides = array<i32>} : memref<2x128xi32, #tpu.memory_space<vmem>>, vector<16xi32>,
    %add3A_84 = arith.constant 48 : i32
    %add3A_85 = vector.broadcast %add3A_84 : i32 to vector<16xi32>
    %add3A_86 = arith.addi %iota3A, %add3A_85 : vector<16xi32>
    %gather3A_87 = tpu.vector_load_idx %arg6[%add3A_86, %add3A_52] : memref<128x200xi32, #tpu.memory_space<vmem>>[vector<16xi32>, vector<16xi32>], vector<16xi32>,
    %mul3A_88 = arith.constant 2 : i32
    %mul3A_89 = vector.broadcast %mul3A_88 : i32 to vector<16xi32>
    %mul3A_90 = arith.muli %gather3A_87, %mul3A_89 : vector<16xi32>
    %swap3A_91 = arith.constant 0 : i32
    %swap3A_92 = arith.index_cast %swap3A_91 : i32 to index
    %swap3A_93 = arith.constant 48 : index
    %swap3A_94 = tpu.vector_load %arg8[%swap3A_92, %swap3A_93] {strides = array<i32>} : memref<2x128xi32, #tpu.memory_space<vmem>>, vector<16xi32>,
    tpu.vector_store %arg8[%swap3A_92, %swap3A_93], %mul3A_90 {strides = array<i32>} : memref<2x128xi32, #tpu.memory_space<vmem>>, vector<16xi32>,
    %add3A_95 = arith.constant 64 : i32
    %add3A_96 = vector.broadcast %add3A_95 : i32 to vector<16xi32>
    %add3A_97 = arith.addi %iota3A, %add3A_96 : vector<16xi32>
    %gather3A_98 = tpu.vector_load_idx %arg6[%add3A_97, %add3A_52] : memref<128x200xi32, #tpu.memory_space<vmem>>[vector<16xi32>, vector<16xi32>], vector<16xi32>,
    %mul3A_99 = arith.constant 2 : i32
    %mul3A_100 = vector.broadcast %mul3A_99 : i32 to vector<16xi32>
    %mul3A_101 = arith.muli %gather3A_98, %mul3A_100 : vector<16xi32>
    %swap3A_102 = arith.constant 0 : i32
    %swap3A_103 = arith.index_cast %swap3A_102 : i32 to index
    %swap3A_104 = arith.constant 64 : index
    %swap3A_105 = tpu.vector_load %arg8[%swap3A_103, %swap3A_104] {strides = array<i32>} : memref<2x128xi32, #tpu.memory_space<vmem>>, vector<16xi32>,
    tpu.vector_store %arg8[%swap3A_103, %swap3A_104], %mul3A_101 {strides = array<i32>} : memref<2x128xi32, #tpu.memory_space<vmem>>, vector<16xi32>,
    %add3A_106 = arith.constant 80 : i32
    %add3A_107 = vector.broadcast %add3A_106 : i32 to vector<16xi32>
    %add3A_108 = arith.addi %iota3A, %add3A_107 : vector<16xi32>
    %gather3A_109 = tpu.vector_load_idx %arg6[%add3A_108, %add3A_52] : memref<128x200xi32, #tpu.memory_space<vmem>>[vector<16xi32>, vector<16xi32>], vector<16xi32>,
    %mul3A_110 = arith.constant 2 : i32
    %mul3A_111 = vector.broadcast %mul3A_110 : i32 to vector<16xi32>
    %mul3A_112 = arith.muli %gather3A_109, %mul3A_111 : vector<16xi32>
    %swap3A_113 = arith.constant 0 : i32
    %swap3A_114 = arith.index_cast %swap3A_113 : i32 to index
    %swap3A_115 = arith.constant 80 : index
    %swap3A_116 = tpu.vector_load %arg8[%swap3A_114, %swap3A_115] {strides = array<i32>} : memref<2x128xi32, #tpu.memory_space<vmem>>, vector<16xi32>,
    tpu.vector_store %arg8[%swap3A_114, %swap3A_115], %mul3A_112 {strides = array<i32>} : memref<2x128xi32, #tpu.memory_space<vmem>>, vector<16xi32>,
    %add3A_117 = arith.constant 96 : i32
    %add3A_118 = vector.broadcast %add3A_117 : i32 to vector<16xi32>
    %add3A_119 = arith.addi %iota3A, %add3A_118 : vector<16xi32>
    %gather3A_120 = tpu.vector_load_idx %arg6[%add3A_119, %add3A_52] : memref<128x200xi32, #tpu.memory_space<vmem>>[vector<16xi32>, vector<16xi32>], vector<16xi32>,
    %mul3A_121 = arith.constant 2 : i32
    %mul3A_122 = vector.broadcast %mul3A_121 : i32 to vector<16xi32>
    %mul3A_123 = arith.muli %gather3A_120, %mul3A_122 : vector<16xi32>
    %swap3A_124 = arith.constant 0 : i32
    %swap3A_125 = arith.index_cast %swap3A_124 : i32 to index
    %swap3A_126 = arith.constant 96 : index
    %swap3A_127 = tpu.vector_load %arg8[%swap3A_125, %swap3A_126] {strides = array<i32>} : memref<2x128xi32, #tpu.memory_space<vmem>>, vector<16xi32>,
    tpu.vector_store %arg8[%swap3A_125, %swap3A_126], %mul3A_123 {strides = array<i32>} : memref<2x128xi32, #tpu.memory_space<vmem>>, vector<16xi32>,
    %add3A_128 = arith.constant 112 : i32
    %add3A_129 = vector.broadcast %add3A_128 : i32 to vector<16xi32>
    %add3A_130 = arith.addi %iota3A, %add3A_129 : vector<16xi32>
    %gather3A_131 = tpu.vector_load_idx %arg6[%add3A_130, %add3A_52] : memref<128x200xi32, #tpu.memory_space<vmem>>[vector<16xi32>, vector<16xi32>], vector<16xi32>,
    %mul3A_132 = arith.constant 2 : i32
    %mul3A_133 = vector.broadcast %mul3A_132 : i32 to vector<16xi32>
    %mul3A_134 = arith.muli %gather3A_131, %mul3A_133 : vector<16xi32>
    %swap3A_135 = arith.constant 0 : i32
    %swap3A_136 = arith.index_cast %swap3A_135 : i32 to index
    %swap3A_137 = arith.constant 112 : index
    %swap3A_138 = tpu.vector_load %arg8[%swap3A_136, %swap3A_137] {strides = array<i32>} : memref<2x128xi32, #tpu.memory_space<vmem>>, vector<16xi32>,
    tpu.vector_store %arg8[%swap3A_136, %swap3A_137], %mul3A_134 {strides = array<i32>} : memref<2x128xi32, #tpu.memory_space<vmem>>, vector<16xi32>,
    %add3A_139 = arith.constant 1 : i32
    %add3A_140 = vector.broadcast %add3A_139 : i32 to vector<16xi32>
    %add3A_141 = arith.addi %broadcast_in_dim3A_3, %add3A_140 : vector<16xi32>
    %add3A_142 = arith.constant 0 : i32
    %add3A_143 = vector.broadcast %add3A_142 : i32 to vector<16xi32>
    %add3A_144 = arith.addi %iota3A, %add3A_143 : vector<16xi32>
    %gather3A_145 = tpu.vector_load_idx %arg6[%add3A_144, %add3A_141] : memref<128x200xi32, #tpu.memory_space<vmem>>[vector<16xi32>, vector<16xi32>], vector<16xi32>,
    %mul3A_146 = arith.constant 2 : i32
    %mul3A_147 = vector.broadcast %mul3A_146 : i32 to vector<16xi32>
    %mul3A_148 = arith.muli %gather3A_145, %mul3A_147 : vector<16xi32>
    %swap3A_149 = arith.constant 1 : i32
    %swap3A_150 = arith.index_cast %swap3A_149 : i32 to index
    %swap3A_151 = arith.constant 0 : index
    %swap3A_152 = tpu.vector_load %arg8[%swap3A_150, %swap3A_151] {strides = array<i32>} : memref<2x128xi32, #tpu.memory_space<vmem>>, vector<16xi32>,
    tpu.vector_store %arg8[%swap3A_150, %swap3A_151], %mul3A_148 {strides = array<i32>} : memref<2x128xi32, #tpu.memory_space<vmem>>, vector<16xi32>,
    %add3A_153 = arith.constant 16 : i32
    %add3A_154 = vector.broadcast %add3A_153 : i32 to vector<16xi32>
    %add3A_155 = arith.addi %iota3A, %add3A_154 : vector<16xi32>
    %gather3A_156 = tpu.vector_load_idx %arg6[%add3A_155, %add3A_141] : memref<128x200xi32, #tpu.memory_space<vmem>>[vector<16xi32>, vector<16xi32>], vector<16xi32>,
    %mul3A_157 = arith.constant 2 : i32
    %mul3A_158 = vector.broadcast %mul3A_157 : i32 to vector<16xi32>
    %mul3A_159 = arith.muli %gather3A_156, %mul3A_158 : vector<16xi32>
    %swap3A_160 = arith.constant 1 : i32
    %swap3A_161 = arith.index_cast %swap3A_160 : i32 to index
    %swap3A_162 = arith.constant 16 : index
    %swap3A_163 = tpu.vector_load %arg8[%swap3A_161, %swap3A_162] {strides = array<i32>} : memref<2x128xi32, #tpu.memory_space<vmem>>, vector<16xi32>,
    tpu.vector_store %arg8[%swap3A_161, %swap3A_162], %mul3A_159 {strides = array<i32>} : memref<2x128xi32, #tpu.memory_space<vmem>>, vector<16xi32>,
    %add3A_164 = arith.constant 32 : i32
    %add3A_165 = vector.broadcast %add3A_164 : i32 to vector<16xi32>
    %add3A_166 = arith.addi %iota3A, %add3A_165 : vector<16xi32>
    %gather3A_167 = tpu.vector_load_idx %arg6[%add3A_166, %add3A_141] : memref<128x200xi32, #tpu.memory_space<vmem>>[vector<16xi32>, vector<16xi32>], vector<16xi32>,
    %mul3A_168 = arith.constant 2 : i32
    %mul3A_169 = vector.broadcast %mul3A_168 : i32 to vector<16xi32>
    %mul3A_170 = arith.muli %gather3A_167, %mul3A_169 : vector<16xi32>
    %swap3A_171 = arith.constant 1 : i32
    %swap3A_172 = arith.index_cast %swap3A_171 : i32 to index
    %swap3A_173 = arith.constant 32 : index
    %swap3A_174 = tpu.vector_load %arg8[%swap3A_172, %swap3A_173] {strides = array<i32>} : memref<2x128xi32, #tpu.memory_space<vmem>>, vector<16xi32>,
    tpu.vector_store %arg8[%swap3A_172, %swap3A_173], %mul3A_170 {strides = array<i32>} : memref<2x128xi32, #tpu.memory_space<vmem>>, vector<16xi32>,
    %add3A_175 = arith.constant 48 : i32
    %add3A_176 = vector.broadcast %add3A_175 : i32 to vector<16xi32>
    %add3A_177 = arith.addi %iota3A, %add3A_176 : vector<16xi32>
    %gather3A_178 = tpu.vector_load_idx %arg6[%add3A_177, %add3A_141] : memref<128x200xi32, #tpu.memory_space<vmem>>[vector<16xi32>, vector<16xi32>], vector<16xi32>,
    %mul3A_179 = arith.constant 2 : i32
    %mul3A_180 = vector.broadcast %mul3A_179 : i32 to vector<16xi32>
    %mul3A_181 = arith.muli %gather3A_178, %mul3A_180 : vector<16xi32>
    %swap3A_182 = arith.constant 1 : i32
    %swap3A_183 = arith.index_cast %swap3A_182 : i32 to index
    %swap3A_184 = arith.constant 48 : index
    %swap3A_185 = tpu.vector_load %arg8[%swap3A_183, %swap3A_184] {strides = array<i32>} : memref<2x128xi32, #tpu.memory_space<vmem>>, vector<16xi32>,
    tpu.vector_store %arg8[%swap3A_183, %swap3A_184], %mul3A_181 {strides = array<i32>} : memref<2x128xi32, #tpu.memory_space<vmem>>, vector<16xi32>,
    %add3A_186 = arith.constant 64 : i32
    %add3A_187 = vector.broadcast %add3A_186 : i32 to vector<16xi32>
    %add3A_188 = arith.addi %iota3A, %add3A_187 : vector<16xi32>
    %gather3A_189 = tpu.vector_load_idx %arg6[%add3A_188, %add3A_141] : memref<128x200xi32, #tpu.memory_space<vmem>>[vector<16xi32>, vector<16xi32>], vector<16xi32>,
    %mul3A_190 = arith.constant 2 : i32
    %mul3A_191 = vector.broadcast %mul3A_190 : i32 to vector<16xi32>
    %mul3A_192 = arith.muli %gather3A_189, %mul3A_191 : vector<16xi32>
    %swap3A_193 = arith.constant 1 : i32
    %swap3A_194 = arith.index_cast %swap3A_193 : i32 to index
    %swap3A_195 = arith.constant 64 : index
    %swap3A_196 = tpu.vector_load %arg8[%swap3A_194, %swap3A_195] {strides = array<i32>} : memref<2x128xi32, #tpu.memory_space<vmem>>, vector<16xi32>,
    tpu.vector_store %arg8[%swap3A_194, %swap3A_195], %mul3A_192 {strides = array<i32>} : memref<2x128xi32, #tpu.memory_space<vmem>>, vector<16xi32>,
    %add3A_197 = arith.constant 80 : i32
    %add3A_198 = vector.broadcast %add3A_197 : i32 to vector<16xi32>
    %add3A_199 = arith.addi %iota3A, %add3A_198 : vector<16xi32>
    %gather3A_200 = tpu.vector_load_idx %arg6[%add3A_199, %add3A_141] : memref<128x200xi32, #tpu.memory_space<vmem>>[vector<16xi32>, vector<16xi32>], vector<16xi32>,
    %mul3A_201 = arith.constant 2 : i32
    %mul3A_202 = vector.broadcast %mul3A_201 : i32 to vector<16xi32>
    %mul3A_203 = arith.muli %gather3A_200, %mul3A_202 : vector<16xi32>
    %swap3A_204 = arith.constant 1 : i32
    %swap3A_205 = arith.index_cast %swap3A_204 : i32 to index
    %swap3A_206 = arith.constant 80 : index
    %swap3A_207 = tpu.vector_load %arg8[%swap3A_205, %swap3A_206] {strides = array<i32>} : memref<2x128xi32, #tpu.memory_space<vmem>>, vector<16xi32>,
    tpu.vector_store %arg8[%swap3A_205, %swap3A_206], %mul3A_203 {strides = array<i32>} : memref<2x128xi32, #tpu.memory_space<vmem>>, vector<16xi32>,
    %add3A_208 = arith.constant 96 : i32
    %add3A_209 = vector.broadcast %add3A_208 : i32 to vector<16xi32>
    %add3A_210 = arith.addi %iota3A, %add3A_209 : vector<16xi32>
    %gather3A_211 = tpu.vector_load_idx %arg6[%add3A_210, %add3A_141] : memref<128x200xi32, #tpu.memory_space<vmem>>[vector<16xi32>, vector<16xi32>], vector<16xi32>,
    %mul3A_212 = arith.constant 2 : i32
    %mul3A_213 = vector.broadcast %mul3A_212 : i32 to vector<16xi32>
    %mul3A_214 = arith.muli %gather3A_211, %mul3A_213 : vector<16xi32>
    %swap3A_215 = arith.constant 1 : i32
    %swap3A_216 = arith.index_cast %swap3A_215 : i32 to index
    %swap3A_217 = arith.constant 96 : index
    %swap3A_218 = tpu.vector_load %arg8[%swap3A_216, %swap3A_217] {strides = array<i32>} : memref<2x128xi32, #tpu.memory_space<vmem>>, vector<16xi32>,
    tpu.vector_store %arg8[%swap3A_216, %swap3A_217], %mul3A_214 {strides = array<i32>} : memref<2x128xi32, #tpu.memory_space<vmem>>, vector<16xi32>,
    %add3A_219 = arith.constant 112 : i32
    %add3A_220 = vector.broadcast %add3A_219 : i32 to vector<16xi32>
    %add3A_221 = arith.addi %iota3A, %add3A_220 : vector<16xi32>
    %gather3A_222 = tpu.vector_load_idx %arg6[%add3A_221, %add3A_141] : memref<128x200xi32, #tpu.memory_space<vmem>>[vector<16xi32>, vector<16xi32>], vector<16xi32>,
    %mul3A_223 = arith.constant 2 : i32
    %mul3A_224 = vector.broadcast %mul3A_223 : i32 to vector<16xi32>
    %mul3A_225 = arith.muli %gather3A_222, %mul3A_224 : vector<16xi32>
    %swap3A_226 = arith.constant 1 : i32
    %swap3A_227 = arith.index_cast %swap3A_226 : i32 to index
    %swap3A_228 = arith.constant 112 : index
    %swap3A_229 = tpu.vector_load %arg8[%swap3A_227, %swap3A_228] {strides = array<i32>} : memref<2x128xi32, #tpu.memory_space<vmem>>, vector<16xi32>,
    tpu.vector_store %arg8[%swap3A_227, %swap3A_228], %mul3A_225 {strides = array<i32>} : memref<2x128xi32, #tpu.memory_space<vmem>>, vector<16xi32>,
    %dma_start3A = arith.constant 0 : i32
    %dma_start3A_230 = arith.constant 0 : i32
    %dma_start3A_231 = arith.constant 0 : i32
    %dma_start3A_232 = arith.constant 0 : i32
    %dma_start3A_233 = tpu.memref_slice %arg10[%dma_start3A_230, %dma_start3A_231, %dma_start3A_232] : memref<2x128x64xf32, #tpu.memory_space<vmem>> -> memref<1x128x64xf32, #tpu.memory_space<vmem>>
    %dma_start3A_234 = tpu.memref_squeeze %dma_start3A_233 : memref<1x128x64xf32, #tpu.memory_space<vmem>> -> memref<128x64xf32, #tpu.memory_space<vmem>>
    %dma_start3A_235 = arith.constant 0 : i32
    %dma_start3A_236 = tpu.memref_slice %arg8[%dma_start3A, %dma_start3A_235] : memref<2x128xi32, #tpu.memory_space<vmem>> -> memref<1x128xi32, #tpu.memory_space<vmem>>
    %dma_start3A_237 = tpu.memref_squeeze %dma_start3A_236 : memref<1x128xi32, #tpu.memory_space<vmem>> -> memref<128xi32, #tpu.memory_space<vmem>>
    %dma_start3A_238 = arith.constant 0 : i32
    %dma_start3A_239 = arith.constant 0 : i32
    %dma_start3A_240 = tpu.memref_slice %arg3[%dma_start3A_238, %dma_start3A_239] : memref<2000000x64xf32, #tpu.memory_space<hbm>> -> memref<2000000x64xf32, #tpu.memory_space<hbm>>
    tpu.enqueue_indirect_dma source(%dma_start3A_240 : memref<2000000x64xf32, #tpu.memory_space<hbm>>) target(%dma_start3A_234 : memref<128x64xf32, #tpu.memory_space<vmem>>) offsets(%dma_start3A_237 : memref<128xi32, #tpu.memory_space<vmem>>) semaphore(%arg16 : memref<!tpu.dma_semaphore, #tpu.memory_space<semaphore_mem>>)
    %dma_start3A_241 = arith.constant 1 : i32
    %dma_start3A_242 = arith.constant 1 : i32
    %dma_start3A_243 = arith.constant 0 : i32
    %dma_start3A_244 = arith.constant 0 : i32
    %dma_start3A_245 = tpu.memref_slice %arg10[%dma_start3A_242, %dma_start3A_243, %dma_start3A_244] : memref<2x128x64xf32, #tpu.memory_space<vmem>> -> memref<1x128x64xf32, #tpu.memory_space<vmem>>
    %dma_start3A_246 = tpu.memref_squeeze %dma_start3A_245 : memref<1x128x64xf32, #tpu.memory_space<vmem>> -> memref<128x64xf32, #tpu.memory_space<vmem>>
    %dma_start3A_247 = arith.constant 0 : i32
    %dma_start3A_248 = tpu.memref_slice %arg8[%dma_start3A_241, %dma_start3A_247] : memref<2x128xi32, #tpu.memory_space<vmem>> -> memref<1x128xi32, #tpu.memory_space<vmem>>
    %dma_start3A_249 = tpu.memref_squeeze %dma_start3A_248 : memref<1x128xi32, #tpu.memory_space<vmem>> -> memref<128xi32, #tpu.memory_space<vmem>>
    %dma_start3A_250 = arith.constant 0 : i32
    %dma_start3A_251 = arith.constant 0 : i32
    %dma_start3A_252 = tpu.memref_slice %arg3[%dma_start3A_250, %dma_start3A_251] : memref<2000000x64xf32, #tpu.memory_space<hbm>> -> memref<2000000x64xf32, #tpu.memory_space<hbm>>
    tpu.enqueue_indirect_dma source(%dma_start3A_252 : memref<2000000x64xf32, #tpu.memory_space<hbm>>) target(%dma_start3A_246 : memref<128x64xf32, #tpu.memory_space<vmem>>) offsets(%dma_start3A_249 : memref<128xi32, #tpu.memory_space<vmem>>) semaphore(%arg16 : memref<!tpu.dma_semaphore, #tpu.memory_space<semaphore_mem>>)
    %add3A_253 = arith.constant 2 : i32
    %add3A_254 = vector.broadcast %add3A_253 : i32 to vector<16xi32>
    %add3A_255 = arith.addi %broadcast_in_dim3A_3, %add3A_254 : vector<16xi32>
    %add3A_256 = arith.constant 0 : i32
    %add3A_257 = vector.broadcast %add3A_256 : i32 to vector<16xi32>
    %add3A_258 = arith.addi %iota3A, %add3A_257 : vector<16xi32>
    %gather3A_259 = tpu.vector_load_idx %arg6[%add3A_258, %add3A_255] : memref<128x200xi32, #tpu.memory_space<vmem>>[vector<16xi32>, vector<16xi32>], vector<16xi32>,
    %mul3A_260 = arith.constant 2 : i32
    %mul3A_261 = vector.broadcast %mul3A_260 : i32 to vector<16xi32>
    %mul3A_262 = arith.muli %gather3A_259, %mul3A_261 : vector<16xi32>
    %swap3A_263 = arith.constant 0 : i32
    %swap3A_264 = arith.index_cast %swap3A_263 : i32 to index
    %swap3A_265 = arith.constant 0 : index
    %swap3A_266 = tpu.vector_load %arg9[%swap3A_264, %swap3A_265] {strides = array<i32>} : memref<2x128xi32, #tpu.memory_space<vmem>>, vector<16xi32>,
    tpu.vector_store %arg9[%swap3A_264, %swap3A_265], %mul3A_262 {strides = array<i32>} : memref<2x128xi32, #tpu.memory_space<vmem>>, vector<16xi32>,
    %add3A_267 = arith.constant 16 : i32
    %add3A_268 = vector.broadcast %add3A_267 : i32 to vector<16xi32>
    %add3A_269 = arith.addi %iota3A, %add3A_268 : vector<16xi32>
    %gather3A_270 = tpu.vector_load_idx %arg6[%add3A_269, %add3A_255] : memref<128x200xi32, #tpu.memory_space<vmem>>[vector<16xi32>, vector<16xi32>], vector<16xi32>,
    %mul3A_271 = arith.constant 2 : i32
    %mul3A_272 = vector.broadcast %mul3A_271 : i32 to vector<16xi32>
    %mul3A_273 = arith.muli %gather3A_270, %mul3A_272 : vector<16xi32>
    %swap3A_274 = arith.constant 0 : i32
    %swap3A_275 = arith.index_cast %swap3A_274 : i32 to index
    %swap3A_276 = arith.constant 16 : index
    %swap3A_277 = tpu.vector_load %arg9[%swap3A_275, %swap3A_276] {strides = array<i32>} : memref<2x128xi32, #tpu.memory_space<vmem>>, vector<16xi32>,
    tpu.vector_store %arg9[%swap3A_275, %swap3A_276], %mul3A_273 {strides = array<i32>} : memref<2x128xi32, #tpu.memory_space<vmem>>, vector<16xi32>,
    %add3A_278 = arith.constant 32 : i32
    %add3A_279 = vector.broadcast %add3A_278 : i32 to vector<16xi32>
    %add3A_280 = arith.addi %iota3A, %add3A_279 : vector<16xi32>
    %gather3A_281 = tpu.vector_load_idx %arg6[%add3A_280, %add3A_255] : memref<128x200xi32, #tpu.memory_space<vmem>>[vector<16xi32>, vector<16xi32>], vector<16xi32>,
    %mul3A_282 = arith.constant 2 : i32
    %mul3A_283 = vector.broadcast %mul3A_282 : i32 to vector<16xi32>
    %mul3A_284 = arith.muli %gather3A_281, %mul3A_283 : vector<16xi32>
    %swap3A_285 = arith.constant 0 : i32
    %swap3A_286 = arith.index_cast %swap3A_285 : i32 to index
    %swap3A_287 = arith.constant 32 : index
    %swap3A_288 = tpu.vector_load %arg9[%swap3A_286, %swap3A_287] {strides = array<i32>} : memref<2x128xi32, #tpu.memory_space<vmem>>, vector<16xi32>,
    tpu.vector_store %arg9[%swap3A_286, %swap3A_287], %mul3A_284 {strides = array<i32>} : memref<2x128xi32, #tpu.memory_space<vmem>>, vector<16xi32>,
    %add3A_289 = arith.constant 48 : i32
    %add3A_290 = vector.broadcast %add3A_289 : i32 to vector<16xi32>
    %add3A_291 = arith.addi %iota3A, %add3A_290 : vector<16xi32>
    %gather3A_292 = tpu.vector_load_idx %arg6[%add3A_291, %add3A_255] : memref<128x200xi32, #tpu.memory_space<vmem>>[vector<16xi32>, vector<16xi32>], vector<16xi32>,
    %mul3A_293 = arith.constant 2 : i32
    %mul3A_294 = vector.broadcast %mul3A_293 : i32 to vector<16xi32>
    %mul3A_295 = arith.muli %gather3A_292, %mul3A_294 : vector<16xi32>
    %swap3A_296 = arith.constant 0 : i32
    %swap3A_297 = arith.index_cast %swap3A_296 : i32 to index
    %swap3A_298 = arith.constant 48 : index
    %swap3A_299 = tpu.vector_load %arg9[%swap3A_297, %swap3A_298] {strides = array<i32>} : memref<2x128xi32, #tpu.memory_space<vmem>>, vector<16xi32>,
    tpu.vector_store %arg9[%swap3A_297, %swap3A_298], %mul3A_295 {strides = array<i32>} : memref<2x128xi32, #tpu.memory_space<vmem>>, vector<16xi32>,
    %add3A_300 = arith.constant 64 : i32
    %add3A_301 = vector.broadcast %add3A_300 : i32 to vector<16xi32>
    %add3A_302 = arith.addi %iota3A, %add3A_301 : vector<16xi32>
    %gather3A_303 = tpu.vector_load_idx %arg6[%add3A_302, %add3A_255] : memref<128x200xi32, #tpu.memory_space<vmem>>[vector<16xi32>, vector<16xi32>], vector<16xi32>,
    %mul3A_304 = arith.constant 2 : i32
    %mul3A_305 = vector.broadcast %mul3A_304 : i32 to vector<16xi32>
    %mul3A_306 = arith.muli %gather3A_303, %mul3A_305 : vector<16xi32>
    %swap3A_307 = arith.constant 0 : i32
    %swap3A_308 = arith.index_cast %swap3A_307 : i32 to index
    %swap3A_309 = arith.constant 64 : index
    %swap3A_310 = tpu.vector_load %arg9[%swap3A_308, %swap3A_309] {strides = array<i32>} : memref<2x128xi32, #tpu.memory_space<vmem>>, vector<16xi32>,
    tpu.vector_store %arg9[%swap3A_308, %swap3A_309], %mul3A_306 {strides = array<i32>} : memref<2x128xi32, #tpu.memory_space<vmem>>, vector<16xi32>,
    %add3A_311 = arith.constant 80 : i32
    %add3A_312 = vector.broadcast %add3A_311 : i32 to vector<16xi32>
    %add3A_313 = arith.addi %iota3A, %add3A_312 : vector<16xi32>
    %gather3A_314 = tpu.vector_load_idx %arg6[%add3A_313, %add3A_255] : memref<128x200xi32, #tpu.memory_space<vmem>>[vector<16xi32>, vector<16xi32>], vector<16xi32>,
    %mul3A_315 = arith.constant 2 : i32
    %mul3A_316 = vector.broadcast %mul3A_315 : i32 to vector<16xi32>
    %mul3A_317 = arith.muli %gather3A_314, %mul3A_316 : vector<16xi32>
    %swap3A_318 = arith.constant 0 : i32
    %swap3A_319 = arith.index_cast %swap3A_318 : i32 to index
    %swap3A_320 = arith.constant 80 : index
    %swap3A_321 = tpu.vector_load %arg9[%swap3A_319, %swap3A_320] {strides = array<i32>} : memref<2x128xi32, #tpu.memory_space<vmem>>, vector<16xi32>,
    tpu.vector_store %arg9[%swap3A_319, %swap3A_320], %mul3A_317 {strides = array<i32>} : memref<2x128xi32, #tpu.memory_space<vmem>>, vector<16xi32>,
    %add3A_322 = arith.constant 96 : i32
    %add3A_323 = vector.broadcast %add3A_322 : i32 to vector<16xi32>
    %add3A_324 = arith.addi %iota3A, %add3A_323 : vector<16xi32>
    %gather3A_325 = tpu.vector_load_idx %arg6[%add3A_324, %add3A_255] : memref<128x200xi32, #tpu.memory_space<vmem>>[vector<16xi32>, vector<16xi32>], vector<16xi32>,
    %mul3A_326 = arith.constant 2 : i32
    %mul3A_327 = vector.broadcast %mul3A_326 : i32 to vector<16xi32>
    %mul3A_328 = arith.muli %gather3A_325, %mul3A_327 : vector<16xi32>
    %swap3A_329 = arith.constant 0 : i32
    %swap3A_330 = arith.index_cast %swap3A_329 : i32 to index
    %swap3A_331 = arith.constant 96 : index
    %swap3A_332 = tpu.vector_load %arg9[%swap3A_330, %swap3A_331] {strides = array<i32>} : memref<2x128xi32, #tpu.memory_space<vmem>>, vector<16xi32>,
    tpu.vector_store %arg9[%swap3A_330, %swap3A_331], %mul3A_328 {strides = array<i32>} : memref<2x128xi32, #tpu.memory_space<vmem>>, vector<16xi32>,
    %add3A_333 = arith.constant 112 : i32
    %add3A_334 = vector.broadcast %add3A_333 : i32 to vector<16xi32>
    %add3A_335 = arith.addi %iota3A, %add3A_334 : vector<16xi32>
    %gather3A_336 = tpu.vector_load_idx %arg6[%add3A_335, %add3A_255] : memref<128x200xi32, #tpu.memory_space<vmem>>[vector<16xi32>, vector<16xi32>], vector<16xi32>,
    %mul3A_337 = arith.constant 2 : i32
    %mul3A_338 = vector.broadcast %mul3A_337 : i32 to vector<16xi32>
    %mul3A_339 = arith.muli %gather3A_336, %mul3A_338 : vector<16xi32>
    %swap3A_340 = arith.constant 0 : i32
    %swap3A_341 = arith.index_cast %swap3A_340 : i32 to index
    %swap3A_342 = arith.constant 112 : index
    %swap3A_343 = tpu.vector_load %arg9[%swap3A_341, %swap3A_342] {strides = array<i32>} : memref<2x128xi32, #tpu.memory_space<vmem>>, vector<16xi32>,
    tpu.vector_store %arg9[%swap3A_341, %swap3A_342], %mul3A_339 {strides = array<i32>} : memref<2x128xi32, #tpu.memory_space<vmem>>, vector<16xi32>,
    %add3A_344 = arith.constant 3 : i32
    %add3A_345 = vector.broadcast %add3A_344 : i32 to vector<16xi32>
    %add3A_346 = arith.addi %broadcast_in_dim3A_3, %add3A_345 : vector<16xi32>
    %add3A_347 = arith.constant 0 : i32
    %add3A_348 = vector.broadcast %add3A_347 : i32 to vector<16xi32>
    %add3A_349 = arith.addi %iota3A, %add3A_348 : vector<16xi32>
    %gather3A_350 = tpu.vector_load_idx %arg6[%add3A_349, %add3A_346] : memref<128x200xi32, #tpu.memory_space<vmem>>[vector<16xi32>, vector<16xi32>], vector<16xi32>,
    %mul3A_351 = arith.constant 2 : i32
    %mul3A_352 = vector.broadcast %mul3A_351 : i32 to vector<16xi32>
    %mul3A_353 = arith.muli %gather3A_350, %mul3A_352 : vector<16xi32>
    %swap3A_354 = arith.constant 1 : i32
    %swap3A_355 = arith.index_cast %swap3A_354 : i32 to index
    %swap3A_356 = arith.constant 0 : index
    %swap3A_357 = tpu.vector_load %arg9[%swap3A_355, %swap3A_356] {strides = array<i32>} : memref<2x128xi32, #tpu.memory_space<vmem>>, vector<16xi32>,
    tpu.vector_store %arg9[%swap3A_355, %swap3A_356], %mul3A_353 {strides = array<i32>} : memref<2x128xi32, #tpu.memory_space<vmem>>, vector<16xi32>,
    %add3A_358 = arith.constant 16 : i32
    %add3A_359 = vector.broadcast %add3A_358 : i32 to vector<16xi32>
    %add3A_360 = arith.addi %iota3A, %add3A_359 : vector<16xi32>
    %gather3A_361 = tpu.vector_load_idx %arg6[%add3A_360, %add3A_346] : memref<128x200xi32, #tpu.memory_space<vmem>>[vector<16xi32>, vector<16xi32>], vector<16xi32>,
    %mul3A_362 = arith.constant 2 : i32
    %mul3A_363 = vector.broadcast %mul3A_362 : i32 to vector<16xi32>
    %mul3A_364 = arith.muli %gather3A_361, %mul3A_363 : vector<16xi32>
    %swap3A_365 = arith.constant 1 : i32
    %swap3A_366 = arith.index_cast %swap3A_365 : i32 to index
    %swap3A_367 = arith.constant 16 : index
    %swap3A_368 = tpu.vector_load %arg9[%swap3A_366, %swap3A_367] {strides = array<i32>} : memref<2x128xi32, #tpu.memory_space<vmem>>, vector<16xi32>,
    tpu.vector_store %arg9[%swap3A_366, %swap3A_367], %mul3A_364 {strides = array<i32>} : memref<2x128xi32, #tpu.memory_space<vmem>>, vector<16xi32>,
    %add3A_369 = arith.constant 32 : i32
    %add3A_370 = vector.broadcast %add3A_369 : i32 to vector<16xi32>
    %add3A_371 = arith.addi %iota3A, %add3A_370 : vector<16xi32>
    %gather3A_372 = tpu.vector_load_idx %arg6[%add3A_371, %add3A_346] : memref<128x200xi32, #tpu.memory_space<vmem>>[vector<16xi32>, vector<16xi32>], vector<16xi32>,
    %mul3A_373 = arith.constant 2 : i32
    %mul3A_374 = vector.broadcast %mul3A_373 : i32 to vector<16xi32>
    %mul3A_375 = arith.muli %gather3A_372, %mul3A_374 : vector<16xi32>
    %swap3A_376 = arith.constant 1 : i32
    %swap3A_377 = arith.index_cast %swap3A_376 : i32 to index
    %swap3A_378 = arith.constant 32 : index
    %swap3A_379 = tpu.vector_load %arg9[%swap3A_377, %swap3A_378] {strides = array<i32>} : memref<2x128xi32, #tpu.memory_space<vmem>>, vector<16xi32>,
    tpu.vector_store %arg9[%swap3A_377, %swap3A_378], %mul3A_375 {strides = array<i32>} : memref<2x128xi32, #tpu.memory_space<vmem>>, vector<16xi32>,
    %add3A_380 = arith.constant 48 : i32
    %add3A_381 = vector.broadcast %add3A_380 : i32 to vector<16xi32>
    %add3A_382 = arith.addi %iota3A, %add3A_381 : vector<16xi32>
    %gather3A_383 = tpu.vector_load_idx %arg6[%add3A_382, %add3A_346] : memref<128x200xi32, #tpu.memory_space<vmem>>[vector<16xi32>, vector<16xi32>], vector<16xi32>,
    %mul3A_384 = arith.constant 2 : i32
    %mul3A_385 = vector.broadcast %mul3A_384 : i32 to vector<16xi32>
    %mul3A_386 = arith.muli %gather3A_383, %mul3A_385 : vector<16xi32>
    %swap3A_387 = arith.constant 1 : i32
    %swap3A_388 = arith.index_cast %swap3A_387 : i32 to index
    %swap3A_389 = arith.constant 48 : index
    %swap3A_390 = tpu.vector_load %arg9[%swap3A_388, %swap3A_389] {strides = array<i32>} : memref<2x128xi32, #tpu.memory_space<vmem>>, vector<16xi32>,
    tpu.vector_store %arg9[%swap3A_388, %swap3A_389], %mul3A_386 {strides = array<i32>} : memref<2x128xi32, #tpu.memory_space<vmem>>, vector<16xi32>,
    %add3A_391 = arith.constant 64 : i32
    %add3A_392 = vector.broadcast %add3A_391 : i32 to vector<16xi32>
    %add3A_393 = arith.addi %iota3A, %add3A_392 : vector<16xi32>
    %gather3A_394 = tpu.vector_load_idx %arg6[%add3A_393, %add3A_346] : memref<128x200xi32, #tpu.memory_space<vmem>>[vector<16xi32>, vector<16xi32>], vector<16xi32>,
    %mul3A_395 = arith.constant 2 : i32
    %mul3A_396 = vector.broadcast %mul3A_395 : i32 to vector<16xi32>
    %mul3A_397 = arith.muli %gather3A_394, %mul3A_396 : vector<16xi32>
    %swap3A_398 = arith.constant 1 : i32
    %swap3A_399 = arith.index_cast %swap3A_398 : i32 to index
    %swap3A_400 = arith.constant 64 : index
    %swap3A_401 = tpu.vector_load %arg9[%swap3A_399, %swap3A_400] {strides = array<i32>} : memref<2x128xi32, #tpu.memory_space<vmem>>, vector<16xi32>,
    tpu.vector_store %arg9[%swap3A_399, %swap3A_400], %mul3A_397 {strides = array<i32>} : memref<2x128xi32, #tpu.memory_space<vmem>>, vector<16xi32>,
    %add3A_402 = arith.constant 80 : i32
    %add3A_403 = vector.broadcast %add3A_402 : i32 to vector<16xi32>
    %add3A_404 = arith.addi %iota3A, %add3A_403 : vector<16xi32>
    %gather3A_405 = tpu.vector_load_idx %arg6[%add3A_404, %add3A_346] : memref<128x200xi32, #tpu.memory_space<vmem>>[vector<16xi32>, vector<16xi32>], vector<16xi32>,
    %mul3A_406 = arith.constant 2 : i32
    %mul3A_407 = vector.broadcast %mul3A_406 : i32 to vector<16xi32>
    %mul3A_408 = arith.muli %gather3A_405, %mul3A_407 : vector<16xi32>
    %swap3A_409 = arith.constant 1 : i32
    %swap3A_410 = arith.index_cast %swap3A_409 : i32 to index
    %swap3A_411 = arith.constant 80 : index
    %swap3A_412 = tpu.vector_load %arg9[%swap3A_410, %swap3A_411] {strides = array<i32>} : memref<2x128xi32, #tpu.memory_space<vmem>>, vector<16xi32>,
    tpu.vector_store %arg9[%swap3A_410, %swap3A_411], %mul3A_408 {strides = array<i32>} : memref<2x128xi32, #tpu.memory_space<vmem>>, vector<16xi32>,
    %add3A_413 = arith.constant 96 : i32
    %add3A_414 = vector.broadcast %add3A_413 : i32 to vector<16xi32>
    %add3A_415 = arith.addi %iota3A, %add3A_414 : vector<16xi32>
    %gather3A_416 = tpu.vector_load_idx %arg6[%add3A_415, %add3A_346] : memref<128x200xi32, #tpu.memory_space<vmem>>[vector<16xi32>, vector<16xi32>], vector<16xi32>,
    %mul3A_417 = arith.constant 2 : i32
    %mul3A_418 = vector.broadcast %mul3A_417 : i32 to vector<16xi32>
    %mul3A_419 = arith.muli %gather3A_416, %mul3A_418 : vector<16xi32>
    %swap3A_420 = arith.constant 1 : i32
    %swap3A_421 = arith.index_cast %swap3A_420 : i32 to index
    %swap3A_422 = arith.constant 96 : index
    %swap3A_423 = tpu.vector_load %arg9[%swap3A_421, %swap3A_422] {strides = array<i32>} : memref<2x128xi32, #tpu.memory_space<vmem>>, vector<16xi32>,
    tpu.vector_store %arg9[%swap3A_421, %swap3A_422], %mul3A_419 {strides = array<i32>} : memref<2x128xi32, #tpu.memory_space<vmem>>, vector<16xi32>,
    %add3A_424 = arith.constant 112 : i32
    %add3A_425 = vector.broadcast %add3A_424 : i32 to vector<16xi32>
    %add3A_426 = arith.addi %iota3A, %add3A_425 : vector<16xi32>
    %gather3A_427 = tpu.vector_load_idx %arg6[%add3A_426, %add3A_346] : memref<128x200xi32, #tpu.memory_space<vmem>>[vector<16xi32>, vector<16xi32>], vector<16xi32>,
    %mul3A_428 = arith.constant 2 : i32
    %mul3A_429 = vector.broadcast %mul3A_428 : i32 to vector<16xi32>
    %mul3A_430 = arith.muli %gather3A_427, %mul3A_429 : vector<16xi32>
    %swap3A_431 = arith.constant 1 : i32
    %swap3A_432 = arith.index_cast %swap3A_431 : i32 to index
    %swap3A_433 = arith.constant 112 : index
    %swap3A_434 = tpu.vector_load %arg9[%swap3A_432, %swap3A_433] {strides = array<i32>} : memref<2x128xi32, #tpu.memory_space<vmem>>, vector<16xi32>,
    tpu.vector_store %arg9[%swap3A_432, %swap3A_433], %mul3A_430 {strides = array<i32>} : memref<2x128xi32, #tpu.memory_space<vmem>>, vector<16xi32>,
    %dma_start3A_435 = arith.constant 0 : i32
    %dma_start3A_436 = arith.constant 0 : i32
    %dma_start3A_437 = arith.constant 0 : i32
    %dma_start3A_438 = arith.constant 0 : i32
    %dma_start3A_439 = tpu.memref_slice %arg11[%dma_start3A_436, %dma_start3A_437, %dma_start3A_438] : memref<2x128x64xf32, #tpu.memory_space<vmem>> -> memref<1x128x64xf32, #tpu.memory_space<vmem>>
    %dma_start3A_440 = tpu.memref_squeeze %dma_start3A_439 : memref<1x128x64xf32, #tpu.memory_space<vmem>> -> memref<128x64xf32, #tpu.memory_space<vmem>>
    %dma_start3A_441 = arith.constant 0 : i32
    %dma_start3A_442 = tpu.memref_slice %arg9[%dma_start3A_435, %dma_start3A_441] : memref<2x128xi32, #tpu.memory_space<vmem>> -> memref<1x128xi32, #tpu.memory_space<vmem>>
    %dma_start3A_443 = tpu.memref_squeeze %dma_start3A_442 : memref<1x128xi32, #tpu.memory_space<vmem>> -> memref<128xi32, #tpu.memory_space<vmem>>
    %dma_start3A_444 = arith.constant 0 : i32
    %dma_start3A_445 = arith.constant 0 : i32
    %dma_start3A_446 = tpu.memref_slice %arg3[%dma_start3A_444, %dma_start3A_445] : memref<2000000x64xf32, #tpu.memory_space<hbm>> -> memref<2000000x64xf32, #tpu.memory_space<hbm>>
    tpu.enqueue_indirect_dma source(%dma_start3A_446 : memref<2000000x64xf32, #tpu.memory_space<hbm>>) target(%dma_start3A_440 : memref<128x64xf32, #tpu.memory_space<vmem>>) offsets(%dma_start3A_443 : memref<128xi32, #tpu.memory_space<vmem>>) semaphore(%arg17 : memref<!tpu.dma_semaphore, #tpu.memory_space<semaphore_mem>>)
    %dma_start3A_447 = arith.constant 1 : i32
    %dma_start3A_448 = arith.constant 1 : i32
    %dma_start3A_449 = arith.constant 0 : i32
    %dma_start3A_450 = arith.constant 0 : i32
    %dma_start3A_451 = tpu.memref_slice %arg11[%dma_start3A_448, %dma_start3A_449, %dma_start3A_450] : memref<2x128x64xf32, #tpu.memory_space<vmem>> -> memref<1x128x64xf32, #tpu.memory_space<vmem>>
    %dma_start3A_452 = tpu.memref_squeeze %dma_start3A_451 : memref<1x128x64xf32, #tpu.memory_space<vmem>> -> memref<128x64xf32, #tpu.memory_space<vmem>>
    %dma_start3A_453 = arith.constant 0 : i32
    %dma_start3A_454 = tpu.memref_slice %arg9[%dma_start3A_447, %dma_start3A_453] : memref<2x128xi32, #tpu.memory_space<vmem>> -> memref<1x128xi32, #tpu.memory_space<vmem>>
    %dma_start3A_455 = tpu.memref_squeeze %dma_start3A_454 : memref<1x128xi32, #tpu.memory_space<vmem>> -> memref<128xi32, #tpu.memory_space<vmem>>
    %dma_start3A_456 = arith.constant 0 : i32
    %dma_start3A_457 = arith.constant 0 : i32
    %dma_start3A_458 = tpu.memref_slice %arg3[%dma_start3A_456, %dma_start3A_457] : memref<2000000x64xf32, #tpu.memory_space<hbm>> -> memref<2000000x64xf32, #tpu.memory_space<hbm>>
    tpu.enqueue_indirect_dma source(%dma_start3A_458 : memref<2000000x64xf32, #tpu.memory_space<hbm>>) target(%dma_start3A_452 : memref<128x64xf32, #tpu.memory_space<vmem>>) offsets(%dma_start3A_455 : memref<128xi32, #tpu.memory_space<vmem>>) semaphore(%arg17 : memref<!tpu.dma_semaphore, #tpu.memory_space<semaphore_mem>>)
    %scan3A = arith.constant 0 : i32
    %scan3A_459 = arith.constant 50 : i32
    %scan3A_460 = arith.addi %scan3A, %scan3A_459 : i32
    %scan3A_461 = arith.constant 1 : i32
    scf.for %scan3A_542 = %scan3A to %scan3A_460 step %scan3A_461  : i32 {
      %mul3A_543 = arith.constant 2 : i32
      %mul3A_544 = arith.muli %scan3A_542, %mul3A_543 : i32
      %add3A_545 = arith.constant 0 : i32
      %add3A_546 = arith.addi %mul3A_544, %add3A_545 : i32
      %dma_wait3A_547 = arith.constant 0 : i32
      %dma_wait3A_548 = arith.constant 0 : i32
      %dma_wait3A_549 = arith.constant 0 : i32
      %dma_wait3A_550 = arith.constant 0 : i32
      %dma_wait3A_551 = tpu.memref_slice %arg10[%dma_wait3A_548, %dma_wait3A_549, %dma_wait3A_550] : memref<2x128x64xf32, #tpu.memory_space<vmem>> -> memref<1x128x64xf32, #tpu.memory_space<vmem>>
      %dma_wait3A_552 = tpu.memref_squeeze %dma_wait3A_551 : memref<1x128x64xf32, #tpu.memory_space<vmem>> -> memref<128x64xf32, #tpu.memory_space<vmem>>
      %dma_wait3A_553 = arith.constant 0 : i32
      %dma_wait3A_554 = tpu.memref_slice %arg8[%dma_wait3A_547, %dma_wait3A_553] : memref<2x128xi32, #tpu.memory_space<vmem>> -> memref<1x128xi32, #tpu.memory_space<vmem>>
      %dma_wait3A_555 = tpu.memref_squeeze %dma_wait3A_554 : memref<1x128xi32, #tpu.memory_space<vmem>> -> memref<128xi32, #tpu.memory_space<vmem>>
      %dma_wait3A_556 = arith.constant 0 : i32
      %dma_wait3A_557 = arith.constant 0 : i32
      %dma_wait3A_558 = tpu.memref_slice %arg3[%dma_wait3A_556, %dma_wait3A_557] : memref<2000000x64xf32, #tpu.memory_space<hbm>> -> memref<2000000x64xf32, #tpu.memory_space<hbm>>
      tpu.wait_indirect_dma semaphore(%arg16 : memref<!tpu.dma_semaphore, #tpu.memory_space<semaphore_mem>>) src(%dma_wait3A_558 : memref<2000000x64xf32, #tpu.memory_space<hbm>>) dst(%dma_wait3A_552 : memref<128x64xf32, #tpu.memory_space<vmem>>)
      %dma_wait3A_559 = arith.constant 1 : i32
      %dma_wait3A_560 = arith.constant 1 : i32
      %dma_wait3A_561 = arith.constant 0 : i32
      %dma_wait3A_562 = arith.constant 0 : i32
      %dma_wait3A_563 = tpu.memref_slice %arg10[%dma_wait3A_560, %dma_wait3A_561, %dma_wait3A_562] : memref<2x128x64xf32, #tpu.memory_space<vmem>> -> memref<1x128x64xf32, #tpu.memory_space<vmem>>
      %dma_wait3A_564 = tpu.memref_squeeze %dma_wait3A_563 : memref<1x128x64xf32, #tpu.memory_space<vmem>> -> memref<128x64xf32, #tpu.memory_space<vmem>>
      %dma_wait3A_565 = arith.constant 0 : i32
      %dma_wait3A_566 = tpu.memref_slice %arg8[%dma_wait3A_559, %dma_wait3A_565] : memref<2x128xi32, #tpu.memory_space<vmem>> -> memref<1x128xi32, #tpu.memory_space<vmem>>
      %dma_wait3A_567 = tpu.memref_squeeze %dma_wait3A_566 : memref<1x128xi32, #tpu.memory_space<vmem>> -> memref<128xi32, #tpu.memory_space<vmem>>
      %dma_wait3A_568 = arith.constant 0 : i32
      %dma_wait3A_569 = arith.constant 0 : i32
      %dma_wait3A_570 = tpu.memref_slice %arg3[%dma_wait3A_568, %dma_wait3A_569] : memref<2000000x64xf32, #tpu.memory_space<hbm>> -> memref<2000000x64xf32, #tpu.memory_space<hbm>>
      tpu.wait_indirect_dma semaphore(%arg16 : memref<!tpu.dma_semaphore, #tpu.memory_space<semaphore_mem>>) src(%dma_wait3A_570 : memref<2000000x64xf32, #tpu.memory_space<hbm>>) dst(%dma_wait3A_564 : memref<128x64xf32, #tpu.memory_space<vmem>>)
      %ge3A = arith.constant 2 : i32
      %ge3A_571 = arith.cmpi sge, %add3A_546, %ge3A : i32
      %convert_element_type3A = arith.extui %ge3A_571 : i1 to i32
      %cond3A = arith.constant 0 : i32
      %cond3A_572 = arith.cmpi ne, %convert_element_type3A, %cond3A : i32
      scf.if %cond3A_572 {
        %dma_wait3A_761 = arith.constant 0 : i32
        %dma_wait3A_762 = arith.constant 0 : i32
        %dma_wait3A_763 = arith.constant 0 : i32
        %dma_wait3A_764 = arith.constant 0 : i32
        %dma_wait3A_765 = arith.constant 0 : i32
        %dma_wait3A_766 = tpu.memref_slice %arg12[%dma_wait3A_763, %dma_wait3A_764, %dma_wait3A_765] : memref<8x8x129xf32, #tpu.memory_space<vmem>> -> memref<8x8x128xf32, #tpu.memory_space<vmem>>
        %dma_wait3A_767 = arith.constant 0 : i32
        %dma_wait3A_768 = arith.constant 0 : i32
        %dma_wait3A_769 = arith.constant 0 : i32
        %dma_wait3A_770 = tpu.memref_slice %arg5[%dma_wait3A_761, %dma_wait3A_767, %dma_wait3A_762, %dma_wait3A_768, %dma_wait3A_769] : memref<200x8x32x8x128xf32, #tpu.memory_space<hbm>> -> memref<1x8x1x8x128xf32, #tpu.memory_space<hbm>>
        %dma_wait3A_771 = tpu.memref_squeeze %dma_wait3A_770 : memref<1x8x1x8x128xf32, #tpu.memory_space<hbm>> -> memref<8x8x128xf32, #tpu.memory_space<hbm>>
        %dma_wait3A_772 = arith.constant 0 : i32
        %dma_wait3A_773 = arith.constant 0 : i32
        %dma_wait3A_774 = arith.constant 0 : i32
        %dma_wait3A_775 = tpu.memref_slice %arg5[%dma_wait3A_761, %dma_wait3A_772, %dma_wait3A_762, %dma_wait3A_773, %dma_wait3A_774] : memref<200x8x32x8x128xf32, #tpu.memory_space<hbm>> -> memref<1x8x1x8x128xf32, #tpu.memory_space<hbm>>
        %dma_wait3A_776 = tpu.memref_squeeze %dma_wait3A_775 : memref<1x8x1x8x128xf32, #tpu.memory_space<hbm>> -> memref<8x8x128xf32, #tpu.memory_space<hbm>>
        %dma_wait3A_777 = arith.constant 0 : i32
        %dma_wait3A_778 = arith.constant 0 : i32
        %dma_wait3A_779 = arith.constant 0 : i32
        %dma_wait3A_780 = tpu.memref_slice %arg12[%dma_wait3A_777, %dma_wait3A_778, %dma_wait3A_779] : memref<8x8x129xf32, #tpu.memory_space<vmem>> -> memref<8x8x128xf32, #tpu.memory_space<vmem>>
        tpu.wait_dma2 semaphore(%arg18 : memref<!tpu.dma_semaphore, #tpu.memory_space<semaphore_mem>>) src(%dma_wait3A_780 : memref<8x8x128xf32, #tpu.memory_space<vmem>>) dst(%dma_wait3A_776 : memref<8x8x128xf32, #tpu.memory_space<hbm>>)
        %dma_wait3A_781 = arith.constant 0 : i32
        %dma_wait3A_782 = arith.constant 0 : i32
        %dma_wait3A_783 = arith.constant 0 : i32
        %dma_wait3A_784 = arith.constant 0 : i32
        %dma_wait3A_785 = arith.constant 0 : i32
        %dma_wait3A_786 = tpu.memref_slice %arg13[%dma_wait3A_783, %dma_wait3A_784, %dma_wait3A_785] : memref<8x8x129xf32, #tpu.memory_space<vmem>> -> memref<8x8x128xf32, #tpu.memory_space<vmem>>
        %dma_wait3A_787 = arith.constant 0 : i32
        %dma_wait3A_788 = arith.constant 0 : i32
        %dma_wait3A_789 = arith.constant 0 : i32
        %dma_wait3A_790 = tpu.memref_slice %arg5[%dma_wait3A_781, %dma_wait3A_787, %dma_wait3A_782, %dma_wait3A_788, %dma_wait3A_789] : memref<200x8x32x8x128xf32, #tpu.memory_space<hbm>> -> memref<1x8x1x8x128xf32, #tpu.memory_space<hbm>>
        %dma_wait3A_791 = tpu.memref_squeeze %dma_wait3A_790 : memref<1x8x1x8x128xf32, #tpu.memory_space<hbm>> -> memref<8x8x128xf32, #tpu.memory_space<hbm>>
        %dma_wait3A_792 = arith.constant 0 : i32
        %dma_wait3A_793 = arith.constant 0 : i32
        %dma_wait3A_794 = arith.constant 0 : i32
        %dma_wait3A_795 = tpu.memref_slice %arg5[%dma_wait3A_781, %dma_wait3A_792, %dma_wait3A_782, %dma_wait3A_793, %dma_wait3A_794] : memref<200x8x32x8x128xf32, #tpu.memory_space<hbm>> -> memref<1x8x1x8x128xf32, #tpu.memory_space<hbm>>
        %dma_wait3A_796 = tpu.memref_squeeze %dma_wait3A_795 : memref<1x8x1x8x128xf32, #tpu.memory_space<hbm>> -> memref<8x8x128xf32, #tpu.memory_space<hbm>>
        %dma_wait3A_797 = arith.constant 0 : i32
        %dma_wait3A_798 = arith.constant 0 : i32
        %dma_wait3A_799 = arith.constant 0 : i32
        %dma_wait3A_800 = tpu.memref_slice %arg13[%dma_wait3A_797, %dma_wait3A_798, %dma_wait3A_799] : memref<8x8x129xf32, #tpu.memory_space<vmem>> -> memref<8x8x128xf32, #tpu.memory_space<vmem>>
        tpu.wait_dma2 semaphore(%arg18 : memref<!tpu.dma_semaphore, #tpu.memory_space<semaphore_mem>>) src(%dma_wait3A_800 : memref<8x8x128xf32, #tpu.memory_space<vmem>>) dst(%dma_wait3A_796 : memref<8x8x128xf32, #tpu.memory_space<hbm>>)
      } else {
      }
      %mul3A_573 = arith.constant 2 : i32
      %mul3A_574 = arith.muli %add3A_546, %mul3A_573 : i32
      %add3A_575 = arith.constant 0 : i32
      %add3A_576 = arith.addi %mul3A_574, %add3A_575 : i32
      %get3A = arith.index_cast %add3A_576 : i32 to index
      %get3A_577 = arith.constant 0 : index
      %get3A_578 = tpu.vector_load %arg7[%get3A, %get3A_577] {strides = array<i32>} : memref<200x64xf32, #tpu.memory_space<vmem>>, vector<16xf32>,
      %get3A_579 = arith.index_cast %add3A_576 : i32 to index
      %get3A_580 = arith.constant 16 : index
      %get3A_581 = tpu.vector_load %arg7[%get3A_579, %get3A_580] {strides = array<i32>} : memref<200x64xf32, #tpu.memory_space<vmem>>, vector<16xf32>,
      %get3A_582 = arith.index_cast %add3A_576 : i32 to index
      %get3A_583 = arith.constant 32 : index
      %get3A_584 = tpu.vector_load %arg7[%get3A_582, %get3A_583] {strides = array<i32>} : memref<200x64xf32, #tpu.memory_space<vmem>>, vector<16xf32>,
      %get3A_585 = arith.index_cast %add3A_576 : i32 to index
      %get3A_586 = arith.constant 48 : index
      %get3A_587 = tpu.vector_load %arg7[%get3A_585, %get3A_586] {strides = array<i32>} : memref<200x64xf32, #tpu.memory_space<vmem>>, vector<16xf32>,
      %parallel_loop3A = arith.constant 0 : i32
      %parallel_loop3A_588 = arith.constant 128 : i32
      %parallel_loop3A_589 = arith.constant 1 : i32
      scf.for %parallel_loop3A_761 = %parallel_loop3A to %parallel_loop3A_588 step %parallel_loop3A_589  : i32 {
        %parallel_loop3A_762 = vector.broadcast %parallel_loop3A_761 : i32 to vector<16xi32>
        %parallel_loop3A_763 = arith.addi %broadcast_in_dim3A_3, %parallel_loop3A_762 : vector<16xi32>
        %parallel_loop3A_764 = arith.constant 0 : i32
        %parallel_loop3A_765 = arith.index_cast %parallel_loop3A_764 : i32 to index
        %parallel_loop3A_766 = arith.index_cast %parallel_loop3A_761 : i32 to index
        %parallel_loop3A_767 = arith.constant 0 : index
        %parallel_loop3A_768 = tpu.vector_load %arg10[%parallel_loop3A_765, %parallel_loop3A_766, %parallel_loop3A_767] {strides = array<i32>} : memref<2x128x64xf32, #tpu.memory_space<vmem>>, vector<16xf32>,
        %parallel_loop3A_769 = arith.addf %parallel_loop3A_768, %get3A_578 : vector<16xf32>
        tpu.vector_store_idx %arg12[%shift_right_arithmetic3A_8, %and3A_31, %parallel_loop3A_763], %parallel_loop3A_769 : memref<8x8x129xf32, #tpu.memory_space<vmem>>[vector<16xi32>, vector<16xi32>, vector<16xi32>], vector<16xf32>,
        %parallel_loop3A_770 = arith.constant 0 : i32
        %parallel_loop3A_771 = arith.index_cast %parallel_loop3A_770 : i32 to index
        %parallel_loop3A_772 = arith.index_cast %parallel_loop3A_761 : i32 to index
        %parallel_loop3A_773 = arith.constant 16 : index
        %parallel_loop3A_774 = tpu.vector_load %arg10[%parallel_loop3A_771, %parallel_loop3A_772, %parallel_loop3A_773] {strides = array<i32>} : memref<2x128x64xf32, #tpu.memory_space<vmem>>, vector<16xf32>,
        %parallel_loop3A_775 = arith.addf %parallel_loop3A_774, %get3A_581 : vector<16xf32>
        tpu.vector_store_idx %arg12[%shift_right_arithmetic3A_14, %and3A_37, %parallel_loop3A_763], %parallel_loop3A_775 : memref<8x8x129xf32, #tpu.memory_space<vmem>>[vector<16xi32>, vector<16xi32>, vector<16xi32>], vector<16xf32>,
        %parallel_loop3A_776 = arith.constant 0 : i32
        %parallel_loop3A_777 = arith.index_cast %parallel_loop3A_776 : i32 to index
        %parallel_loop3A_778 = arith.index_cast %parallel_loop3A_761 : i32 to index
        %parallel_loop3A_779 = arith.constant 32 : index
        %parallel_loop3A_780 = tpu.vector_load %arg10[%parallel_loop3A_777, %parallel_loop3A_778, %parallel_loop3A_779] {strides = array<i32>} : memref<2x128x64xf32, #tpu.memory_space<vmem>>, vector<16xf32>,
        %parallel_loop3A_781 = arith.addf %parallel_loop3A_780, %get3A_584 : vector<16xf32>
        tpu.vector_store_idx %arg12[%shift_right_arithmetic3A_20, %and3A_43, %parallel_loop3A_763], %parallel_loop3A_781 : memref<8x8x129xf32, #tpu.memory_space<vmem>>[vector<16xi32>, vector<16xi32>, vector<16xi32>], vector<16xf32>,
        %parallel_loop3A_782 = arith.constant 0 : i32
        %parallel_loop3A_783 = arith.index_cast %parallel_loop3A_782 : i32 to index
        %parallel_loop3A_784 = arith.index_cast %parallel_loop3A_761 : i32 to index
        %parallel_loop3A_785 = arith.constant 48 : index
        %parallel_loop3A_786 = tpu.vector_load %arg10[%parallel_loop3A_783, %parallel_loop3A_784, %parallel_loop3A_785] {strides = array<i32>} : memref<2x128x64xf32, #tpu.memory_space<vmem>>, vector<16xf32>,
        %parallel_loop3A_787 = arith.addf %parallel_loop3A_786, %get3A_587 : vector<16xf32>
        tpu.vector_store_idx %arg12[%shift_right_arithmetic3A_26, %and3A_49, %parallel_loop3A_763], %parallel_loop3A_787 : memref<8x8x129xf32, #tpu.memory_space<vmem>>[vector<16xi32>, vector<16xi32>, vector<16xi32>], vector<16xf32>,
      } {sc.loop_unroll_factor = 8 : i64, sc.parallel_access}
      %dma_start3A_590 = arith.constant 0 : i32
      %dma_start3A_591 = arith.constant 0 : i32
      %dma_start3A_592 = arith.constant 0 : i32
      %dma_start3A_593 = tpu.memref_slice %arg12[%dma_start3A_590, %dma_start3A_591, %dma_start3A_592] : memref<8x8x129xf32, #tpu.memory_space<vmem>> -> memref<8x8x128xf32, #tpu.memory_space<vmem>>
      %dma_start3A_594 = arith.constant 0 : i32
      %dma_start3A_595 = arith.constant 0 : i32
      %dma_start3A_596 = arith.constant 0 : i32
      %dma_start3A_597 = tpu.memref_slice %arg5[%add3A_576, %dma_start3A_594, %add3A, %dma_start3A_595, %dma_start3A_596] : memref<200x8x32x8x128xf32, #tpu.memory_space<hbm>> -> memref<1x8x1x8x128xf32, #tpu.memory_space<hbm>>
      %dma_start3A_598 = tpu.memref_squeeze %dma_start3A_597 : memref<1x8x1x8x128xf32, #tpu.memory_space<hbm>> -> memref<8x8x128xf32, #tpu.memory_space<hbm>>
      %dma_start3A_599 = arith.constant 0 : i32
      %dma_start3A_600 = arith.constant 0 : i32
      %dma_start3A_601 = arith.constant 0 : i32
      %dma_start3A_602 = tpu.memref_slice %arg5[%add3A_576, %dma_start3A_599, %add3A, %dma_start3A_600, %dma_start3A_601] : memref<200x8x32x8x128xf32, #tpu.memory_space<hbm>> -> memref<1x8x1x8x128xf32, #tpu.memory_space<hbm>>
      %dma_start3A_603 = tpu.memref_squeeze %dma_start3A_602 : memref<1x8x1x8x128xf32, #tpu.memory_space<hbm>> -> memref<8x8x128xf32, #tpu.memory_space<hbm>>
      %dma_start3A_604 = arith.constant 0 : i32
      %dma_start3A_605 = arith.constant 0 : i32
      %dma_start3A_606 = arith.constant 0 : i32
      %dma_start3A_607 = tpu.memref_slice %arg12[%dma_start3A_604, %dma_start3A_605, %dma_start3A_606] : memref<8x8x129xf32, #tpu.memory_space<vmem>> -> memref<8x8x128xf32, #tpu.memory_space<vmem>>
      tpu.enqueue_dma source(%dma_start3A_607 : memref<8x8x128xf32, #tpu.memory_space<vmem>>) target(%dma_start3A_603 : memref<8x8x128xf32, #tpu.memory_space<hbm>>) target_semaphore(%arg18 : memref<!tpu.dma_semaphore, #tpu.memory_space<semaphore_mem>>)
      %mul3A_608 = arith.constant 2 : i32
      %mul3A_609 = arith.muli %add3A_546, %mul3A_608 : i32
      %add3A_610 = arith.constant 1 : i32
      %add3A_611 = arith.addi %mul3A_609, %add3A_610 : i32
      %get3A_612 = arith.index_cast %add3A_611 : i32 to index
      %get3A_613 = arith.constant 0 : index
      %get3A_614 = tpu.vector_load %arg7[%get3A_612, %get3A_613] {strides = array<i32>} : memref<200x64xf32, #tpu.memory_space<vmem>>, vector<16xf32>,
      %get3A_615 = arith.index_cast %add3A_611 : i32 to index
      %get3A_616 = arith.constant 16 : index
      %get3A_617 = tpu.vector_load %arg7[%get3A_615, %get3A_616] {strides = array<i32>} : memref<200x64xf32, #tpu.memory_space<vmem>>, vector<16xf32>,
      %get3A_618 = arith.index_cast %add3A_611 : i32 to index
      %get3A_619 = arith.constant 32 : index
      %get3A_620 = tpu.vector_load %arg7[%get3A_618, %get3A_619] {strides = array<i32>} : memref<200x64xf32, #tpu.memory_space<vmem>>, vector<16xf32>,
      %get3A_621 = arith.index_cast %add3A_611 : i32 to index
      %get3A_622 = arith.constant 48 : index
      %get3A_623 = tpu.vector_load %arg7[%get3A_621, %get3A_622] {strides = array<i32>} : memref<200x64xf32, #tpu.memory_space<vmem>>, vector<16xf32>,
      %parallel_loop3A_624 = arith.constant 0 : i32
      %parallel_loop3A_625 = arith.constant 128 : i32
      %parallel_loop3A_626 = arith.constant 1 : i32
      scf.for %parallel_loop3A_761 = %parallel_loop3A_624 to %parallel_loop3A_625 step %parallel_loop3A_626  : i32 {
        %parallel_loop3A_762 = vector.broadcast %parallel_loop3A_761 : i32 to vector<16xi32>
        %parallel_loop3A_763 = arith.addi %broadcast_in_dim3A_3, %parallel_loop3A_762 : vector<16xi32>
        %parallel_loop3A_764 = arith.constant 1 : i32
        %parallel_loop3A_765 = arith.index_cast %parallel_loop3A_764 : i32 to index
        %parallel_loop3A_766 = arith.index_cast %parallel_loop3A_761 : i32 to index
        %parallel_loop3A_767 = arith.constant 0 : index
        %parallel_loop3A_768 = tpu.vector_load %arg10[%parallel_loop3A_765, %parallel_loop3A_766, %parallel_loop3A_767] {strides = array<i32>} : memref<2x128x64xf32, #tpu.memory_space<vmem>>, vector<16xf32>,
        %parallel_loop3A_769 = arith.addf %parallel_loop3A_768, %get3A_614 : vector<16xf32>
        tpu.vector_store_idx %arg13[%shift_right_arithmetic3A_8, %and3A_31, %parallel_loop3A_763], %parallel_loop3A_769 : memref<8x8x129xf32, #tpu.memory_space<vmem>>[vector<16xi32>, vector<16xi32>, vector<16xi32>], vector<16xf32>,
        %parallel_loop3A_770 = arith.constant 1 : i32
        %parallel_loop3A_771 = arith.index_cast %parallel_loop3A_770 : i32 to index
        %parallel_loop3A_772 = arith.index_cast %parallel_loop3A_761 : i32 to index
        %parallel_loop3A_773 = arith.constant 16 : index
        %parallel_loop3A_774 = tpu.vector_load %arg10[%parallel_loop3A_771, %parallel_loop3A_772, %parallel_loop3A_773] {strides = array<i32>} : memref<2x128x64xf32, #tpu.memory_space<vmem>>, vector<16xf32>,
        %parallel_loop3A_775 = arith.addf %parallel_loop3A_774, %get3A_617 : vector<16xf32>
        tpu.vector_store_idx %arg13[%shift_right_arithmetic3A_14, %and3A_37, %parallel_loop3A_763], %parallel_loop3A_775 : memref<8x8x129xf32, #tpu.memory_space<vmem>>[vector<16xi32>, vector<16xi32>, vector<16xi32>], vector<16xf32>,
        %parallel_loop3A_776 = arith.constant 1 : i32
        %parallel_loop3A_777 = arith.index_cast %parallel_loop3A_776 : i32 to index
        %parallel_loop3A_778 = arith.index_cast %parallel_loop3A_761 : i32 to index
        %parallel_loop3A_779 = arith.constant 32 : index
        %parallel_loop3A_780 = tpu.vector_load %arg10[%parallel_loop3A_777, %parallel_loop3A_778, %parallel_loop3A_779] {strides = array<i32>} : memref<2x128x64xf32, #tpu.memory_space<vmem>>, vector<16xf32>,
        %parallel_loop3A_781 = arith.addf %parallel_loop3A_780, %get3A_620 : vector<16xf32>
        tpu.vector_store_idx %arg13[%shift_right_arithmetic3A_20, %and3A_43, %parallel_loop3A_763], %parallel_loop3A_781 : memref<8x8x129xf32, #tpu.memory_space<vmem>>[vector<16xi32>, vector<16xi32>, vector<16xi32>], vector<16xf32>,
        %parallel_loop3A_782 = arith.constant 1 : i32
        %parallel_loop3A_783 = arith.index_cast %parallel_loop3A_782 : i32 to index
        %parallel_loop3A_784 = arith.index_cast %parallel_loop3A_761 : i32 to index
        %parallel_loop3A_785 = arith.constant 48 : index
        %parallel_loop3A_786 = tpu.vector_load %arg10[%parallel_loop3A_783, %parallel_loop3A_784, %parallel_loop3A_785] {strides = array<i32>} : memref<2x128x64xf32, #tpu.memory_space<vmem>>, vector<16xf32>,
        %parallel_loop3A_787 = arith.addf %parallel_loop3A_786, %get3A_623 : vector<16xf32>
        tpu.vector_store_idx %arg13[%shift_right_arithmetic3A_26, %and3A_49, %parallel_loop3A_763], %parallel_loop3A_787 : memref<8x8x129xf32, #tpu.memory_space<vmem>>[vector<16xi32>, vector<16xi32>, vector<16xi32>], vector<16xf32>,
      } {sc.loop_unroll_factor = 8 : i64, sc.parallel_access}
      %dma_start3A_627 = arith.constant 0 : i32
      %dma_start3A_628 = arith.constant 0 : i32
      %dma_start3A_629 = arith.constant 0 : i32
      %dma_start3A_630 = tpu.memref_slice %arg13[%dma_start3A_627, %dma_start3A_628, %dma_start3A_629] : memref<8x8x129xf32, #tpu.memory_space<vmem>> -> memref<8x8x128xf32, #tpu.memory_space<vmem>>
      %dma_start3A_631 = arith.constant 0 : i32
      %dma_start3A_632 = arith.constant 0 : i32
      %dma_start3A_633 = arith.constant 0 : i32
      %dma_start3A_634 = tpu.memref_slice %arg5[%add3A_611, %dma_start3A_631, %add3A, %dma_start3A_632, %dma_start3A_633] : memref<200x8x32x8x128xf32, #tpu.memory_space<hbm>> -> memref<1x8x1x8x128xf32, #tpu.memory_space<hbm>>
      %dma_start3A_635 = tpu.memref_squeeze %dma_start3A_634 : memref<1x8x1x8x128xf32, #tpu.memory_space<hbm>> -> memref<8x8x128xf32, #tpu.memory_space<hbm>>
      %dma_start3A_636 = arith.constant 0 : i32
      %dma_start3A_637 = arith.constant 0 : i32
      %dma_start3A_638 = arith.constant 0 : i32
      %dma_start3A_639 = tpu.memref_slice %arg5[%add3A_611, %dma_start3A_636, %add3A, %dma_start3A_637, %dma_start3A_638] : memref<200x8x32x8x128xf32, #tpu.memory_space<hbm>> -> memref<1x8x1x8x128xf32, #tpu.memory_space<hbm>>
      %dma_start3A_640 = tpu.memref_squeeze %dma_start3A_639 : memref<1x8x1x8x128xf32, #tpu.memory_space<hbm>> -> memref<8x8x128xf32, #tpu.memory_space<hbm>>
      %dma_start3A_641 = arith.constant 0 : i32
      %dma_start3A_642 = arith.constant 0 : i32
      %dma_start3A_643 = arith.constant 0 : i32
      %dma_start3A_644 = tpu.memref_slice %arg13[%dma_start3A_641, %dma_start3A_642, %dma_start3A_643] : memref<8x8x129xf32, #tpu.memory_space<vmem>> -> memref<8x8x128xf32, #tpu.memory_space<vmem>>
      tpu.enqueue_dma source(%dma_start3A_644 : memref<8x8x128xf32, #tpu.memory_space<vmem>>) target(%dma_start3A_640 : memref<8x8x128xf32, #tpu.memory_space<hbm>>) target_semaphore(%arg18 : memref<!tpu.dma_semaphore, #tpu.memory_space<semaphore_mem>>)
      %lt3A = arith.constant 49 : i32
      %lt3A_645 = arith.cmpi slt, %scan3A_542, %lt3A : i32
      %convert_element_type3A_646 = arith.extui %lt3A_645 : i1 to i32
      %cond3A_647 = arith.constant 0 : i32
      %cond3A_648 = arith.cmpi ne, %convert_element_type3A_646, %cond3A_647 : i32
      scf.if %cond3A_648 {
        %add3A_761 = arith.constant 2 : i32
        %add3A_762 = arith.addi %add3A_546, %add3A_761 : i32
        %mul3A_763 = arith.constant 2 : i32
        %mul3A_764 = arith.muli %add3A_762, %mul3A_763 : i32
        %add3A_765 = arith.constant 0 : i32
        %add3A_766 = arith.addi %mul3A_764, %add3A_765 : i32
        %add3A_767 = vector.broadcast %add3A_766 : i32 to vector<16xi32>
        %add3A_768 = arith.addi %broadcast_in_dim3A_3, %add3A_767 : vector<16xi32>
        %add3A_769 = arith.constant 0 : i32
        %add3A_770 = vector.broadcast %add3A_769 : i32 to vector<16xi32>
        %add3A_771 = arith.addi %iota3A, %add3A_770 : vector<16xi32>
        %gather3A_772 = tpu.vector_load_idx %arg6[%add3A_771, %add3A_768] : memref<128x200xi32, #tpu.memory_space<vmem>>[vector<16xi32>, vector<16xi32>], vector<16xi32>,
        %mul3A_773 = arith.constant 2 : i32
        %mul3A_774 = vector.broadcast %mul3A_773 : i32 to vector<16xi32>
        %mul3A_775 = arith.muli %gather3A_772, %mul3A_774 : vector<16xi32>
        %swap3A_776 = arith.constant 0 : i32
        %swap3A_777 = arith.index_cast %swap3A_776 : i32 to index
        %swap3A_778 = arith.constant 0 : index
        %swap3A_779 = tpu.vector_load %arg8[%swap3A_777, %swap3A_778] {strides = array<i32>} : memref<2x128xi32, #tpu.memory_space<vmem>>, vector<16xi32>,
        tpu.vector_store %arg8[%swap3A_777, %swap3A_778], %mul3A_775 {strides = array<i32>} : memref<2x128xi32, #tpu.memory_space<vmem>>, vector<16xi32>,
        %add3A_780 = arith.constant 16 : i32
        %add3A_781 = vector.broadcast %add3A_780 : i32 to vector<16xi32>
        %add3A_782 = arith.addi %iota3A, %add3A_781 : vector<16xi32>
        %gather3A_783 = tpu.vector_load_idx %arg6[%add3A_782, %add3A_768] : memref<128x200xi32, #tpu.memory_space<vmem>>[vector<16xi32>, vector<16xi32>], vector<16xi32>,
        %mul3A_784 = arith.constant 2 : i32
        %mul3A_785 = vector.broadcast %mul3A_784 : i32 to vector<16xi32>
        %mul3A_786 = arith.muli %gather3A_783, %mul3A_785 : vector<16xi32>
        %swap3A_787 = arith.constant 0 : i32
        %swap3A_788 = arith.index_cast %swap3A_787 : i32 to index
        %swap3A_789 = arith.constant 16 : index
        %swap3A_790 = tpu.vector_load %arg8[%swap3A_788, %swap3A_789] {strides = array<i32>} : memref<2x128xi32, #tpu.memory_space<vmem>>, vector<16xi32>,
        tpu.vector_store %arg8[%swap3A_788, %swap3A_789], %mul3A_786 {strides = array<i32>} : memref<2x128xi32, #tpu.memory_space<vmem>>, vector<16xi32>,
        %add3A_791 = arith.constant 32 : i32
        %add3A_792 = vector.broadcast %add3A_791 : i32 to vector<16xi32>
        %add3A_793 = arith.addi %iota3A, %add3A_792 : vector<16xi32>
        %gather3A_794 = tpu.vector_load_idx %arg6[%add3A_793, %add3A_768] : memref<128x200xi32, #tpu.memory_space<vmem>>[vector<16xi32>, vector<16xi32>], vector<16xi32>,
        %mul3A_795 = arith.constant 2 : i32
        %mul3A_796 = vector.broadcast %mul3A_795 : i32 to vector<16xi32>
        %mul3A_797 = arith.muli %gather3A_794, %mul3A_796 : vector<16xi32>
        %swap3A_798 = arith.constant 0 : i32
        %swap3A_799 = arith.index_cast %swap3A_798 : i32 to index
        %swap3A_800 = arith.constant 32 : index
        %swap3A_801 = tpu.vector_load %arg8[%swap3A_799, %swap3A_800] {strides = array<i32>} : memref<2x128xi32, #tpu.memory_space<vmem>>, vector<16xi32>,
        tpu.vector_store %arg8[%swap3A_799, %swap3A_800], %mul3A_797 {strides = array<i32>} : memref<2x128xi32, #tpu.memory_space<vmem>>, vector<16xi32>,
        %add3A_802 = arith.constant 48 : i32
        %add3A_803 = vector.broadcast %add3A_802 : i32 to vector<16xi32>
        %add3A_804 = arith.addi %iota3A, %add3A_803 : vector<16xi32>
        %gather3A_805 = tpu.vector_load_idx %arg6[%add3A_804, %add3A_768] : memref<128x200xi32, #tpu.memory_space<vmem>>[vector<16xi32>, vector<16xi32>], vector<16xi32>,
        %mul3A_806 = arith.constant 2 : i32
        %mul3A_807 = vector.broadcast %mul3A_806 : i32 to vector<16xi32>
        %mul3A_808 = arith.muli %gather3A_805, %mul3A_807 : vector<16xi32>
        %swap3A_809 = arith.constant 0 : i32
        %swap3A_810 = arith.index_cast %swap3A_809 : i32 to index
        %swap3A_811 = arith.constant 48 : index
        %swap3A_812 = tpu.vector_load %arg8[%swap3A_810, %swap3A_811] {strides = array<i32>} : memref<2x128xi32, #tpu.memory_space<vmem>>, vector<16xi32>,
        tpu.vector_store %arg8[%swap3A_810, %swap3A_811], %mul3A_808 {strides = array<i32>} : memref<2x128xi32, #tpu.memory_space<vmem>>, vector<16xi32>,
        %add3A_813 = arith.constant 64 : i32
        %add3A_814 = vector.broadcast %add3A_813 : i32 to vector<16xi32>
        %add3A_815 = arith.addi %iota3A, %add3A_814 : vector<16xi32>
        %gather3A_816 = tpu.vector_load_idx %arg6[%add3A_815, %add3A_768] : memref<128x200xi32, #tpu.memory_space<vmem>>[vector<16xi32>, vector<16xi32>], vector<16xi32>,
        %mul3A_817 = arith.constant 2 : i32
        %mul3A_818 = vector.broadcast %mul3A_817 : i32 to vector<16xi32>
        %mul3A_819 = arith.muli %gather3A_816, %mul3A_818 : vector<16xi32>
        %swap3A_820 = arith.constant 0 : i32
        %swap3A_821 = arith.index_cast %swap3A_820 : i32 to index
        %swap3A_822 = arith.constant 64 : index
        %swap3A_823 = tpu.vector_load %arg8[%swap3A_821, %swap3A_822] {strides = array<i32>} : memref<2x128xi32, #tpu.memory_space<vmem>>, vector<16xi32>,
        tpu.vector_store %arg8[%swap3A_821, %swap3A_822], %mul3A_819 {strides = array<i32>} : memref<2x128xi32, #tpu.memory_space<vmem>>, vector<16xi32>,
        %add3A_824 = arith.constant 80 : i32
        %add3A_825 = vector.broadcast %add3A_824 : i32 to vector<16xi32>
        %add3A_826 = arith.addi %iota3A, %add3A_825 : vector<16xi32>
        %gather3A_827 = tpu.vector_load_idx %arg6[%add3A_826, %add3A_768] : memref<128x200xi32, #tpu.memory_space<vmem>>[vector<16xi32>, vector<16xi32>], vector<16xi32>,
        %mul3A_828 = arith.constant 2 : i32
        %mul3A_829 = vector.broadcast %mul3A_828 : i32 to vector<16xi32>
        %mul3A_830 = arith.muli %gather3A_827, %mul3A_829 : vector<16xi32>
        %swap3A_831 = arith.constant 0 : i32
        %swap3A_832 = arith.index_cast %swap3A_831 : i32 to index
        %swap3A_833 = arith.constant 80 : index
        %swap3A_834 = tpu.vector_load %arg8[%swap3A_832, %swap3A_833] {strides = array<i32>} : memref<2x128xi32, #tpu.memory_space<vmem>>, vector<16xi32>,
        tpu.vector_store %arg8[%swap3A_832, %swap3A_833], %mul3A_830 {strides = array<i32>} : memref<2x128xi32, #tpu.memory_space<vmem>>, vector<16xi32>,
        %add3A_835 = arith.constant 96 : i32
        %add3A_836 = vector.broadcast %add3A_835 : i32 to vector<16xi32>
        %add3A_837 = arith.addi %iota3A, %add3A_836 : vector<16xi32>
        %gather3A_838 = tpu.vector_load_idx %arg6[%add3A_837, %add3A_768] : memref<128x200xi32, #tpu.memory_space<vmem>>[vector<16xi32>, vector<16xi32>], vector<16xi32>,
        %mul3A_839 = arith.constant 2 : i32
        %mul3A_840 = vector.broadcast %mul3A_839 : i32 to vector<16xi32>
        %mul3A_841 = arith.muli %gather3A_838, %mul3A_840 : vector<16xi32>
        %swap3A_842 = arith.constant 0 : i32
        %swap3A_843 = arith.index_cast %swap3A_842 : i32 to index
        %swap3A_844 = arith.constant 96 : index
        %swap3A_845 = tpu.vector_load %arg8[%swap3A_843, %swap3A_844] {strides = array<i32>} : memref<2x128xi32, #tpu.memory_space<vmem>>, vector<16xi32>,
        tpu.vector_store %arg8[%swap3A_843, %swap3A_844], %mul3A_841 {strides = array<i32>} : memref<2x128xi32, #tpu.memory_space<vmem>>, vector<16xi32>,
        %add3A_846 = arith.constant 112 : i32
        %add3A_847 = vector.broadcast %add3A_846 : i32 to vector<16xi32>
        %add3A_848 = arith.addi %iota3A, %add3A_847 : vector<16xi32>
        %gather3A_849 = tpu.vector_load_idx %arg6[%add3A_848, %add3A_768] : memref<128x200xi32, #tpu.memory_space<vmem>>[vector<16xi32>, vector<16xi32>], vector<16xi32>,
        %mul3A_850 = arith.constant 2 : i32
        %mul3A_851 = vector.broadcast %mul3A_850 : i32 to vector<16xi32>
        %mul3A_852 = arith.muli %gather3A_849, %mul3A_851 : vector<16xi32>
        %swap3A_853 = arith.constant 0 : i32
        %swap3A_854 = arith.index_cast %swap3A_853 : i32 to index
        %swap3A_855 = arith.constant 112 : index
        %swap3A_856 = tpu.vector_load %arg8[%swap3A_854, %swap3A_855] {strides = array<i32>} : memref<2x128xi32, #tpu.memory_space<vmem>>, vector<16xi32>,
        tpu.vector_store %arg8[%swap3A_854, %swap3A_855], %mul3A_852 {strides = array<i32>} : memref<2x128xi32, #tpu.memory_space<vmem>>, vector<16xi32>,
        %mul3A_857 = arith.constant 2 : i32
        %mul3A_858 = arith.muli %add3A_762, %mul3A_857 : i32
        %add3A_859 = arith.constant 1 : i32
        %add3A_860 = arith.addi %mul3A_858, %add3A_859 : i32
        %add3A_861 = vector.broadcast %add3A_860 : i32 to vector<16xi32>
        %add3A_862 = arith.addi %broadcast_in_dim3A_3, %add3A_861 : vector<16xi32>
        %add3A_863 = arith.constant 0 : i32
        %add3A_864 = vector.broadcast %add3A_863 : i32 to vector<16xi32>
        %add3A_865 = arith.addi %iota3A, %add3A_864 : vector<16xi32>
        %gather3A_866 = tpu.vector_load_idx %arg6[%add3A_865, %add3A_862] : memref<128x200xi32, #tpu.memory_space<vmem>>[vector<16xi32>, vector<16xi32>], vector<16xi32>,
        %mul3A_867 = arith.constant 2 : i32
        %mul3A_868 = vector.broadcast %mul3A_867 : i32 to vector<16xi32>
        %mul3A_869 = arith.muli %gather3A_866, %mul3A_868 : vector<16xi32>
        %swap3A_870 = arith.constant 1 : i32
        %swap3A_871 = arith.index_cast %swap3A_870 : i32 to index
        %swap3A_872 = arith.constant 0 : index
        %swap3A_873 = tpu.vector_load %arg8[%swap3A_871, %swap3A_872] {strides = array<i32>} : memref<2x128xi32, #tpu.memory_space<vmem>>, vector<16xi32>,
        tpu.vector_store %arg8[%swap3A_871, %swap3A_872], %mul3A_869 {strides = array<i32>} : memref<2x128xi32, #tpu.memory_space<vmem>>, vector<16xi32>,
        %add3A_874 = arith.constant 16 : i32
        %add3A_875 = vector.broadcast %add3A_874 : i32 to vector<16xi32>
        %add3A_876 = arith.addi %iota3A, %add3A_875 : vector<16xi32>
        %gather3A_877 = tpu.vector_load_idx %arg6[%add3A_876, %add3A_862] : memref<128x200xi32, #tpu.memory_space<vmem>>[vector<16xi32>, vector<16xi32>], vector<16xi32>,
        %mul3A_878 = arith.constant 2 : i32
        %mul3A_879 = vector.broadcast %mul3A_878 : i32 to vector<16xi32>
        %mul3A_880 = arith.muli %gather3A_877, %mul3A_879 : vector<16xi32>
        %swap3A_881 = arith.constant 1 : i32
        %swap3A_882 = arith.index_cast %swap3A_881 : i32 to index
        %swap3A_883 = arith.constant 16 : index
        %swap3A_884 = tpu.vector_load %arg8[%swap3A_882, %swap3A_883] {strides = array<i32>} : memref<2x128xi32, #tpu.memory_space<vmem>>, vector<16xi32>,
        tpu.vector_store %arg8[%swap3A_882, %swap3A_883], %mul3A_880 {strides = array<i32>} : memref<2x128xi32, #tpu.memory_space<vmem>>, vector<16xi32>,
        %add3A_885 = arith.constant 32 : i32
        %add3A_886 = vector.broadcast %add3A_885 : i32 to vector<16xi32>
        %add3A_887 = arith.addi %iota3A, %add3A_886 : vector<16xi32>
        %gather3A_888 = tpu.vector_load_idx %arg6[%add3A_887, %add3A_862] : memref<128x200xi32, #tpu.memory_space<vmem>>[vector<16xi32>, vector<16xi32>], vector<16xi32>,
        %mul3A_889 = arith.constant 2 : i32
        %mul3A_890 = vector.broadcast %mul3A_889 : i32 to vector<16xi32>
        %mul3A_891 = arith.muli %gather3A_888, %mul3A_890 : vector<16xi32>
        %swap3A_892 = arith.constant 1 : i32
        %swap3A_893 = arith.index_cast %swap3A_892 : i32 to index
        %swap3A_894 = arith.constant 32 : index
        %swap3A_895 = tpu.vector_load %arg8[%swap3A_893, %swap3A_894] {strides = array<i32>} : memref<2x128xi32, #tpu.memory_space<vmem>>, vector<16xi32>,
        tpu.vector_store %arg8[%swap3A_893, %swap3A_894], %mul3A_891 {strides = array<i32>} : memref<2x128xi32, #tpu.memory_space<vmem>>, vector<16xi32>,
        %add3A_896 = arith.constant 48 : i32
        %add3A_897 = vector.broadcast %add3A_896 : i32 to vector<16xi32>
        %add3A_898 = arith.addi %iota3A, %add3A_897 : vector<16xi32>
        %gather3A_899 = tpu.vector_load_idx %arg6[%add3A_898, %add3A_862] : memref<128x200xi32, #tpu.memory_space<vmem>>[vector<16xi32>, vector<16xi32>], vector<16xi32>,
        %mul3A_900 = arith.constant 2 : i32
        %mul3A_901 = vector.broadcast %mul3A_900 : i32 to vector<16xi32>
        %mul3A_902 = arith.muli %gather3A_899, %mul3A_901 : vector<16xi32>
        %swap3A_903 = arith.constant 1 : i32
        %swap3A_904 = arith.index_cast %swap3A_903 : i32 to index
        %swap3A_905 = arith.constant 48 : index
        %swap3A_906 = tpu.vector_load %arg8[%swap3A_904, %swap3A_905] {strides = array<i32>} : memref<2x128xi32, #tpu.memory_space<vmem>>, vector<16xi32>,
        tpu.vector_store %arg8[%swap3A_904, %swap3A_905], %mul3A_902 {strides = array<i32>} : memref<2x128xi32, #tpu.memory_space<vmem>>, vector<16xi32>,
        %add3A_907 = arith.constant 64 : i32
        %add3A_908 = vector.broadcast %add3A_907 : i32 to vector<16xi32>
        %add3A_909 = arith.addi %iota3A, %add3A_908 : vector<16xi32>
        %gather3A_910 = tpu.vector_load_idx %arg6[%add3A_909, %add3A_862] : memref<128x200xi32, #tpu.memory_space<vmem>>[vector<16xi32>, vector<16xi32>], vector<16xi32>,
        %mul3A_911 = arith.constant 2 : i32
        %mul3A_912 = vector.broadcast %mul3A_911 : i32 to vector<16xi32>
        %mul3A_913 = arith.muli %gather3A_910, %mul3A_912 : vector<16xi32>
        %swap3A_914 = arith.constant 1 : i32
        %swap3A_915 = arith.index_cast %swap3A_914 : i32 to index
        %swap3A_916 = arith.constant 64 : index
        %swap3A_917 = tpu.vector_load %arg8[%swap3A_915, %swap3A_916] {strides = array<i32>} : memref<2x128xi32, #tpu.memory_space<vmem>>, vector<16xi32>,
        tpu.vector_store %arg8[%swap3A_915, %swap3A_916], %mul3A_913 {strides = array<i32>} : memref<2x128xi32, #tpu.memory_space<vmem>>, vector<16xi32>,
        %add3A_918 = arith.constant 80 : i32
        %add3A_919 = vector.broadcast %add3A_918 : i32 to vector<16xi32>
        %add3A_920 = arith.addi %iota3A, %add3A_919 : vector<16xi32>
        %gather3A_921 = tpu.vector_load_idx %arg6[%add3A_920, %add3A_862] : memref<128x200xi32, #tpu.memory_space<vmem>>[vector<16xi32>, vector<16xi32>], vector<16xi32>,
        %mul3A_922 = arith.constant 2 : i32
        %mul3A_923 = vector.broadcast %mul3A_922 : i32 to vector<16xi32>
        %mul3A_924 = arith.muli %gather3A_921, %mul3A_923 : vector<16xi32>
        %swap3A_925 = arith.constant 1 : i32
        %swap3A_926 = arith.index_cast %swap3A_925 : i32 to index
        %swap3A_927 = arith.constant 80 : index
        %swap3A_928 = tpu.vector_load %arg8[%swap3A_926, %swap3A_927] {strides = array<i32>} : memref<2x128xi32, #tpu.memory_space<vmem>>, vector<16xi32>,
        tpu.vector_store %arg8[%swap3A_926, %swap3A_927], %mul3A_924 {strides = array<i32>} : memref<2x128xi32, #tpu.memory_space<vmem>>, vector<16xi32>,
        %add3A_929 = arith.constant 96 : i32
        %add3A_930 = vector.broadcast %add3A_929 : i32 to vector<16xi32>
        %add3A_931 = arith.addi %iota3A, %add3A_930 : vector<16xi32>
        %gather3A_932 = tpu.vector_load_idx %arg6[%add3A_931, %add3A_862] : memref<128x200xi32, #tpu.memory_space<vmem>>[vector<16xi32>, vector<16xi32>], vector<16xi32>,
        %mul3A_933 = arith.constant 2 : i32
        %mul3A_934 = vector.broadcast %mul3A_933 : i32 to vector<16xi32>
        %mul3A_935 = arith.muli %gather3A_932, %mul3A_934 : vector<16xi32>
        %swap3A_936 = arith.constant 1 : i32
        %swap3A_937 = arith.index_cast %swap3A_936 : i32 to index
        %swap3A_938 = arith.constant 96 : index
        %swap3A_939 = tpu.vector_load %arg8[%swap3A_937, %swap3A_938] {strides = array<i32>} : memref<2x128xi32, #tpu.memory_space<vmem>>, vector<16xi32>,
        tpu.vector_store %arg8[%swap3A_937, %swap3A_938], %mul3A_935 {strides = array<i32>} : memref<2x128xi32, #tpu.memory_space<vmem>>, vector<16xi32>,
        %add3A_940 = arith.constant 112 : i32
        %add3A_941 = vector.broadcast %add3A_940 : i32 to vector<16xi32>
        %add3A_942 = arith.addi %iota3A, %add3A_941 : vector<16xi32>
        %gather3A_943 = tpu.vector_load_idx %arg6[%add3A_942, %add3A_862] : memref<128x200xi32, #tpu.memory_space<vmem>>[vector<16xi32>, vector<16xi32>], vector<16xi32>,
        %mul3A_944 = arith.constant 2 : i32
        %mul3A_945 = vector.broadcast %mul3A_944 : i32 to vector<16xi32>
        %mul3A_946 = arith.muli %gather3A_943, %mul3A_945 : vector<16xi32>
        %swap3A_947 = arith.constant 1 : i32
        %swap3A_948 = arith.index_cast %swap3A_947 : i32 to index
        %swap3A_949 = arith.constant 112 : index
        %swap3A_950 = tpu.vector_load %arg8[%swap3A_948, %swap3A_949] {strides = array<i32>} : memref<2x128xi32, #tpu.memory_space<vmem>>, vector<16xi32>,
        tpu.vector_store %arg8[%swap3A_948, %swap3A_949], %mul3A_946 {strides = array<i32>} : memref<2x128xi32, #tpu.memory_space<vmem>>, vector<16xi32>,
        %dma_start3A_951 = arith.constant 0 : i32
        %dma_start3A_952 = arith.constant 0 : i32
        %dma_start3A_953 = arith.constant 0 : i32
        %dma_start3A_954 = arith.constant 0 : i32
        %dma_start3A_955 = tpu.memref_slice %arg10[%dma_start3A_952, %dma_start3A_953, %dma_start3A_954] : memref<2x128x64xf32, #tpu.memory_space<vmem>> -> memref<1x128x64xf32, #tpu.memory_space<vmem>>
        %dma_start3A_956 = tpu.memref_squeeze %dma_start3A_955 : memref<1x128x64xf32, #tpu.memory_space<vmem>> -> memref<128x64xf32, #tpu.memory_space<vmem>>
        %dma_start3A_957 = arith.constant 0 : i32
        %dma_start3A_958 = tpu.memref_slice %arg8[%dma_start3A_951, %dma_start3A_957] : memref<2x128xi32, #tpu.memory_space<vmem>> -> memref<1x128xi32, #tpu.memory_space<vmem>>
        %dma_start3A_959 = tpu.memref_squeeze %dma_start3A_958 : memref<1x128xi32, #tpu.memory_space<vmem>> -> memref<128xi32, #tpu.memory_space<vmem>>
        %dma_start3A_960 = arith.constant 0 : i32
        %dma_start3A_961 = arith.constant 0 : i32
        %dma_start3A_962 = tpu.memref_slice %arg3[%dma_start3A_960, %dma_start3A_961] : memref<2000000x64xf32, #tpu.memory_space<hbm>> -> memref<2000000x64xf32, #tpu.memory_space<hbm>>
        tpu.enqueue_indirect_dma source(%dma_start3A_962 : memref<2000000x64xf32, #tpu.memory_space<hbm>>) target(%dma_start3A_956 : memref<128x64xf32, #tpu.memory_space<vmem>>) offsets(%dma_start3A_959 : memref<128xi32, #tpu.memory_space<vmem>>) semaphore(%arg16 : memref<!tpu.dma_semaphore, #tpu.memory_space<semaphore_mem>>)
        %dma_start3A_963 = arith.constant 1 : i32
        %dma_start3A_964 = arith.constant 1 : i32
        %dma_start3A_965 = arith.constant 0 : i32
        %dma_start3A_966 = arith.constant 0 : i32
        %dma_start3A_967 = tpu.memref_slice %arg10[%dma_start3A_964, %dma_start3A_965, %dma_start3A_966] : memref<2x128x64xf32, #tpu.memory_space<vmem>> -> memref<1x128x64xf32, #tpu.memory_space<vmem>>
        %dma_start3A_968 = tpu.memref_squeeze %dma_start3A_967 : memref<1x128x64xf32, #tpu.memory_space<vmem>> -> memref<128x64xf32, #tpu.memory_space<vmem>>
        %dma_start3A_969 = arith.constant 0 : i32
        %dma_start3A_970 = tpu.memref_slice %arg8[%dma_start3A_963, %dma_start3A_969] : memref<2x128xi32, #tpu.memory_space<vmem>> -> memref<1x128xi32, #tpu.memory_space<vmem>>
        %dma_start3A_971 = tpu.memref_squeeze %dma_start3A_970 : memref<1x128xi32, #tpu.memory_space<vmem>> -> memref<128xi32, #tpu.memory_space<vmem>>
        %dma_start3A_972 = arith.constant 0 : i32
        %dma_start3A_973 = arith.constant 0 : i32
        %dma_start3A_974 = tpu.memref_slice %arg3[%dma_start3A_972, %dma_start3A_973] : memref<2000000x64xf32, #tpu.memory_space<hbm>> -> memref<2000000x64xf32, #tpu.memory_space<hbm>>
        tpu.enqueue_indirect_dma source(%dma_start3A_974 : memref<2000000x64xf32, #tpu.memory_space<hbm>>) target(%dma_start3A_968 : memref<128x64xf32, #tpu.memory_space<vmem>>) offsets(%dma_start3A_971 : memref<128xi32, #tpu.memory_space<vmem>>) semaphore(%arg16 : memref<!tpu.dma_semaphore, #tpu.memory_space<semaphore_mem>>)
      } else {
      }
      %mul3A_649 = arith.constant 2 : i32
      %mul3A_650 = arith.muli %scan3A_542, %mul3A_649 : i32
      %add3A_651 = arith.constant 1 : i32
      %add3A_652 = arith.addi %mul3A_650, %add3A_651 : i32
      %dma_wait3A_653 = arith.constant 0 : i32
      %dma_wait3A_654 = arith.constant 0 : i32
      %dma_wait3A_655 = arith.constant 0 : i32
      %dma_wait3A_656 = arith.constant 0 : i32
      %dma_wait3A_657 = tpu.memref_slice %arg11[%dma_wait3A_654, %dma_wait3A_655, %dma_wait3A_656] : memref<2x128x64xf32, #tpu.memory_space<vmem>> -> memref<1x128x64xf32, #tpu.memory_space<vmem>>
      %dma_wait3A_658 = tpu.memref_squeeze %dma_wait3A_657 : memref<1x128x64xf32, #tpu.memory_space<vmem>> -> memref<128x64xf32, #tpu.memory_space<vmem>>
      %dma_wait3A_659 = arith.constant 0 : i32
      %dma_wait3A_660 = tpu.memref_slice %arg9[%dma_wait3A_653, %dma_wait3A_659] : memref<2x128xi32, #tpu.memory_space<vmem>> -> memref<1x128xi32, #tpu.memory_space<vmem>>
      %dma_wait3A_661 = tpu.memref_squeeze %dma_wait3A_660 : memref<1x128xi32, #tpu.memory_space<vmem>> -> memref<128xi32, #tpu.memory_space<vmem>>
      %dma_wait3A_662 = arith.constant 0 : i32
      %dma_wait3A_663 = arith.constant 0 : i32
      %dma_wait3A_664 = tpu.memref_slice %arg3[%dma_wait3A_662, %dma_wait3A_663] : memref<2000000x64xf32, #tpu.memory_space<hbm>> -> memref<2000000x64xf32, #tpu.memory_space<hbm>>
      tpu.wait_indirect_dma semaphore(%arg17 : memref<!tpu.dma_semaphore, #tpu.memory_space<semaphore_mem>>) src(%dma_wait3A_664 : memref<2000000x64xf32, #tpu.memory_space<hbm>>) dst(%dma_wait3A_658 : memref<128x64xf32, #tpu.memory_space<vmem>>)
      %dma_wait3A_665 = arith.constant 1 : i32
      %dma_wait3A_666 = arith.constant 1 : i32
      %dma_wait3A_667 = arith.constant 0 : i32
      %dma_wait3A_668 = arith.constant 0 : i32
      %dma_wait3A_669 = tpu.memref_slice %arg11[%dma_wait3A_666, %dma_wait3A_667, %dma_wait3A_668] : memref<2x128x64xf32, #tpu.memory_space<vmem>> -> memref<1x128x64xf32, #tpu.memory_space<vmem>>
      %dma_wait3A_670 = tpu.memref_squeeze %dma_wait3A_669 : memref<1x128x64xf32, #tpu.memory_space<vmem>> -> memref<128x64xf32, #tpu.memory_space<vmem>>
      %dma_wait3A_671 = arith.constant 0 : i32
      %dma_wait3A_672 = tpu.memref_slice %arg9[%dma_wait3A_665, %dma_wait3A_671] : memref<2x128xi32, #tpu.memory_space<vmem>> -> memref<1x128xi32, #tpu.memory_space<vmem>>
      %dma_wait3A_673 = tpu.memref_squeeze %dma_wait3A_672 : memref<1x128xi32, #tpu.memory_space<vmem>> -> memref<128xi32, #tpu.memory_space<vmem>>
      %dma_wait3A_674 = arith.constant 0 : i32
      %dma_wait3A_675 = arith.constant 0 : i32
      %dma_wait3A_676 = tpu.memref_slice %arg3[%dma_wait3A_674, %dma_wait3A_675] : memref<2000000x64xf32, #tpu.memory_space<hbm>> -> memref<2000000x64xf32, #tpu.memory_space<hbm>>
      tpu.wait_indirect_dma semaphore(%arg17 : memref<!tpu.dma_semaphore, #tpu.memory_space<semaphore_mem>>) src(%dma_wait3A_676 : memref<2000000x64xf32, #tpu.memory_space<hbm>>) dst(%dma_wait3A_670 : memref<128x64xf32, #tpu.memory_space<vmem>>)
      %ge3A_677 = arith.constant 2 : i32
      %ge3A_678 = arith.cmpi sge, %add3A_652, %ge3A_677 : i32
      %convert_element_type3A_679 = arith.extui %ge3A_678 : i1 to i32
      %cond3A_680 = arith.constant 0 : i32
      %cond3A_681 = arith.cmpi ne, %convert_element_type3A_679, %cond3A_680 : i32
      scf.if %cond3A_681 {
        %dma_wait3A_761 = arith.constant 0 : i32
        %dma_wait3A_762 = arith.constant 0 : i32
        %dma_wait3A_763 = arith.constant 0 : i32
        %dma_wait3A_764 = arith.constant 0 : i32
        %dma_wait3A_765 = arith.constant 0 : i32
        %dma_wait3A_766 = tpu.memref_slice %arg14[%dma_wait3A_763, %dma_wait3A_764, %dma_wait3A_765] : memref<8x8x129xf32, #tpu.memory_space<vmem>> -> memref<8x8x128xf32, #tpu.memory_space<vmem>>
        %dma_wait3A_767 = arith.constant 0 : i32
        %dma_wait3A_768 = arith.constant 0 : i32
        %dma_wait3A_769 = arith.constant 0 : i32
        %dma_wait3A_770 = tpu.memref_slice %arg5[%dma_wait3A_761, %dma_wait3A_767, %dma_wait3A_762, %dma_wait3A_768, %dma_wait3A_769] : memref<200x8x32x8x128xf32, #tpu.memory_space<hbm>> -> memref<1x8x1x8x128xf32, #tpu.memory_space<hbm>>
        %dma_wait3A_771 = tpu.memref_squeeze %dma_wait3A_770 : memref<1x8x1x8x128xf32, #tpu.memory_space<hbm>> -> memref<8x8x128xf32, #tpu.memory_space<hbm>>
        %dma_wait3A_772 = arith.constant 0 : i32
        %dma_wait3A_773 = arith.constant 0 : i32
        %dma_wait3A_774 = arith.constant 0 : i32
        %dma_wait3A_775 = tpu.memref_slice %arg5[%dma_wait3A_761, %dma_wait3A_772, %dma_wait3A_762, %dma_wait3A_773, %dma_wait3A_774] : memref<200x8x32x8x128xf32, #tpu.memory_space<hbm>> -> memref<1x8x1x8x128xf32, #tpu.memory_space<hbm>>
        %dma_wait3A_776 = tpu.memref_squeeze %dma_wait3A_775 : memref<1x8x1x8x128xf32, #tpu.memory_space<hbm>> -> memref<8x8x128xf32, #tpu.memory_space<hbm>>
        %dma_wait3A_777 = arith.constant 0 : i32
        %dma_wait3A_778 = arith.constant 0 : i32
        %dma_wait3A_779 = arith.constant 0 : i32
        %dma_wait3A_780 = tpu.memref_slice %arg14[%dma_wait3A_777, %dma_wait3A_778, %dma_wait3A_779] : memref<8x8x129xf32, #tpu.memory_space<vmem>> -> memref<8x8x128xf32, #tpu.memory_space<vmem>>
        tpu.wait_dma2 semaphore(%arg19 : memref<!tpu.dma_semaphore, #tpu.memory_space<semaphore_mem>>) src(%dma_wait3A_780 : memref<8x8x128xf32, #tpu.memory_space<vmem>>) dst(%dma_wait3A_776 : memref<8x8x128xf32, #tpu.memory_space<hbm>>)
        %dma_wait3A_781 = arith.constant 0 : i32
        %dma_wait3A_782 = arith.constant 0 : i32
        %dma_wait3A_783 = arith.constant 0 : i32
        %dma_wait3A_784 = arith.constant 0 : i32
        %dma_wait3A_785 = arith.constant 0 : i32
        %dma_wait3A_786 = tpu.memref_slice %arg15[%dma_wait3A_783, %dma_wait3A_784, %dma_wait3A_785] : memref<8x8x129xf32, #tpu.memory_space<vmem>> -> memref<8x8x128xf32, #tpu.memory_space<vmem>>
        %dma_wait3A_787 = arith.constant 0 : i32
        %dma_wait3A_788 = arith.constant 0 : i32
        %dma_wait3A_789 = arith.constant 0 : i32
        %dma_wait3A_790 = tpu.memref_slice %arg5[%dma_wait3A_781, %dma_wait3A_787, %dma_wait3A_782, %dma_wait3A_788, %dma_wait3A_789] : memref<200x8x32x8x128xf32, #tpu.memory_space<hbm>> -> memref<1x8x1x8x128xf32, #tpu.memory_space<hbm>>
        %dma_wait3A_791 = tpu.memref_squeeze %dma_wait3A_790 : memref<1x8x1x8x128xf32, #tpu.memory_space<hbm>> -> memref<8x8x128xf32, #tpu.memory_space<hbm>>
        %dma_wait3A_792 = arith.constant 0 : i32
        %dma_wait3A_793 = arith.constant 0 : i32
        %dma_wait3A_794 = arith.constant 0 : i32
        %dma_wait3A_795 = tpu.memref_slice %arg5[%dma_wait3A_781, %dma_wait3A_792, %dma_wait3A_782, %dma_wait3A_793, %dma_wait3A_794] : memref<200x8x32x8x128xf32, #tpu.memory_space<hbm>> -> memref<1x8x1x8x128xf32, #tpu.memory_space<hbm>>
        %dma_wait3A_796 = tpu.memref_squeeze %dma_wait3A_795 : memref<1x8x1x8x128xf32, #tpu.memory_space<hbm>> -> memref<8x8x128xf32, #tpu.memory_space<hbm>>
        %dma_wait3A_797 = arith.constant 0 : i32
        %dma_wait3A_798 = arith.constant 0 : i32
        %dma_wait3A_799 = arith.constant 0 : i32
        %dma_wait3A_800 = tpu.memref_slice %arg15[%dma_wait3A_797, %dma_wait3A_798, %dma_wait3A_799] : memref<8x8x129xf32, #tpu.memory_space<vmem>> -> memref<8x8x128xf32, #tpu.memory_space<vmem>>
        tpu.wait_dma2 semaphore(%arg19 : memref<!tpu.dma_semaphore, #tpu.memory_space<semaphore_mem>>) src(%dma_wait3A_800 : memref<8x8x128xf32, #tpu.memory_space<vmem>>) dst(%dma_wait3A_796 : memref<8x8x128xf32, #tpu.memory_space<hbm>>)
      } else {
      }
      %mul3A_682 = arith.constant 2 : i32
      %mul3A_683 = arith.muli %add3A_652, %mul3A_682 : i32
      %add3A_684 = arith.constant 0 : i32
      %add3A_685 = arith.addi %mul3A_683, %add3A_684 : i32
      %get3A_686 = arith.index_cast %add3A_685 : i32 to index
      %get3A_687 = arith.constant 0 : index
      %get3A_688 = tpu.vector_load %arg7[%get3A_686, %get3A_687] {strides = array<i32>} : memref<200x64xf32, #tpu.memory_space<vmem>>, vector<16xf32>,
      %get3A_689 = arith.index_cast %add3A_685 : i32 to index
      %get3A_690 = arith.constant 16 : index
      %get3A_691 = tpu.vector_load %arg7[%get3A_689, %get3A_690] {strides = array<i32>} : memref<200x64xf32, #tpu.memory_space<vmem>>, vector<16xf32>,
      %get3A_692 = arith.index_cast %add3A_685 : i32 to index
      %get3A_693 = arith.constant 32 : index
      %get3A_694 = tpu.vector_load %arg7[%get3A_692, %get3A_693] {strides = array<i32>} : memref<200x64xf32, #tpu.memory_space<vmem>>, vector<16xf32>,
      %get3A_695 = arith.index_cast %add3A_685 : i32 to index
      %get3A_696 = arith.constant 48 : index
      %get3A_697 = tpu.vector_load %arg7[%get3A_695, %get3A_696] {strides = array<i32>} : memref<200x64xf32, #tpu.memory_space<vmem>>, vector<16xf32>,
      %parallel_loop3A_698 = arith.constant 0 : i32
      %parallel_loop3A_699 = arith.constant 128 : i32
      %parallel_loop3A_700 = arith.constant 1 : i32
      scf.for %parallel_loop3A_761 = %parallel_loop3A_698 to %parallel_loop3A_699 step %parallel_loop3A_700  : i32 {
        %parallel_loop3A_762 = vector.broadcast %parallel_loop3A_761 : i32 to vector<16xi32>
        %parallel_loop3A_763 = arith.addi %broadcast_in_dim3A_3, %parallel_loop3A_762 : vector<16xi32>
        %parallel_loop3A_764 = arith.constant 0 : i32
        %parallel_loop3A_765 = arith.index_cast %parallel_loop3A_764 : i32 to index
        %parallel_loop3A_766 = arith.index_cast %parallel_loop3A_761 : i32 to index
        %parallel_loop3A_767 = arith.constant 0 : index
        %parallel_loop3A_768 = tpu.vector_load %arg11[%parallel_loop3A_765, %parallel_loop3A_766, %parallel_loop3A_767] {strides = array<i32>} : memref<2x128x64xf32, #tpu.memory_space<vmem>>, vector<16xf32>,
        %parallel_loop3A_769 = arith.addf %parallel_loop3A_768, %get3A_688 : vector<16xf32>
        tpu.vector_store_idx %arg14[%shift_right_arithmetic3A_8, %and3A_31, %parallel_loop3A_763], %parallel_loop3A_769 : memref<8x8x129xf32, #tpu.memory_space<vmem>>[vector<16xi32>, vector<16xi32>, vector<16xi32>], vector<16xf32>,
        %parallel_loop3A_770 = arith.constant 0 : i32
        %parallel_loop3A_771 = arith.index_cast %parallel_loop3A_770 : i32 to index
        %parallel_loop3A_772 = arith.index_cast %parallel_loop3A_761 : i32 to index
        %parallel_loop3A_773 = arith.constant 16 : index
        %parallel_loop3A_774 = tpu.vector_load %arg11[%parallel_loop3A_771, %parallel_loop3A_772, %parallel_loop3A_773] {strides = array<i32>} : memref<2x128x64xf32, #tpu.memory_space<vmem>>, vector<16xf32>,
        %parallel_loop3A_775 = arith.addf %parallel_loop3A_774, %get3A_691 : vector<16xf32>
        tpu.vector_store_idx %arg14[%shift_right_arithmetic3A_14, %and3A_37, %parallel_loop3A_763], %parallel_loop3A_775 : memref<8x8x129xf32, #tpu.memory_space<vmem>>[vector<16xi32>, vector<16xi32>, vector<16xi32>], vector<16xf32>,
        %parallel_loop3A_776 = arith.constant 0 : i32
        %parallel_loop3A_777 = arith.index_cast %parallel_loop3A_776 : i32 to index
        %parallel_loop3A_778 = arith.index_cast %parallel_loop3A_761 : i32 to index
        %parallel_loop3A_779 = arith.constant 32 : index
        %parallel_loop3A_780 = tpu.vector_load %arg11[%parallel_loop3A_777, %parallel_loop3A_778, %parallel_loop3A_779] {strides = array<i32>} : memref<2x128x64xf32, #tpu.memory_space<vmem>>, vector<16xf32>,
        %parallel_loop3A_781 = arith.addf %parallel_loop3A_780, %get3A_694 : vector<16xf32>
        tpu.vector_store_idx %arg14[%shift_right_arithmetic3A_20, %and3A_43, %parallel_loop3A_763], %parallel_loop3A_781 : memref<8x8x129xf32, #tpu.memory_space<vmem>>[vector<16xi32>, vector<16xi32>, vector<16xi32>], vector<16xf32>,
        %parallel_loop3A_782 = arith.constant 0 : i32
        %parallel_loop3A_783 = arith.index_cast %parallel_loop3A_782 : i32 to index
        %parallel_loop3A_784 = arith.index_cast %parallel_loop3A_761 : i32 to index
        %parallel_loop3A_785 = arith.constant 48 : index
        %parallel_loop3A_786 = tpu.vector_load %arg11[%parallel_loop3A_783, %parallel_loop3A_784, %parallel_loop3A_785] {strides = array<i32>} : memref<2x128x64xf32, #tpu.memory_space<vmem>>, vector<16xf32>,
        %parallel_loop3A_787 = arith.addf %parallel_loop3A_786, %get3A_697 : vector<16xf32>
        tpu.vector_store_idx %arg14[%shift_right_arithmetic3A_26, %and3A_49, %parallel_loop3A_763], %parallel_loop3A_787 : memref<8x8x129xf32, #tpu.memory_space<vmem>>[vector<16xi32>, vector<16xi32>, vector<16xi32>], vector<16xf32>,
      } {sc.loop_unroll_factor = 8 : i64, sc.parallel_access}
      %dma_start3A_701 = arith.constant 0 : i32
      %dma_start3A_702 = arith.constant 0 : i32
      %dma_start3A_703 = arith.constant 0 : i32
      %dma_start3A_704 = tpu.memref_slice %arg14[%dma_start3A_701, %dma_start3A_702, %dma_start3A_703] : memref<8x8x129xf32, #tpu.memory_space<vmem>> -> memref<8x8x128xf32, #tpu.memory_space<vmem>>
      %dma_start3A_705 = arith.constant 0 : i32
      %dma_start3A_706 = arith.constant 0 : i32
      %dma_start3A_707 = arith.constant 0 : i32
      %dma_start3A_708 = tpu.memref_slice %arg5[%add3A_685, %dma_start3A_705, %add3A, %dma_start3A_706, %dma_start3A_707] : memref<200x8x32x8x128xf32, #tpu.memory_space<hbm>> -> memref<1x8x1x8x128xf32, #tpu.memory_space<hbm>>
      %dma_start3A_709 = tpu.memref_squeeze %dma_start3A_708 : memref<1x8x1x8x128xf32, #tpu.memory_space<hbm>> -> memref<8x8x128xf32, #tpu.memory_space<hbm>>
      %dma_start3A_710 = arith.constant 0 : i32
      %dma_start3A_711 = arith.constant 0 : i32
      %dma_start3A_712 = arith.constant 0 : i32
      %dma_start3A_713 = tpu.memref_slice %arg5[%add3A_685, %dma_start3A_710, %add3A, %dma_start3A_711, %dma_start3A_712] : memref<200x8x32x8x128xf32, #tpu.memory_space<hbm>> -> memref<1x8x1x8x128xf32, #tpu.memory_space<hbm>>
      %dma_start3A_714 = tpu.memref_squeeze %dma_start3A_713 : memref<1x8x1x8x128xf32, #tpu.memory_space<hbm>> -> memref<8x8x128xf32, #tpu.memory_space<hbm>>
      %dma_start3A_715 = arith.constant 0 : i32
      %dma_start3A_716 = arith.constant 0 : i32
      %dma_start3A_717 = arith.constant 0 : i32
      %dma_start3A_718 = tpu.memref_slice %arg14[%dma_start3A_715, %dma_start3A_716, %dma_start3A_717] : memref<8x8x129xf32, #tpu.memory_space<vmem>> -> memref<8x8x128xf32, #tpu.memory_space<vmem>>
      tpu.enqueue_dma source(%dma_start3A_718 : memref<8x8x128xf32, #tpu.memory_space<vmem>>) target(%dma_start3A_714 : memref<8x8x128xf32, #tpu.memory_space<hbm>>) target_semaphore(%arg19 : memref<!tpu.dma_semaphore, #tpu.memory_space<semaphore_mem>>)
      %mul3A_719 = arith.constant 2 : i32
      %mul3A_720 = arith.muli %add3A_652, %mul3A_719 : i32
      %add3A_721 = arith.constant 1 : i32
      %add3A_722 = arith.addi %mul3A_720, %add3A_721 : i32
      %get3A_723 = arith.index_cast %add3A_722 : i32 to index
      %get3A_724 = arith.constant 0 : index
      %get3A_725 = tpu.vector_load %arg7[%get3A_723, %get3A_724] {strides = array<i32>} : memref<200x64xf32, #tpu.memory_space<vmem>>, vector<16xf32>,
      %get3A_726 = arith.index_cast %add3A_722 : i32 to index
      %get3A_727 = arith.constant 16 : index
      %get3A_728 = tpu.vector_load %arg7[%get3A_726, %get3A_727] {strides = array<i32>} : memref<200x64xf32, #tpu.memory_space<vmem>>, vector<16xf32>,
      %get3A_729 = arith.index_cast %add3A_722 : i32 to index
      %get3A_730 = arith.constant 32 : index
      %get3A_731 = tpu.vector_load %arg7[%get3A_729, %get3A_730] {strides = array<i32>} : memref<200x64xf32, #tpu.memory_space<vmem>>, vector<16xf32>,
      %get3A_732 = arith.index_cast %add3A_722 : i32 to index
      %get3A_733 = arith.constant 48 : index
      %get3A_734 = tpu.vector_load %arg7[%get3A_732, %get3A_733] {strides = array<i32>} : memref<200x64xf32, #tpu.memory_space<vmem>>, vector<16xf32>,
      %parallel_loop3A_735 = arith.constant 0 : i32
      %parallel_loop3A_736 = arith.constant 128 : i32
      %parallel_loop3A_737 = arith.constant 1 : i32
      scf.for %parallel_loop3A_761 = %parallel_loop3A_735 to %parallel_loop3A_736 step %parallel_loop3A_737  : i32 {
        %parallel_loop3A_762 = vector.broadcast %parallel_loop3A_761 : i32 to vector<16xi32>
        %parallel_loop3A_763 = arith.addi %broadcast_in_dim3A_3, %parallel_loop3A_762 : vector<16xi32>
        %parallel_loop3A_764 = arith.constant 1 : i32
        %parallel_loop3A_765 = arith.index_cast %parallel_loop3A_764 : i32 to index
        %parallel_loop3A_766 = arith.index_cast %parallel_loop3A_761 : i32 to index
        %parallel_loop3A_767 = arith.constant 0 : index
        %parallel_loop3A_768 = tpu.vector_load %arg11[%parallel_loop3A_765, %parallel_loop3A_766, %parallel_loop3A_767] {strides = array<i32>} : memref<2x128x64xf32, #tpu.memory_space<vmem>>, vector<16xf32>,
        %parallel_loop3A_769 = arith.addf %parallel_loop3A_768, %get3A_725 : vector<16xf32>
        tpu.vector_store_idx %arg15[%shift_right_arithmetic3A_8, %and3A_31, %parallel_loop3A_763], %parallel_loop3A_769 : memref<8x8x129xf32, #tpu.memory_space<vmem>>[vector<16xi32>, vector<16xi32>, vector<16xi32>], vector<16xf32>,
        %parallel_loop3A_770 = arith.constant 1 : i32
        %parallel_loop3A_771 = arith.index_cast %parallel_loop3A_770 : i32 to index
        %parallel_loop3A_772 = arith.index_cast %parallel_loop3A_761 : i32 to index
        %parallel_loop3A_773 = arith.constant 16 : index
        %parallel_loop3A_774 = tpu.vector_load %arg11[%parallel_loop3A_771, %parallel_loop3A_772, %parallel_loop3A_773] {strides = array<i32>} : memref<2x128x64xf32, #tpu.memory_space<vmem>>, vector<16xf32>,
        %parallel_loop3A_775 = arith.addf %parallel_loop3A_774, %get3A_728 : vector<16xf32>
        tpu.vector_store_idx %arg15[%shift_right_arithmetic3A_14, %and3A_37, %parallel_loop3A_763], %parallel_loop3A_775 : memref<8x8x129xf32, #tpu.memory_space<vmem>>[vector<16xi32>, vector<16xi32>, vector<16xi32>], vector<16xf32>,
        %parallel_loop3A_776 = arith.constant 1 : i32
        %parallel_loop3A_777 = arith.index_cast %parallel_loop3A_776 : i32 to index
        %parallel_loop3A_778 = arith.index_cast %parallel_loop3A_761 : i32 to index
        %parallel_loop3A_779 = arith.constant 32 : index
        %parallel_loop3A_780 = tpu.vector_load %arg11[%parallel_loop3A_777, %parallel_loop3A_778, %parallel_loop3A_779] {strides = array<i32>} : memref<2x128x64xf32, #tpu.memory_space<vmem>>, vector<16xf32>,
        %parallel_loop3A_781 = arith.addf %parallel_loop3A_780, %get3A_731 : vector<16xf32>
        tpu.vector_store_idx %arg15[%shift_right_arithmetic3A_20, %and3A_43, %parallel_loop3A_763], %parallel_loop3A_781 : memref<8x8x129xf32, #tpu.memory_space<vmem>>[vector<16xi32>, vector<16xi32>, vector<16xi32>], vector<16xf32>,
        %parallel_loop3A_782 = arith.constant 1 : i32
        %parallel_loop3A_783 = arith.index_cast %parallel_loop3A_782 : i32 to index
        %parallel_loop3A_784 = arith.index_cast %parallel_loop3A_761 : i32 to index
        %parallel_loop3A_785 = arith.constant 48 : index
        %parallel_loop3A_786 = tpu.vector_load %arg11[%parallel_loop3A_783, %parallel_loop3A_784, %parallel_loop3A_785] {strides = array<i32>} : memref<2x128x64xf32, #tpu.memory_space<vmem>>, vector<16xf32>,
        %parallel_loop3A_787 = arith.addf %parallel_loop3A_786, %get3A_734 : vector<16xf32>
        tpu.vector_store_idx %arg15[%shift_right_arithmetic3A_26, %and3A_49, %parallel_loop3A_763], %parallel_loop3A_787 : memref<8x8x129xf32, #tpu.memory_space<vmem>>[vector<16xi32>, vector<16xi32>, vector<16xi32>], vector<16xf32>,
      } {sc.loop_unroll_factor = 8 : i64, sc.parallel_access}
      %dma_start3A_738 = arith.constant 0 : i32
      %dma_start3A_739 = arith.constant 0 : i32
      %dma_start3A_740 = arith.constant 0 : i32
      %dma_start3A_741 = tpu.memref_slice %arg15[%dma_start3A_738, %dma_start3A_739, %dma_start3A_740] : memref<8x8x129xf32, #tpu.memory_space<vmem>> -> memref<8x8x128xf32, #tpu.memory_space<vmem>>
      %dma_start3A_742 = arith.constant 0 : i32
      %dma_start3A_743 = arith.constant 0 : i32
      %dma_start3A_744 = arith.constant 0 : i32
      %dma_start3A_745 = tpu.memref_slice %arg5[%add3A_722, %dma_start3A_742, %add3A, %dma_start3A_743, %dma_start3A_744] : memref<200x8x32x8x128xf32, #tpu.memory_space<hbm>> -> memref<1x8x1x8x128xf32, #tpu.memory_space<hbm>>
      %dma_start3A_746 = tpu.memref_squeeze %dma_start3A_745 : memref<1x8x1x8x128xf32, #tpu.memory_space<hbm>> -> memref<8x8x128xf32, #tpu.memory_space<hbm>>
      %dma_start3A_747 = arith.constant 0 : i32
      %dma_start3A_748 = arith.constant 0 : i32
      %dma_start3A_749 = arith.constant 0 : i32
      %dma_start3A_750 = tpu.memref_slice %arg5[%add3A_722, %dma_start3A_747, %add3A, %dma_start3A_748, %dma_start3A_749] : memref<200x8x32x8x128xf32, #tpu.memory_space<hbm>> -> memref<1x8x1x8x128xf32, #tpu.memory_space<hbm>>
      %dma_start3A_751 = tpu.memref_squeeze %dma_start3A_750 : memref<1x8x1x8x128xf32, #tpu.memory_space<hbm>> -> memref<8x8x128xf32, #tpu.memory_space<hbm>>
      %dma_start3A_752 = arith.constant 0 : i32
      %dma_start3A_753 = arith.constant 0 : i32
      %dma_start3A_754 = arith.constant 0 : i32
      %dma_start3A_755 = tpu.memref_slice %arg15[%dma_start3A_752, %dma_start3A_753, %dma_start3A_754] : memref<8x8x129xf32, #tpu.memory_space<vmem>> -> memref<8x8x128xf32, #tpu.memory_space<vmem>>
      tpu.enqueue_dma source(%dma_start3A_755 : memref<8x8x128xf32, #tpu.memory_space<vmem>>) target(%dma_start3A_751 : memref<8x8x128xf32, #tpu.memory_space<hbm>>) target_semaphore(%arg19 : memref<!tpu.dma_semaphore, #tpu.memory_space<semaphore_mem>>)
      %lt3A_756 = arith.constant 49 : i32
      %lt3A_757 = arith.cmpi slt, %scan3A_542, %lt3A_756 : i32
      %convert_element_type3A_758 = arith.extui %lt3A_757 : i1 to i32
      %cond3A_759 = arith.constant 0 : i32
      %cond3A_760 = arith.cmpi ne, %convert_element_type3A_758, %cond3A_759 : i32
      scf.if %cond3A_760 {
        %add3A_761 = arith.constant 2 : i32
        %add3A_762 = arith.addi %add3A_652, %add3A_761 : i32
        %mul3A_763 = arith.constant 2 : i32
        %mul3A_764 = arith.muli %add3A_762, %mul3A_763 : i32
        %add3A_765 = arith.constant 0 : i32
        %add3A_766 = arith.addi %mul3A_764, %add3A_765 : i32
        %add3A_767 = vector.broadcast %add3A_766 : i32 to vector<16xi32>
        %add3A_768 = arith.addi %broadcast_in_dim3A_3, %add3A_767 : vector<16xi32>
        %add3A_769 = arith.constant 0 : i32
        %add3A_770 = vector.broadcast %add3A_769 : i32 to vector<16xi32>
        %add3A_771 = arith.addi %iota3A, %add3A_770 : vector<16xi32>
        %gather3A_772 = tpu.vector_load_idx %arg6[%add3A_771, %add3A_768] : memref<128x200xi32, #tpu.memory_space<vmem>>[vector<16xi32>, vector<16xi32>], vector<16xi32>,
        %mul3A_773 = arith.constant 2 : i32
        %mul3A_774 = vector.broadcast %mul3A_773 : i32 to vector<16xi32>
        %mul3A_775 = arith.muli %gather3A_772, %mul3A_774 : vector<16xi32>
        %swap3A_776 = arith.constant 0 : i32
        %swap3A_777 = arith.index_cast %swap3A_776 : i32 to index
        %swap3A_778 = arith.constant 0 : index
        %swap3A_779 = tpu.vector_load %arg9[%swap3A_777, %swap3A_778] {strides = array<i32>} : memref<2x128xi32, #tpu.memory_space<vmem>>, vector<16xi32>,
        tpu.vector_store %arg9[%swap3A_777, %swap3A_778], %mul3A_775 {strides = array<i32>} : memref<2x128xi32, #tpu.memory_space<vmem>>, vector<16xi32>,
        %add3A_780 = arith.constant 16 : i32
        %add3A_781 = vector.broadcast %add3A_780 : i32 to vector<16xi32>
        %add3A_782 = arith.addi %iota3A, %add3A_781 : vector<16xi32>
        %gather3A_783 = tpu.vector_load_idx %arg6[%add3A_782, %add3A_768] : memref<128x200xi32, #tpu.memory_space<vmem>>[vector<16xi32>, vector<16xi32>], vector<16xi32>,
        %mul3A_784 = arith.constant 2 : i32
        %mul3A_785 = vector.broadcast %mul3A_784 : i32 to vector<16xi32>
        %mul3A_786 = arith.muli %gather3A_783, %mul3A_785 : vector<16xi32>
        %swap3A_787 = arith.constant 0 : i32
        %swap3A_788 = arith.index_cast %swap3A_787 : i32 to index
        %swap3A_789 = arith.constant 16 : index
        %swap3A_790 = tpu.vector_load %arg9[%swap3A_788, %swap3A_789] {strides = array<i32>} : memref<2x128xi32, #tpu.memory_space<vmem>>, vector<16xi32>,
        tpu.vector_store %arg9[%swap3A_788, %swap3A_789], %mul3A_786 {strides = array<i32>} : memref<2x128xi32, #tpu.memory_space<vmem>>, vector<16xi32>,
        %add3A_791 = arith.constant 32 : i32
        %add3A_792 = vector.broadcast %add3A_791 : i32 to vector<16xi32>
        %add3A_793 = arith.addi %iota3A, %add3A_792 : vector<16xi32>
        %gather3A_794 = tpu.vector_load_idx %arg6[%add3A_793, %add3A_768] : memref<128x200xi32, #tpu.memory_space<vmem>>[vector<16xi32>, vector<16xi32>], vector<16xi32>,
        %mul3A_795 = arith.constant 2 : i32
        %mul3A_796 = vector.broadcast %mul3A_795 : i32 to vector<16xi32>
        %mul3A_797 = arith.muli %gather3A_794, %mul3A_796 : vector<16xi32>
        %swap3A_798 = arith.constant 0 : i32
        %swap3A_799 = arith.index_cast %swap3A_798 : i32 to index
        %swap3A_800 = arith.constant 32 : index
        %swap3A_801 = tpu.vector_load %arg9[%swap3A_799, %swap3A_800] {strides = array<i32>} : memref<2x128xi32, #tpu.memory_space<vmem>>, vector<16xi32>,
        tpu.vector_store %arg9[%swap3A_799, %swap3A_800], %mul3A_797 {strides = array<i32>} : memref<2x128xi32, #tpu.memory_space<vmem>>, vector<16xi32>,
        %add3A_802 = arith.constant 48 : i32
        %add3A_803 = vector.broadcast %add3A_802 : i32 to vector<16xi32>
        %add3A_804 = arith.addi %iota3A, %add3A_803 : vector<16xi32>
        %gather3A_805 = tpu.vector_load_idx %arg6[%add3A_804, %add3A_768] : memref<128x200xi32, #tpu.memory_space<vmem>>[vector<16xi32>, vector<16xi32>], vector<16xi32>,
        %mul3A_806 = arith.constant 2 : i32
        %mul3A_807 = vector.broadcast %mul3A_806 : i32 to vector<16xi32>
        %mul3A_808 = arith.muli %gather3A_805, %mul3A_807 : vector<16xi32>
        %swap3A_809 = arith.constant 0 : i32
        %swap3A_810 = arith.index_cast %swap3A_809 : i32 to index
        %swap3A_811 = arith.constant 48 : index
        %swap3A_812 = tpu.vector_load %arg9[%swap3A_810, %swap3A_811] {strides = array<i32>} : memref<2x128xi32, #tpu.memory_space<vmem>>, vector<16xi32>,
        tpu.vector_store %arg9[%swap3A_810, %swap3A_811], %mul3A_808 {strides = array<i32>} : memref<2x128xi32, #tpu.memory_space<vmem>>, vector<16xi32>,
        %add3A_813 = arith.constant 64 : i32
        %add3A_814 = vector.broadcast %add3A_813 : i32 to vector<16xi32>
        %add3A_815 = arith.addi %iota3A, %add3A_814 : vector<16xi32>
        %gather3A_816 = tpu.vector_load_idx %arg6[%add3A_815, %add3A_768] : memref<128x200xi32, #tpu.memory_space<vmem>>[vector<16xi32>, vector<16xi32>], vector<16xi32>,
        %mul3A_817 = arith.constant 2 : i32
        %mul3A_818 = vector.broadcast %mul3A_817 : i32 to vector<16xi32>
        %mul3A_819 = arith.muli %gather3A_816, %mul3A_818 : vector<16xi32>
        %swap3A_820 = arith.constant 0 : i32
        %swap3A_821 = arith.index_cast %swap3A_820 : i32 to index
        %swap3A_822 = arith.constant 64 : index
        %swap3A_823 = tpu.vector_load %arg9[%swap3A_821, %swap3A_822] {strides = array<i32>} : memref<2x128xi32, #tpu.memory_space<vmem>>, vector<16xi32>,
        tpu.vector_store %arg9[%swap3A_821, %swap3A_822], %mul3A_819 {strides = array<i32>} : memref<2x128xi32, #tpu.memory_space<vmem>>, vector<16xi32>,
        %add3A_824 = arith.constant 80 : i32
        %add3A_825 = vector.broadcast %add3A_824 : i32 to vector<16xi32>
        %add3A_826 = arith.addi %iota3A, %add3A_825 : vector<16xi32>
        %gather3A_827 = tpu.vector_load_idx %arg6[%add3A_826, %add3A_768] : memref<128x200xi32, #tpu.memory_space<vmem>>[vector<16xi32>, vector<16xi32>], vector<16xi32>,
        %mul3A_828 = arith.constant 2 : i32
        %mul3A_829 = vector.broadcast %mul3A_828 : i32 to vector<16xi32>
        %mul3A_830 = arith.muli %gather3A_827, %mul3A_829 : vector<16xi32>
        %swap3A_831 = arith.constant 0 : i32
        %swap3A_832 = arith.index_cast %swap3A_831 : i32 to index
        %swap3A_833 = arith.constant 80 : index
        %swap3A_834 = tpu.vector_load %arg9[%swap3A_832, %swap3A_833] {strides = array<i32>} : memref<2x128xi32, #tpu.memory_space<vmem>>, vector<16xi32>,
        tpu.vector_store %arg9[%swap3A_832, %swap3A_833], %mul3A_830 {strides = array<i32>} : memref<2x128xi32, #tpu.memory_space<vmem>>, vector<16xi32>,
        %add3A_835 = arith.constant 96 : i32
        %add3A_836 = vector.broadcast %add3A_835 : i32 to vector<16xi32>
        %add3A_837 = arith.addi %iota3A, %add3A_836 : vector<16xi32>
        %gather3A_838 = tpu.vector_load_idx %arg6[%add3A_837, %add3A_768] : memref<128x200xi32, #tpu.memory_space<vmem>>[vector<16xi32>, vector<16xi32>], vector<16xi32>,
        %mul3A_839 = arith.constant 2 : i32
        %mul3A_840 = vector.broadcast %mul3A_839 : i32 to vector<16xi32>
        %mul3A_841 = arith.muli %gather3A_838, %mul3A_840 : vector<16xi32>
        %swap3A_842 = arith.constant 0 : i32
        %swap3A_843 = arith.index_cast %swap3A_842 : i32 to index
        %swap3A_844 = arith.constant 96 : index
        %swap3A_845 = tpu.vector_load %arg9[%swap3A_843, %swap3A_844] {strides = array<i32>} : memref<2x128xi32, #tpu.memory_space<vmem>>, vector<16xi32>,
        tpu.vector_store %arg9[%swap3A_843, %swap3A_844], %mul3A_841 {strides = array<i32>} : memref<2x128xi32, #tpu.memory_space<vmem>>, vector<16xi32>,
        %add3A_846 = arith.constant 112 : i32
        %add3A_847 = vector.broadcast %add3A_846 : i32 to vector<16xi32>
        %add3A_848 = arith.addi %iota3A, %add3A_847 : vector<16xi32>
        %gather3A_849 = tpu.vector_load_idx %arg6[%add3A_848, %add3A_768] : memref<128x200xi32, #tpu.memory_space<vmem>>[vector<16xi32>, vector<16xi32>], vector<16xi32>,
        %mul3A_850 = arith.constant 2 : i32
        %mul3A_851 = vector.broadcast %mul3A_850 : i32 to vector<16xi32>
        %mul3A_852 = arith.muli %gather3A_849, %mul3A_851 : vector<16xi32>
        %swap3A_853 = arith.constant 0 : i32
        %swap3A_854 = arith.index_cast %swap3A_853 : i32 to index
        %swap3A_855 = arith.constant 112 : index
        %swap3A_856 = tpu.vector_load %arg9[%swap3A_854, %swap3A_855] {strides = array<i32>} : memref<2x128xi32, #tpu.memory_space<vmem>>, vector<16xi32>,
        tpu.vector_store %arg9[%swap3A_854, %swap3A_855], %mul3A_852 {strides = array<i32>} : memref<2x128xi32, #tpu.memory_space<vmem>>, vector<16xi32>,
        %mul3A_857 = arith.constant 2 : i32
        %mul3A_858 = arith.muli %add3A_762, %mul3A_857 : i32
        %add3A_859 = arith.constant 1 : i32
        %add3A_860 = arith.addi %mul3A_858, %add3A_859 : i32
        %add3A_861 = vector.broadcast %add3A_860 : i32 to vector<16xi32>
        %add3A_862 = arith.addi %broadcast_in_dim3A_3, %add3A_861 : vector<16xi32>
        %add3A_863 = arith.constant 0 : i32
        %add3A_864 = vector.broadcast %add3A_863 : i32 to vector<16xi32>
        %add3A_865 = arith.addi %iota3A, %add3A_864 : vector<16xi32>
        %gather3A_866 = tpu.vector_load_idx %arg6[%add3A_865, %add3A_862] : memref<128x200xi32, #tpu.memory_space<vmem>>[vector<16xi32>, vector<16xi32>], vector<16xi32>,
        %mul3A_867 = arith.constant 2 : i32
        %mul3A_868 = vector.broadcast %mul3A_867 : i32 to vector<16xi32>
        %mul3A_869 = arith.muli %gather3A_866, %mul3A_868 : vector<16xi32>
        %swap3A_870 = arith.constant 1 : i32
        %swap3A_871 = arith.index_cast %swap3A_870 : i32 to index
        %swap3A_872 = arith.constant 0 : index
        %swap3A_873 = tpu.vector_load %arg9[%swap3A_871, %swap3A_872] {strides = array<i32>} : memref<2x128xi32, #tpu.memory_space<vmem>>, vector<16xi32>,
        tpu.vector_store %arg9[%swap3A_871, %swap3A_872], %mul3A_869 {strides = array<i32>} : memref<2x128xi32, #tpu.memory_space<vmem>>, vector<16xi32>,
        %add3A_874 = arith.constant 16 : i32
        %add3A_875 = vector.broadcast %add3A_874 : i32 to vector<16xi32>
        %add3A_876 = arith.addi %iota3A, %add3A_875 : vector<16xi32>
        %gather3A_877 = tpu.vector_load_idx %arg6[%add3A_876, %add3A_862] : memref<128x200xi32, #tpu.memory_space<vmem>>[vector<16xi32>, vector<16xi32>], vector<16xi32>,
        %mul3A_878 = arith.constant 2 : i32
        %mul3A_879 = vector.broadcast %mul3A_878 : i32 to vector<16xi32>
        %mul3A_880 = arith.muli %gather3A_877, %mul3A_879 : vector<16xi32>
        %swap3A_881 = arith.constant 1 : i32
        %swap3A_882 = arith.index_cast %swap3A_881 : i32 to index
        %swap3A_883 = arith.constant 16 : index
        %swap3A_884 = tpu.vector_load %arg9[%swap3A_882, %swap3A_883] {strides = array<i32>} : memref<2x128xi32, #tpu.memory_space<vmem>>, vector<16xi32>,
        tpu.vector_store %arg9[%swap3A_882, %swap3A_883], %mul3A_880 {strides = array<i32>} : memref<2x128xi32, #tpu.memory_space<vmem>>, vector<16xi32>,
        %add3A_885 = arith.constant 32 : i32
        %add3A_886 = vector.broadcast %add3A_885 : i32 to vector<16xi32>
        %add3A_887 = arith.addi %iota3A, %add3A_886 : vector<16xi32>
        %gather3A_888 = tpu.vector_load_idx %arg6[%add3A_887, %add3A_862] : memref<128x200xi32, #tpu.memory_space<vmem>>[vector<16xi32>, vector<16xi32>], vector<16xi32>,
        %mul3A_889 = arith.constant 2 : i32
        %mul3A_890 = vector.broadcast %mul3A_889 : i32 to vector<16xi32>
        %mul3A_891 = arith.muli %gather3A_888, %mul3A_890 : vector<16xi32>
        %swap3A_892 = arith.constant 1 : i32
        %swap3A_893 = arith.index_cast %swap3A_892 : i32 to index
        %swap3A_894 = arith.constant 32 : index
        %swap3A_895 = tpu.vector_load %arg9[%swap3A_893, %swap3A_894] {strides = array<i32>} : memref<2x128xi32, #tpu.memory_space<vmem>>, vector<16xi32>,
        tpu.vector_store %arg9[%swap3A_893, %swap3A_894], %mul3A_891 {strides = array<i32>} : memref<2x128xi32, #tpu.memory_space<vmem>>, vector<16xi32>,
        %add3A_896 = arith.constant 48 : i32
        %add3A_897 = vector.broadcast %add3A_896 : i32 to vector<16xi32>
        %add3A_898 = arith.addi %iota3A, %add3A_897 : vector<16xi32>
        %gather3A_899 = tpu.vector_load_idx %arg6[%add3A_898, %add3A_862] : memref<128x200xi32, #tpu.memory_space<vmem>>[vector<16xi32>, vector<16xi32>], vector<16xi32>,
        %mul3A_900 = arith.constant 2 : i32
        %mul3A_901 = vector.broadcast %mul3A_900 : i32 to vector<16xi32>
        %mul3A_902 = arith.muli %gather3A_899, %mul3A_901 : vector<16xi32>
        %swap3A_903 = arith.constant 1 : i32
        %swap3A_904 = arith.index_cast %swap3A_903 : i32 to index
        %swap3A_905 = arith.constant 48 : index
        %swap3A_906 = tpu.vector_load %arg9[%swap3A_904, %swap3A_905] {strides = array<i32>} : memref<2x128xi32, #tpu.memory_space<vmem>>, vector<16xi32>,
        tpu.vector_store %arg9[%swap3A_904, %swap3A_905], %mul3A_902 {strides = array<i32>} : memref<2x128xi32, #tpu.memory_space<vmem>>, vector<16xi32>,
        %add3A_907 = arith.constant 64 : i32
        %add3A_908 = vector.broadcast %add3A_907 : i32 to vector<16xi32>
        %add3A_909 = arith.addi %iota3A, %add3A_908 : vector<16xi32>
        %gather3A_910 = tpu.vector_load_idx %arg6[%add3A_909, %add3A_862] : memref<128x200xi32, #tpu.memory_space<vmem>>[vector<16xi32>, vector<16xi32>], vector<16xi32>,
        %mul3A_911 = arith.constant 2 : i32
        %mul3A_912 = vector.broadcast %mul3A_911 : i32 to vector<16xi32>
        %mul3A_913 = arith.muli %gather3A_910, %mul3A_912 : vector<16xi32>
        %swap3A_914 = arith.constant 1 : i32
        %swap3A_915 = arith.index_cast %swap3A_914 : i32 to index
        %swap3A_916 = arith.constant 64 : index
        %swap3A_917 = tpu.vector_load %arg9[%swap3A_915, %swap3A_916] {strides = array<i32>} : memref<2x128xi32, #tpu.memory_space<vmem>>, vector<16xi32>,
        tpu.vector_store %arg9[%swap3A_915, %swap3A_916], %mul3A_913 {strides = array<i32>} : memref<2x128xi32, #tpu.memory_space<vmem>>, vector<16xi32>,
        %add3A_918 = arith.constant 80 : i32
        %add3A_919 = vector.broadcast %add3A_918 : i32 to vector<16xi32>
        %add3A_920 = arith.addi %iota3A, %add3A_919 : vector<16xi32>
        %gather3A_921 = tpu.vector_load_idx %arg6[%add3A_920, %add3A_862] : memref<128x200xi32, #tpu.memory_space<vmem>>[vector<16xi32>, vector<16xi32>], vector<16xi32>,
        %mul3A_922 = arith.constant 2 : i32
        %mul3A_923 = vector.broadcast %mul3A_922 : i32 to vector<16xi32>
        %mul3A_924 = arith.muli %gather3A_921, %mul3A_923 : vector<16xi32>
        %swap3A_925 = arith.constant 1 : i32
        %swap3A_926 = arith.index_cast %swap3A_925 : i32 to index
        %swap3A_927 = arith.constant 80 : index
        %swap3A_928 = tpu.vector_load %arg9[%swap3A_926, %swap3A_927] {strides = array<i32>} : memref<2x128xi32, #tpu.memory_space<vmem>>, vector<16xi32>,
        tpu.vector_store %arg9[%swap3A_926, %swap3A_927], %mul3A_924 {strides = array<i32>} : memref<2x128xi32, #tpu.memory_space<vmem>>, vector<16xi32>,
        %add3A_929 = arith.constant 96 : i32
        %add3A_930 = vector.broadcast %add3A_929 : i32 to vector<16xi32>
        %add3A_931 = arith.addi %iota3A, %add3A_930 : vector<16xi32>
        %gather3A_932 = tpu.vector_load_idx %arg6[%add3A_931, %add3A_862] : memref<128x200xi32, #tpu.memory_space<vmem>>[vector<16xi32>, vector<16xi32>], vector<16xi32>,
        %mul3A_933 = arith.constant 2 : i32
        %mul3A_934 = vector.broadcast %mul3A_933 : i32 to vector<16xi32>
        %mul3A_935 = arith.muli %gather3A_932, %mul3A_934 : vector<16xi32>
        %swap3A_936 = arith.constant 1 : i32
        %swap3A_937 = arith.index_cast %swap3A_936 : i32 to index
        %swap3A_938 = arith.constant 96 : index
        %swap3A_939 = tpu.vector_load %arg9[%swap3A_937, %swap3A_938] {strides = array<i32>} : memref<2x128xi32, #tpu.memory_space<vmem>>, vector<16xi32>,
        tpu.vector_store %arg9[%swap3A_937, %swap3A_938], %mul3A_935 {strides = array<i32>} : memref<2x128xi32, #tpu.memory_space<vmem>>, vector<16xi32>,
        %add3A_940 = arith.constant 112 : i32
        %add3A_941 = vector.broadcast %add3A_940 : i32 to vector<16xi32>
        %add3A_942 = arith.addi %iota3A, %add3A_941 : vector<16xi32>
        %gather3A_943 = tpu.vector_load_idx %arg6[%add3A_942, %add3A_862] : memref<128x200xi32, #tpu.memory_space<vmem>>[vector<16xi32>, vector<16xi32>], vector<16xi32>,
        %mul3A_944 = arith.constant 2 : i32
        %mul3A_945 = vector.broadcast %mul3A_944 : i32 to vector<16xi32>
        %mul3A_946 = arith.muli %gather3A_943, %mul3A_945 : vector<16xi32>
        %swap3A_947 = arith.constant 1 : i32
        %swap3A_948 = arith.index_cast %swap3A_947 : i32 to index
        %swap3A_949 = arith.constant 112 : index
        %swap3A_950 = tpu.vector_load %arg9[%swap3A_948, %swap3A_949] {strides = array<i32>} : memref<2x128xi32, #tpu.memory_space<vmem>>, vector<16xi32>,
        tpu.vector_store %arg9[%swap3A_948, %swap3A_949], %mul3A_946 {strides = array<i32>} : memref<2x128xi32, #tpu.memory_space<vmem>>, vector<16xi32>,
        %dma_start3A_951 = arith.constant 0 : i32
        %dma_start3A_952 = arith.constant 0 : i32
        %dma_start3A_953 = arith.constant 0 : i32
        %dma_start3A_954 = arith.constant 0 : i32
        %dma_start3A_955 = tpu.memref_slice %arg11[%dma_start3A_952, %dma_start3A_953, %dma_start3A_954] : memref<2x128x64xf32, #tpu.memory_space<vmem>> -> memref<1x128x64xf32, #tpu.memory_space<vmem>>
        %dma_start3A_956 = tpu.memref_squeeze %dma_start3A_955 : memref<1x128x64xf32, #tpu.memory_space<vmem>> -> memref<128x64xf32, #tpu.memory_space<vmem>>
        %dma_start3A_957 = arith.constant 0 : i32
        %dma_start3A_958 = tpu.memref_slice %arg9[%dma_start3A_951, %dma_start3A_957] : memref<2x128xi32, #tpu.memory_space<vmem>> -> memref<1x128xi32, #tpu.memory_space<vmem>>
        %dma_start3A_959 = tpu.memref_squeeze %dma_start3A_958 : memref<1x128xi32, #tpu.memory_space<vmem>> -> memref<128xi32, #tpu.memory_space<vmem>>
        %dma_start3A_960 = arith.constant 0 : i32
        %dma_start3A_961 = arith.constant 0 : i32
        %dma_start3A_962 = tpu.memref_slice %arg3[%dma_start3A_960, %dma_start3A_961] : memref<2000000x64xf32, #tpu.memory_space<hbm>> -> memref<2000000x64xf32, #tpu.memory_space<hbm>>
        tpu.enqueue_indirect_dma source(%dma_start3A_962 : memref<2000000x64xf32, #tpu.memory_space<hbm>>) target(%dma_start3A_956 : memref<128x64xf32, #tpu.memory_space<vmem>>) offsets(%dma_start3A_959 : memref<128xi32, #tpu.memory_space<vmem>>) semaphore(%arg17 : memref<!tpu.dma_semaphore, #tpu.memory_space<semaphore_mem>>)
        %dma_start3A_963 = arith.constant 1 : i32
        %dma_start3A_964 = arith.constant 1 : i32
        %dma_start3A_965 = arith.constant 0 : i32
        %dma_start3A_966 = arith.constant 0 : i32
        %dma_start3A_967 = tpu.memref_slice %arg11[%dma_start3A_964, %dma_start3A_965, %dma_start3A_966] : memref<2x128x64xf32, #tpu.memory_space<vmem>> -> memref<1x128x64xf32, #tpu.memory_space<vmem>>
        %dma_start3A_968 = tpu.memref_squeeze %dma_start3A_967 : memref<1x128x64xf32, #tpu.memory_space<vmem>> -> memref<128x64xf32, #tpu.memory_space<vmem>>
        %dma_start3A_969 = arith.constant 0 : i32
        %dma_start3A_970 = tpu.memref_slice %arg9[%dma_start3A_963, %dma_start3A_969] : memref<2x128xi32, #tpu.memory_space<vmem>> -> memref<1x128xi32, #tpu.memory_space<vmem>>
        %dma_start3A_971 = tpu.memref_squeeze %dma_start3A_970 : memref<1x128xi32, #tpu.memory_space<vmem>> -> memref<128xi32, #tpu.memory_space<vmem>>
        %dma_start3A_972 = arith.constant 0 : i32
        %dma_start3A_973 = arith.constant 0 : i32
        %dma_start3A_974 = tpu.memref_slice %arg3[%dma_start3A_972, %dma_start3A_973] : memref<2000000x64xf32, #tpu.memory_space<hbm>> -> memref<2000000x64xf32, #tpu.memory_space<hbm>>
        tpu.enqueue_indirect_dma source(%dma_start3A_974 : memref<2000000x64xf32, #tpu.memory_space<hbm>>) target(%dma_start3A_968 : memref<128x64xf32, #tpu.memory_space<vmem>>) offsets(%dma_start3A_971 : memref<128xi32, #tpu.memory_space<vmem>>) semaphore(%arg17 : memref<!tpu.dma_semaphore, #tpu.memory_space<semaphore_mem>>)
      } else {
      }
    }
    %scan3A_462 = arith.constant 50 : i32
    %dma_wait3A = arith.constant 0 : i32
    %dma_wait3A_463 = arith.constant 0 : i32
    %dma_wait3A_464 = arith.constant 0 : i32
    %dma_wait3A_465 = arith.constant 0 : i32
    %dma_wait3A_466 = arith.constant 0 : i32
    %dma_wait3A_467 = tpu.memref_slice %arg12[%dma_wait3A_464, %dma_wait3A_465, %dma_wait3A_466] : memref<8x8x129xf32, #tpu.memory_space<vmem>> -> memref<8x8x128xf32, #tpu.memory_space<vmem>>
    %dma_wait3A_468 = arith.constant 0 : i32
    %dma_wait3A_469 = arith.constant 0 : i32
    %dma_wait3A_470 = arith.constant 0 : i32
    %dma_wait3A_471 = tpu.memref_slice %arg5[%dma_wait3A, %dma_wait3A_468, %dma_wait3A_463, %dma_wait3A_469, %dma_wait3A_470] : memref<200x8x32x8x128xf32, #tpu.memory_space<hbm>> -> memref<1x8x1x8x128xf32, #tpu.memory_space<hbm>>
    %dma_wait3A_472 = tpu.memref_squeeze %dma_wait3A_471 : memref<1x8x1x8x128xf32, #tpu.memory_space<hbm>> -> memref<8x8x128xf32, #tpu.memory_space<hbm>>
    %dma_wait3A_473 = arith.constant 0 : i32
    %dma_wait3A_474 = arith.constant 0 : i32
    %dma_wait3A_475 = arith.constant 0 : i32
    %dma_wait3A_476 = tpu.memref_slice %arg5[%dma_wait3A, %dma_wait3A_473, %dma_wait3A_463, %dma_wait3A_474, %dma_wait3A_475] : memref<200x8x32x8x128xf32, #tpu.memory_space<hbm>> -> memref<1x8x1x8x128xf32, #tpu.memory_space<hbm>>
    %dma_wait3A_477 = tpu.memref_squeeze %dma_wait3A_476 : memref<1x8x1x8x128xf32, #tpu.memory_space<hbm>> -> memref<8x8x128xf32, #tpu.memory_space<hbm>>
    %dma_wait3A_478 = arith.constant 0 : i32
    %dma_wait3A_479 = arith.constant 0 : i32
    %dma_wait3A_480 = arith.constant 0 : i32
    %dma_wait3A_481 = tpu.memref_slice %arg12[%dma_wait3A_478, %dma_wait3A_479, %dma_wait3A_480] : memref<8x8x129xf32, #tpu.memory_space<vmem>> -> memref<8x8x128xf32, #tpu.memory_space<vmem>>
    tpu.wait_dma2 semaphore(%arg18 : memref<!tpu.dma_semaphore, #tpu.memory_space<semaphore_mem>>) src(%dma_wait3A_481 : memref<8x8x128xf32, #tpu.memory_space<vmem>>) dst(%dma_wait3A_477 : memref<8x8x128xf32, #tpu.memory_space<hbm>>)
    %dma_wait3A_482 = arith.constant 0 : i32
    %dma_wait3A_483 = arith.constant 0 : i32
    %dma_wait3A_484 = arith.constant 0 : i32
    %dma_wait3A_485 = arith.constant 0 : i32
    %dma_wait3A_486 = arith.constant 0 : i32
    %dma_wait3A_487 = tpu.memref_slice %arg13[%dma_wait3A_484, %dma_wait3A_485, %dma_wait3A_486] : memref<8x8x129xf32, #tpu.memory_space<vmem>> -> memref<8x8x128xf32, #tpu.memory_space<vmem>>
    %dma_wait3A_488 = arith.constant 0 : i32
    %dma_wait3A_489 = arith.constant 0 : i32
    %dma_wait3A_490 = arith.constant 0 : i32
    %dma_wait3A_491 = tpu.memref_slice %arg5[%dma_wait3A_482, %dma_wait3A_488, %dma_wait3A_483, %dma_wait3A_489, %dma_wait3A_490] : memref<200x8x32x8x128xf32, #tpu.memory_space<hbm>> -> memref<1x8x1x8x128xf32, #tpu.memory_space<hbm>>
    %dma_wait3A_492 = tpu.memref_squeeze %dma_wait3A_491 : memref<1x8x1x8x128xf32, #tpu.memory_space<hbm>> -> memref<8x8x128xf32, #tpu.memory_space<hbm>>
    %dma_wait3A_493 = arith.constant 0 : i32
    %dma_wait3A_494 = arith.constant 0 : i32
    %dma_wait3A_495 = arith.constant 0 : i32
    %dma_wait3A_496 = tpu.memref_slice %arg5[%dma_wait3A_482, %dma_wait3A_493, %dma_wait3A_483, %dma_wait3A_494, %dma_wait3A_495] : memref<200x8x32x8x128xf32, #tpu.memory_space<hbm>> -> memref<1x8x1x8x128xf32, #tpu.memory_space<hbm>>
    %dma_wait3A_497 = tpu.memref_squeeze %dma_wait3A_496 : memref<1x8x1x8x128xf32, #tpu.memory_space<hbm>> -> memref<8x8x128xf32, #tpu.memory_space<hbm>>
    %dma_wait3A_498 = arith.constant 0 : i32
    %dma_wait3A_499 = arith.constant 0 : i32
    %dma_wait3A_500 = arith.constant 0 : i32
    %dma_wait3A_501 = tpu.memref_slice %arg13[%dma_wait3A_498, %dma_wait3A_499, %dma_wait3A_500] : memref<8x8x129xf32, #tpu.memory_space<vmem>> -> memref<8x8x128xf32, #tpu.memory_space<vmem>>
    tpu.wait_dma2 semaphore(%arg18 : memref<!tpu.dma_semaphore, #tpu.memory_space<semaphore_mem>>) src(%dma_wait3A_501 : memref<8x8x128xf32, #tpu.memory_space<vmem>>) dst(%dma_wait3A_497 : memref<8x8x128xf32, #tpu.memory_space<hbm>>)
    %dma_wait3A_502 = arith.constant 0 : i32
    %dma_wait3A_503 = arith.constant 0 : i32
    %dma_wait3A_504 = arith.constant 0 : i32
    %dma_wait3A_505 = arith.constant 0 : i32
    %dma_wait3A_506 = arith.constant 0 : i32
    %dma_wait3A_507 = tpu.memref_slice %arg14[%dma_wait3A_504, %dma_wait3A_505, %dma_wait3A_506] : memref<8x8x129xf32, #tpu.memory_space<vmem>> -> memref<8x8x128xf32, #tpu.memory_space<vmem>>
    %dma_wait3A_508 = arith.constant 0 : i32
    %dma_wait3A_509 = arith.constant 0 : i32
    %dma_wait3A_510 = arith.constant 0 : i32
    %dma_wait3A_511 = tpu.memref_slice %arg5[%dma_wait3A_502, %dma_wait3A_508, %dma_wait3A_503, %dma_wait3A_509, %dma_wait3A_510] : memref<200x8x32x8x128xf32, #tpu.memory_space<hbm>> -> memref<1x8x1x8x128xf32, #tpu.memory_space<hbm>>
    %dma_wait3A_512 = tpu.memref_squeeze %dma_wait3A_511 : memref<1x8x1x8x128xf32, #tpu.memory_space<hbm>> -> memref<8x8x128xf32, #tpu.memory_space<hbm>>
    %dma_wait3A_513 = arith.constant 0 : i32
    %dma_wait3A_514 = arith.constant 0 : i32
    %dma_wait3A_515 = arith.constant 0 : i32
    %dma_wait3A_516 = tpu.memref_slice %arg5[%dma_wait3A_502, %dma_wait3A_513, %dma_wait3A_503, %dma_wait3A_514, %dma_wait3A_515] : memref<200x8x32x8x128xf32, #tpu.memory_space<hbm>> -> memref<1x8x1x8x128xf32, #tpu.memory_space<hbm>>
    %dma_wait3A_517 = tpu.memref_squeeze %dma_wait3A_516 : memref<1x8x1x8x128xf32, #tpu.memory_space<hbm>> -> memref<8x8x128xf32, #tpu.memory_space<hbm>>
    %dma_wait3A_518 = arith.constant 0 : i32
    %dma_wait3A_519 = arith.constant 0 : i32
    %dma_wait3A_520 = arith.constant 0 : i32
    %dma_wait3A_521 = tpu.memref_slice %arg14[%dma_wait3A_518, %dma_wait3A_519, %dma_wait3A_520] : memref<8x8x129xf32, #tpu.memory_space<vmem>> -> memref<8x8x128xf32, #tpu.memory_space<vmem>>
    tpu.wait_dma2 semaphore(%arg19 : memref<!tpu.dma_semaphore, #tpu.memory_space<semaphore_mem>>) src(%dma_wait3A_521 : memref<8x8x128xf32, #tpu.memory_space<vmem>>) dst(%dma_wait3A_517 : memref<8x8x128xf32, #tpu.memory_space<hbm>>)
    %dma_wait3A_522 = arith.constant 0 : i32
    %dma_wait3A_523 = arith.constant 0 : i32
    %dma_wait3A_524 = arith.constant 0 : i32
    %dma_wait3A_525 = arith.constant 0 : i32
    %dma_wait3A_526 = arith.constant 0 : i32
    %dma_wait3A_527 = tpu.memref_slice %arg15[%dma_wait3A_524, %dma_wait3A_525, %dma_wait3A_526] : memref<8x8x129xf32, #tpu.memory_space<vmem>> -> memref<8x8x128xf32, #tpu.memory_space<vmem>>
    %dma_wait3A_528 = arith.constant 0 : i32
    %dma_wait3A_529 = arith.constant 0 : i32
    %dma_wait3A_530 = arith.constant 0 : i32
    %dma_wait3A_531 = tpu.memref_slice %arg5[%dma_wait3A_522, %dma_wait3A_528, %dma_wait3A_523, %dma_wait3A_529, %dma_wait3A_530] : memref<200x8x32x8x128xf32, #tpu.memory_space<hbm>> -> memref<1x8x1x8x128xf32, #tpu.memory_space<hbm>>
    %dma_wait3A_532 = tpu.memref_squeeze %dma_wait3A_531 : memref<1x8x1x8x128xf32, #tpu.memory_space<hbm>> -> memref<8x8x128xf32, #tpu.memory_space<hbm>>
    %dma_wait3A_533 = arith.constant 0 : i32
    %dma_wait3A_534 = arith.constant 0 : i32
    %dma_wait3A_535 = arith.constant 0 : i32
    %dma_wait3A_536 = tpu.memref_slice %arg5[%dma_wait3A_522, %dma_wait3A_533, %dma_wait3A_523, %dma_wait3A_534, %dma_wait3A_535] : memref<200x8x32x8x128xf32, #tpu.memory_space<hbm>> -> memref<1x8x1x8x128xf32, #tpu.memory_space<hbm>>
    %dma_wait3A_537 = tpu.memref_squeeze %dma_wait3A_536 : memref<1x8x1x8x128xf32, #tpu.memory_space<hbm>> -> memref<8x8x128xf32, #tpu.memory_space<hbm>>
    %dma_wait3A_538 = arith.constant 0 : i32
    %dma_wait3A_539 = arith.constant 0 : i32
    %dma_wait3A_540 = arith.constant 0 : i32
    %dma_wait3A_541 = tpu.memref_slice %arg15[%dma_wait3A_538, %dma_wait3A_539, %dma_wait3A_540] : memref<8x8x129xf32, #tpu.memory_space<vmem>> -> memref<8x8x128xf32, #tpu.memory_space<vmem>>
    tpu.wait_dma2 semaphore(%arg19 : memref<!tpu.dma_semaphore, #tpu.memory_space<semaphore_mem>>) src(%dma_wait3A_541 : memref<8x8x128xf32, #tpu.memory_space<vmem>>) dst(%dma_wait3A_537 : memref<8x8x128xf32, #tpu.memory_space<hbm>>)
    return
  }
}

module attributes {stable_mosaic.version = 14 : i64} {
  func.func @_tpose_body(%arg0: i32, %arg1: memref<64x16384xf32, #tpu.memory_space<vmem>>, %arg2: memref<16384x128xf32, #tpu.memory_space<vmem>>) attributes {dimension_semantics = [#tpu.dimension_semantics<arbitrary>], iteration_bounds = array<i64: 62>, scalar_prefetch = 0 : i64, scratch_operands = 0 : i64, tpu.core_type = #tpu.core_type<tc>, window_params = [{transform_indices = @transform_0, window_bounds = array<i64: 64, 16384>}, {transform_indices = @transform_1, window_bounds = array<i64: 16384, 128>}]} {
    %get3A = arith.constant 0 : index
    %get3A_0 = arith.constant 0 : index
    %get3A_1 = vector.load %arg1[%get3A, %get3A_0] : memref<64x16384xf32, #tpu.memory_space<vmem>>, vector<64x16384xf32>
    %transpose3A = tpu.transpose %get3A_1, [1, 0] : vector<64x16384xf32> -> vector<16384x64xf32>
    %swap3A = arith.constant 0 : index
    %swap3A_2 = arith.constant 0 : index
    %swap3A_3 = vector.load %arg2[%swap3A, %swap3A_2] : memref<16384x128xf32, #tpu.memory_space<vmem>>, vector<16384x64xf32>
    tpu.vector_store %arg2[%swap3A, %swap3A_2], %transpose3A {strides = array<i32>} : memref<16384x128xf32, #tpu.memory_space<vmem>>, vector<16384x64xf32>,
    return
  }
  func.func @transform_0(%arg0: i32) -> (i32, i32) {
    %c0_i32 = arith.constant 0 : i32
    %c0_i32_0 = arith.constant 0 : i32
    return %c0_i32, %arg0 : i32, i32
  }
  func.func @transform_1(%arg0: i32) -> (i32, i32) {
    %c0_i32 = arith.constant 0 : i32
    %c0_i32_0 = arith.constant 0 : i32
    return %arg0, %c0_i32 : i32, i32
  }
}

</mosaic_0001>

<sc_bundles>
// kernel: kernel.4.cloned.1.call-start
scs
__scs_entry_jumppad:
0x0: {  	(pc) =	sbr.rel $0x88, $3  }
0x1: {  	(tag) =	ssettag $0x0;
	lr =	simm.s32 $0x1  }
0x2: {  	[smem:$0x3F9E] =	sst lr;
	_ =	strace $0xD0000000  }
0x3: {  	_ = 	snop  }
0x4: {  	_ = 	snop  }
0x5: {  	_ = 	snop  }
0x6: {  	_ = 	snop  }
0x7: {  	_ = 	snop  }
__scs_overlays_trampoline_lowered:
0x8: {  	[smem:$0x3FAD] =	sst s0  }
0x9: {  	[smem:$0x3FAE] =	sst s1  }
0xa: {  	[smem:$0x3FAF] =	sst s2  }
0xb: {  	[smem:$0x3FB0] =	sst s3  }
0xc: {  	[smem:$0x3FB1] =	sst s4  }
0xd: {  	[smem:$0x3FB2] =	sst s5  }
0xe: {  	[smem:$0x3FB3] =	sst s6  }
0xf: {  	[smem:$0x3FB4] =	sst s7  }
0x10: {  	[smem:$0x3FB5] =	sst s8  }
0x11: {  	[smem:$0x3FB6] =	sst s9;
	s0 =	simm.s32 @!p0 $0x0  }
0x12: {  	s1 =	sld [smem:$0x3F9C];
	s0 =	simm.s32 @p0 $0x1  }
0x13: {  	[smem:$0x3FB7] =	sst s0;
	s0 =	simm.s32 @!p1 $0x0  }
0x14: {  	s2 =	sld [smem:$0x3F9B];
	s0 =	simm.s32 @p1 $0x1  }
0x15: {  	[smem:$0x3FB8] =	sst s0;
	s0 =	simm.s32 @!p2 $0x0  }
0x16: {  	s3 =	sld [smem:$0x3FDB];
	s0 =	simm.s32 @p2 $0x1  }
0x17: {  	s4 =	simm.s32 $0x1BF5;
	[smem:$0x3FBA] =	sst s0  }
0x18: {  	s0 =	sld [smem:$0x3F9D];
	_ =	swait.ge [sflag:s4], $0x0  }
0x19: {  	s7 =	sld [smem:$0x3F9E]  }
0x1a: {  	s8 =	sadd.s32 $0xFFFFE003, lr  }
0x1b: {  	s9 =	sadd.s32 $0xFFFFFEF7, lr;
	s5 =	simm.s32 $0xFFFFFFFF;
	p2 =	slt.u32 s8, $0xFFFFF086  }
0x1c: {  	p1 =	slt.u32 s9, $0xF7A;
	s5 =	simm.s32 @!p2 $0x0  }
0x1d: {  	s5 =	simm.s32 @p1 $0x1;
	p0 =	seq.s32 s7, s2  }
0x1e: {  	s7 =	smul.u32 @!p0 $0xF7A, s2;
	p2 =	seq.s32 @!p0 s5, $0x0  }
0x1f: {  	s9 =	smul.u32 $0xF7A, s1;
	s8 =	simm.s32 @!p0 $0x1BF5;
	p2 =	por !p2, p0  }
0x20: {  	[sflag:s8] =	ssyncset.s32 @!p0 $0xFFFFF086;
	s6 =	sadd.s32 @!p0 s3, s7;
	s7 =	simm.s32 @!p0 $0x108  }
0x21: {  	s3 =	sadd.s32 s3, s9;
	s6 =	sadd.s32 @!p0 $0x88, s6;
	s7 =	simm.s32 @p2 $0x1082  }
0x22: {  	[simem:s7], [sflag:s8] =	dma.local @!p0 [hbm:s6], $0xF7A  }
0x23: {  	s9 =	sor.u32 $0xD0000000, s2;
	s6 =	simm.s32 $0x108;
	_ =	swait.ge @!p0 [sflag:s8], $0x0  }
0x24: {  	s3 =	sadd.s32 $0x88, s3;
	s6 =	simm.s32 @!p1 $0x1082;
	[sflag:s4] =	ssyncset.s32 $0xFFFFF086  }
0x25: {  	[simem:s6], [sflag:s4] =	dma.local [hbm:s3], $0xF7A  }
0x26: {  	[smem:$0x3F9E] =	sst s1;
	(tag) =	ssettag s2;
	_ =	strace s9  }
0x27: {  	s1 =	sld [smem:$0x3FAE]  }
0x28: {  	s2 =	sld [smem:$0x3FAF]  }
0x29: {  	s4 =	sld [smem:$0x3FB1]  }
0x2a: {  	p0 =	seq.s32 s5, $0x0;
	s5 =	sld [smem:$0x3FB2]  }
0x2b: {  	s6 =	sld [smem:$0x3FB3]  }
0x2c: {  	s7 =	sld [smem:$0x3FB4]  }
0x2d: {  	s3 =	simm.s32 $0x108;
	s8 =	sld [smem:$0x3FB5]  }
0x2e: {  	s3 =	simm.s32 @!p0 $0x1082;
	s9 =	sld [smem:$0x3FB6]  }
0x2f: {  	lr =	sadd.s32 s0, s3;
	s0 =	sld [smem:$0x3FAD]  }
0x30: {  	s3 =	sld [smem:$0x3FB0]  }
0x31: {  	[smem:$0x3FB9] =	sst s10  }
0x32: {  	s10 =	sld [smem:$0x3FB7];
	_ =	sdelay $0x3  }
0x33: {  	p0 =	seq.s32 s10, $0x1;
	s10 =	sld [smem:$0x3FB9];
	_ =	sdelay $0x3  }
0x34: {  	[smem:$0x3FB9] =	sst s10  }
0x35: {  	s10 =	sld [smem:$0x3FB8];
	_ =	sdelay $0x3  }
0x36: {  	p1 =	seq.s32 s10, $0x1;
	s10 =	sld [smem:$0x3FB9];
	_ =	sdelay $0x3  }
0x37: {  	[smem:$0x3FB9] =	sst s10  }
0x38: {  	s10 =	sld [smem:$0x3FBA]  }
0x39: {  	_ = 	snop;
	(pc) =	sbr.ind lr, $3  }
0x3a: {  	_ = 	snop  }
0x3b: {  	_ = 	snop  }
0x3c: {  	p2 =	seq.s32 s10, $0x1;
	s10 =	sld [smem:$0x3FB9]  }
0x3d: {  	_ =	shalt  }
0x3e: {  	_ =	shalt  }
0x3f: {  	_ =	shalt  }
0x40: {  	_ =	shalt  }
0x41: {  	_ =	shalt  }
0x42: {  	_ =	shalt  }
0x43: {  	_ =	shalt  }
0x44: {  	_ =	shalt  }
0x45: {  	_ =	shalt  }
0x46: {  	_ =	shalt  }
0x47: {  	_ =	shalt  }
0x48: {  	_ =	shalt  }
0x49: {  	_ =	shalt  }
0x4a: {  	_ =	shalt  }
0x4b: {  	_ =	shalt  }
0x4c: {  	_ =	shalt  }
0x4d: {  	_ =	shalt  }
0x4e: {  	_ =	shalt  }
0x4f: {  	_ =	shalt  }
0x50: {  	_ =	shalt  }
0x51: {  	_ =	shalt  }
0x52: {  	_ =	shalt  }
0x53: {  	_ =	shalt  }
0x54: {  	_ =	shalt  }
0x55: {  	_ =	shalt  }
0x56: {  	_ =	shalt  }
0x57: {  	_ =	shalt  }
0x58: {  	_ =	shalt  }
0x59: {  	_ =	shalt  }
0x5a: {  	_ =	shalt  }
0x5b: {  	_ =	shalt  }
0x5c: {  	_ =	shalt  }
0x5d: {  	_ =	shalt  }
0x5e: {  	_ =	shalt  }
0x5f: {  	_ =	shalt  }
0x60: {  	_ =	shalt  }
0x61: {  	_ =	shalt  }
0x62: {  	_ =	shalt  }
0x63: {  	_ =	shalt  }
0x64: {  	_ =	shalt  }
0x65: {  	_ =	shalt  }
0x66: {  	_ =	shalt  }
0x67: {  	_ =	shalt  }
0x68: {  	_ =	shalt  }
0x69: {  	_ =	shalt  }
0x6a: {  	_ =	shalt  }
0x6b: {  	_ =	shalt  }
0x6c: {  	_ =	shalt  }
0x6d: {  	_ =	shalt  }
0x6e: {  	_ =	shalt  }
0x6f: {  	_ =	shalt  }
0x70: {  	_ =	shalt  }
0x71: {  	_ =	shalt  }
0x72: {  	_ =	shalt  }
0x73: {  	_ =	shalt  }
0x74: {  	_ =	shalt  }
0x75: {  	_ =	shalt  }
0x76: {  	_ =	shalt  }
0x77: {  	_ =	shalt  }
0x78: {  	_ =	shalt  }
0x79: {  	_ =	shalt  }
0x7a: {  	_ =	shalt  }
0x7b: {  	_ =	shalt  }
0x7c: {  	_ =	shalt  }
0x7d: {  	_ =	shalt  }
0x7e: {  	_ =	shalt  }
0x7f: {  	_ =	shalt  }
0x80: {  	_ =	shalt  }
0x81: {  	_ =	shalt  }
0x82: {  	_ =	shalt  }
0x83: {  	_ =	shalt  }
0x84: {  	_ =	shalt  }
0x85: {  	_ =	shalt  }
0x86: {  	_ =	shalt  }
0x87: {  	_ =	shalt  }
.Lfunc_end0:
.L_simem_size_0:
called_computation_lowered:
.L_overlay_start_0:
0x88: {  	s2 =	sld [smem:$0x3FD9]  }
0x89: {  	s3 =	sld [smem:$0x3FFE];
	_ =	sdelay $0x1  }
0x8a: {  	s1 =	srdreg.scid  }
0x8b: {  	s0 =	sand.u32 $0x1, s1  }
0x8c: {  	s17 =	sshll.u32 s0, $0xA;
	s2 =	sadd.s32 s3, s2  }
0x8d: {  	s2 =	sadd.s32 s2, s17  }
0x8e: {  	[smem:$0x3FC5] =	sst s2  }
0x8f: {  	_ = 	snop  }
0x90: {  	s2 =	sld [smem:$0x3FD0];
	(tm) =	ssettm $0x1  }
0x91: {  	s18 =	sld [smem:$0x3FFB];
	_ =	sdelay $0x3  }
0x92: {  	_ =	strace s18  }
0x93: {  	s3 =	sld [smem:$0x3FFC];
	_ =	sdelay $0x3  }
0x94: {  	_ =	strace s3  }
0x95: {  	s3 =	sld [smem:$0x3FFD];
	_ =	sdelay $0x3  }
0x96: {  	_ =	strace s3  }
0x97: {  	_ =	strace $0x8FFFFFFF  }
0x98: {  	s19 =	sld [smem:$0x3FDB];
	_ =	sdelay $0x1  }
0x99: {  	s4 =	simm.s32 $_scs_section_size  }
0x9a: {  	s5 =	simm.s32 $_size__tile_overlayer_lowered;
	s6 =	simm.s32 $_tile_overlayer_lowered  }
0x9b: {  	s22 =	simm.s32 $0x1BFF;
	s21 =	sshll.u32 s6, $0x1;
	s3 =	sadd.s32 s4, s19  }
0x9c: {  	s7 =	simm.s32 $0x0;
	s20 =	sshll.u32 s5, $0x1;
	s5 =	sadd.s32 s21, s3  }
0x9d: {  	[timem:s7], [sflag:s22] =	dma.local [hbm:s5], s20  }
0x9e: {  	_ =	swait.ge [sflag:s22], s20  }
0x9f: {  	s4 =	ssub.s32 $0x0, s20;
	[sflag:s22] =	ssyncset.done $0x0  }
0xa0: {  	[sflag:s22] =	ssyncadd.s32 s4;
	_ =	sdelay $0x1  }
0xa1: {  	s23 =	simm.s32 $0x1B8B  }
0xa2: {  	_ =	swait.ge [sflag:s23], $0x1  }
0xa3: {  	[sflag:s23] =	ssyncset.done $0x0  }
0xa4: {  	s25 =	simm.s32 $0x1B8E;
	s24 =	sld [smem:$0x3FFE];
	[sflag:s23] =	ssyncadd.s32 $0xFFFFFFFF  }
0xa5: {  	s26 =	simm.s32 $execute0_lowered;
	[smem:$0x3FD2] =	sst s25  }
0xa6: {  	s5 =	sshll.u32 s26, $0x1;
	_ =	strace $0x80000046;
	[dreg:$0x1] =	wrdreg $0xFFFFFFFF  }
0xa7: {  	s28 =	simm.s32 $_size_execute0_lowered;
	s3 =	sadd.s32 s3, s5;
	[dreg:$0x0] =	wrdreg $0x0  }
0xa8: {  	s5 =	sshll.u32 s28, $0x1;
	[dreg:$0x2] =	wrdreg s3  }
0xa9: {  	[dreg:$0x3] =	wrdreg s5  }
0xaa: {  	[dreg:$0x4] =	wrdreg $0xC0  }
0xab: {  	_ =	task [dreg:s7], $0x5FFFF  }
0xac: {  	[dreg:$0x1] =	wrdreg $0xFFFFFFFF  }
0xad: {  	[dreg:$0x0] =	wrdreg $0x60  }
0xae: {  	[dreg:$0x2] =	wrdreg s24  }
0xaf: {  	[dreg:$0x3] =	wrdreg s2  }
0xb0: {  	[dreg:$0x4] =	wrdreg $0x9  }
0xb1: {  	_ =	task.clear_ibuf [dreg:s7], $0x5FFFF;
	_ =	strace $0x90000046  }
0xb2: {  	s29 =	simm.s32 $0x9;
	_ =	strace $0x80000048  }
0xb3: {  	_ =	swait.ge [sflag:s29], $0x1  }
0xb4: {  	[sflag:s29] =	ssyncadd.s32 $0xFFFFFFFF  }
0xb5: {  	_ =	strace $0x90000048  }
0xb6: {  	_ =	sfence  }
0xb7: {  	s30 =	sld [smem:$0x0];
	_ =	sdelay $0x2  }
0xb8: {  	s31 =	sshll.u32 s1, $0xD;
	s1 =	sshrl.u32 s1, $0x2  }
0xb9: {  	s3 =	sand.u32 $0x4000, s31;
	s1 =	sadd.s32 s1, s30  }
0xba: {  	s0 =	sor.u32 s3, s0;
	s1 =	sshll.u32 s1, $0x11  }
0xbb: {  	s0 =	sor.u32 s1, s0  }
0xbc: {  	s0 =	sadd.s32 $0x8F2B, s0  }
0xbd: {  	[sflag:s0] =	ssyncadd.remote.s32 $0x1  }
0xbe: {  	_ =	sfence.sel $0xFFFF  }
0xbf: {  	[dreg:$0x0] =	wrdreg $0xFFFFFFFF;
	(pc) =	sbr.abs _section_cstart, $3  }
0xc0: {  	[dreg:$0x1] =	wrdreg $0xFFFFFFFF  }
0xc1: {  	_ =	task.clear_ibuf [dreg:s7], $0x2FFFF;
	_ =	strace $0x9FFFFFFF  }
0xc2: {  	(tm) =	ssettm $0x7FFFFFFF  }
0xc3: {  	_ =	shalt  }
tec
execute0_lowered:
.L_overlay_start_1:
0x0: {  	(tag) =	ssettag $0x1  }
0x1: {  	v0 =	vlaneseq.u32  }
0x2: {  	v2 =	vmul.u32 $0xC8, v0;
	_ =	sdelay $0x1  }
0x3: {  	v1 =	vadd.s32 $0xC80, v2;
	[tilespmem:$0x1FE00] =	vst v2  }
0x4: {  	v10 =	vadd.s32 $0x1900, v2;
	[tilespmem:$0x1FC20] =	vst v1  }
0x5: {  	v11 =	vadd.s32 $0x2580, v2;
	[tilespmem:$0x1FC30] =	vst v10  }
0x6: {  	v12 =	vadd.s32 $0x3200, v2;
	[tilespmem:$0x1FC40] =	vst v11  }
0x7: {  	v13 =	vadd.s32 $0x3E80, v2;
	[tilespmem:$0x1FC50] =	vst v12  }
0x8: {  	v14 =	vadd.s32 $0x4B00, v2;
	[tilespmem:$0x1FC60] =	vst v13  }
0x9: {  	v15 =	vadd.s32 $0x5780, v2;
	[tilespmem:$0x1FC70] =	vst v14  }
0xa: {  	v16 =	vor.u32 $0x1, v2;
	[tilespmem:$0x1FC80] =	vst v15  }
0xb: {  	v17 =	vadd.s32 $0xC81, v2;
	[tilespmem:$0x1FC90] =	vst v16  }
0xc: {  	v18 =	vadd.s32 $0x1901, v2;
	[tilespmem:$0x1FCA0] =	vst v17  }
0xd: {  	v19 =	vadd.s32 $0x2581, v2;
	[tilespmem:$0x1FCB0] =	vst v18  }
0xe: {  	v20 =	vadd.s32 $0x3201, v2;
	[tilespmem:$0x1FCC0] =	vst v19  }
0xf: {  	v21 =	vadd.s32 $0x3E81, v2;
	[tilespmem:$0x1FCD0] =	vst v20  }
0x10: {  	v22 =	vadd.s32 $0x4B01, v2;
	[tilespmem:$0x1FCE0] =	vst v21  }
0x11: {  	v23 =	vadd.s32 $0x5781, v2;
	[tilespmem:$0x1FCF0] =	vst v22  }
0x12: {  	v24 =	vor.u32 $0x2, v2;
	[tilespmem:$0x1FD00] =	vst v23  }
0x13: {  	v25 =	vadd.s32 $0xC82, v2;
	[tilespmem:$0x1FD10] =	vst v24  }
0x14: {  	v26 =	vadd.s32 $0x1902, v2;
	[tilespmem:$0x1FD20] =	vst v25  }
0x15: {  	v27 =	vadd.s32 $0x2582, v2;
	[tilespmem:$0x1FD30] =	vst v26  }
0x16: {  	v32 =	vadd.s32 $0x3202, v2;
	[tilespmem:$0x1FD40] =	vst v27  }
0x17: {  	v33 =	vadd.s32 $0x3E82, v2;
	[tilespmem:$0x1FD50] =	vst v32  }
0x18: {  	v34 =	vadd.s32 $0x4B02, v2;
	[tilespmem:$0x1FD60] =	vst v33  }
0x19: {  	v35 =	vadd.s32 $0x5782, v2;
	[tilespmem:$0x1FD70] =	vst v34  }
0x1a: {  	v36 =	vor.u32 $0x3, v2;
	[tilespmem:$0x1FD80] =	vst v35  }
0x1b: {  	v37 =	vadd.s32 $0xC83, v2;
	[tilespmem:$0x1FD90] =	vst v36  }
0x1c: {  	v38 =	vadd.s32 $0x1903, v2;
	[tilespmem:$0x1FDA0] =	vst v37  }
0x1d: {  	v39 =	vadd.s32 $0x2583, v2;
	[tilespmem:$0x1FDB0] =	vst v38  }
0x1e: {  	v40 =	vadd.s32 $0x3203, v2;
	[tilespmem:$0x1FDC0] =	vst v39  }
0x1f: {  	s0 =	srdreg.scid;
	s2 =	stileid.u32;
	v41 =	vadd.s32 $0x3E83, v2;
	[tilespmem:$0x1FDD0] =	vst v40  }
0x20: {  	s0 =	sand.u32 $0x1, s0;
	s3 =	sshll.u32 s2, $0x1;
	v55 =	vmul.u32 $0x88, v0;
	v43 =	vadd.s32 $0x4B03, v2;
	[tilespmem:$0x1FDE0] =	vst v41  }
0x21: {  	s1 =	rddreg [dreg:$0x0];
	s5 =	sor.u32 s0, s3;
	s3 =	simm.s32 $0x0;
	v44 =	vadd.s32 $0x5783, v2;
	[tilespmem:$0x1FDF0] =	vst v43  }
0x22: {  	[smem:$0x7FF] =	sst s3;
	v45 =	vor.u32 $0x2, v55;
	[tilespmem:$0x1FE10] =	vst v44  }
0x23: {  	s2 =	rddreg [dreg:$0x1];
	v46 =	vadd.s32 $0x885, v55;
	_ =	strace $0x80000047;
	[tilespmem:$0x1FE20] =	vst v45  }
0x24: {  	v49 =	vadd.s32 $0x1105, v55;
	[tilespmem:$0x1FE30] =	vst v46  }
0x25: {  	v50 =	vadd.s32 $0x1980, v55;
	[tilespmem:$0x1FE40] =	vst v49  }
0x26: {  	v39 =	vor.u32 $0x1, v55;
	[tilespmem:$0x1FE50] =	vst v50  }
0x27: {  	v52 =	vadd.s32 $0x881, v55;
	[tilespmem:$0x1FE60] =	vst v39  }
0x28: {  	v48 =	vadd.s32 $0x1981, v55;
	[tilespmem:$0x1FE70] =	vst v52  }
0x29: {  	v53 =	vadd.s32 $0x1101, v55;
	[tilespmem:$0x1FE80] =	vst v48  }
0x2a: {  	v58 =	vadd.s32 $0x1102, v55;
	[tilespmem:$0x1FE90] =	vst v53  }
0x2b: {  	v43 =	vadd.s32 $0x1982, v55;
	[tilespmem:$0x1FEA0] =	vst v58  }
0x2c: {  	v56 =	vor.u32 $0x3, v55;
	[tilespmem:$0x1FEB0] =	vst v43  }
0x2d: {  	v57 =	vadd.s32 $0x883, v55;
	[tilespmem:$0x1FEC0] =	vst v56  }
0x2e: {  	v59 =	vadd.s32 $0x1103, v55;
	[tilespmem:$0x1FED0] =	vst v57  }
0x2f: {  	v60 =	vadd.s32 $0x1983, v55;
	[tilespmem:$0x1FEE0] =	vst v59  }
0x30: {  	v47 =	vor.u32 $0x4, v55;
	[tilespmem:$0x1FEF0] =	vst v60  }
0x31: {  	v61 =	vadd.s32 $0x884, v55;
	[tilespmem:$0x1FF00] =	vst v47  }
0x32: {  	v63 =	vor.u32 $0x5, v55;
	[tilespmem:$0x1FF10] =	vst v61  }
0x33: {  	v54 =	vadd.s32 $0x880, v55;
	[tilespmem:$0x1FF20] =	vst v63  }
0x34: {  	v30 =	vadd.s32 $0x1985, v55;
	[tilespmem:$0x1FF30] =	vst v54  }
0x35: {  	v32 =	vor.u32 $0x6, v55;
	[tilespmem:$0x1FF40] =	vst v30  }
0x36: {  	v34 =	vadd.s32 $0x886, v55;
	[tilespmem:$0x1FF50] =	vst v32  }
0x37: {  	s11 =	simm.s32 $0x80;
	s12 =	simm.s32 $0x9600;
	s13 =	simm.s32 $0x9800;
	v31 =	vadd.s32 $0x1106, v55;
	[tilespmem:$0x1FF60] =	vst v34  }
0x38: {  	s14 =	simm.s32 $0x9680;
	s15 =	simm.s32 $0xB800;
	s16 =	simm.s32 $0x9700;
	v35 =	vadd.s32 $0x1986, v55;
	[tilespmem:$0x1FF70] =	vst v31  }
0x39: {  	s17 =	simm.s32 $0xD800;
	s18 =	simm.s32 $0x9780;
	s19 =	simm.s32 $0xF800;
	v36 =	vor.u32 $0x7, v55;
	[tilespmem:$0x1FF80] =	vst v35  }
0x3a: {  	s20 =	simm.s32 $0x1;
	s21 =	simm.s32 $0x11800;
	s0 =	ssub.s32 $0x2, s0;
	v37 =	vadd.s32 $0x887, v55;
	[tilespmem:$0x1FF90] =	vst v36  }
0x3b: {  	s22 =	simm.s32 $0x13A00;
	s4 =	smul.u32 $0xC80, s5;
	s30 =	sshrl.u32 s0, $0x1;
	v38 =	vadd.s32 $0x1107, v55;
	[tilespmem:$0x1FFA0] =	vst v37  }
.Ltmp0:
0x3c: {  	v42 =	vimm.s32 $0x0;
	vm0 =	vcmask $0x300;
	s23 =	simm.s32 $0x2;
	s0 =	ssub.s32 s0, s30;
	v40 =	vadd.s32 $0x882, v55;
	[tilespmem:$0x1FFB0] =	vst v38;
	(pc) =	sbr.rel .LBB2_1-.Ltmp0, $4  }
0x3d: {  	v33 =	vsel vm0, $0x3, v42;
	v42 =	vadd.s32 $0x1104, v55;
	s6 =	sadd.s32 s4, s1;
	s4 =	sadd.s32 $0x19C00, s1;
	s1 =	sadd.s32 $0x400, s1;
	[tilespmem:$0x1FFC0] =	vst v40  }
0x3e: {  	s24 =	simm.s32 $0x15C00;
	v62 =	vadd.s32 $0x1984, v55;
	s0 =	smax.u32 s0, $0x1;
	[tilespmem:$0x1FFD0] =	vst v42;
	[dreg:$0x3] =	wrdreg s1  }
0x3f: {  	s25 =	simm.s32 $0x17E00;
	v51 =	vadd.s32 $0x1100, v55;
	[tilespmem:$0x1FFE0] =	vst v62;
	s31 =	sadd.s32 $0xC00, s6;
	[dreg:$0x5] =	wrdreg s0  }
0x40: {  	s7 =	sshll.u32 s5, $0xA;
	s5 =	simm.s32 $0x0;
	[tilespmem:$0x1FFF0] =	vst v51;
	[dreg:$0x4] =	wrdreg s31  }
.LBB2_22:
0x41: {  	s0 =	simm.s32 $0x3  }
0x42: {  	_ =	swait.ge [sflag:s0], $0x2000  }
0x43: {  	[sflag:s0] =	ssyncset.done $0x0  }
0x44: {  	[sflag:s0] =	ssyncadd.s32 $0xFFFFE000  }
0x45: {  	_ =	swait.ge [sflag:s0], $0x2000  }
0x46: {  	[sflag:s0] =	ssyncset.done $0x0  }
0x47: {  	s1 =	simm.s32 $0x4;
	[sflag:s0] =	ssyncadd.s32 $0xFFFFE000  }
0x48: {  	_ =	swait.ge [sflag:s1], $0x2000  }
0x49: {  	[sflag:s1] =	ssyncset.done $0x0  }
0x4a: {  	[sflag:s1] =	ssyncadd.s32 $0xFFFFE000  }
0x4b: {  	_ =	swait.ge [sflag:s1], $0x2000  }
0x4c: {  	s5 =	rddreg [dreg:$0x6]  }
0x4d: {  	s31 =	rddreg [dreg:$0x5];
	s5 =	sadd.s32 $0x1, s5  }
0x4e: {  	p0 =	sne.s32 s5, s31  }
.Ltmp1:
0x4f: {  	_ = 	snop;
	(pc) =	sbr.rel @!p0 .LBB2_23-.Ltmp1, $3  }
0x50: {  	_ =	sdelay $0x1  }
0x51: {  	[sflag:s1] =	ssyncset.done $0x0  }
0x52: {  	[sflag:s1] =	ssyncadd.s32 $0xFFFFE000  }
.LBB2_1:
0x53: {  	[dreg:$0x6] =	wrdreg s5  }
0x54: {  	s0 =	rddreg [dreg:$0x4];
	s1 =	simm.s32 $0x5  }
0x55: {  	[tilespmem:s3], [sflag:$0x5] =	stream.linear.gather [hbm4b:s0+s3], $0x6400, $0x38;
	[tilespmem:$0x1A000] =	vst v63  }
0x56: {  	_ =	swait.ge [sflag:s1], $0x6400  }
0x57: {  	[sflag:s1] =	ssyncset.done $0x0  }
0x58: {  	s31 =	simm.s32 $0x6400;
	s29 =	rddreg [dreg:$0x3];
	[sflag:s1] =	ssyncadd.s32 $0xFFFF9C00  }
0x59: {  	[tilespmem:s31], [sflag:$0x5] =	stream.linear.gather [hbm4b:s29+s3], $0x3200, $0x38;
	[tilespmem:$0x1A000] =	vst v63  }
0x5a: {  	_ =	swait.ge [sflag:s1], $0x3200  }
0x5b: {  	v0 =	vld [tilespmem:$0x1FE00];
	_ =	sdelay $0x5  }
0x5c: {  	[sflag:s1] =	ssyncset.done $0x0  }
0x5d: {  	v46 =	vld [tilespmem:$0x1FC20];
	[sflag:s1] =	ssyncadd.s32 $0xFFFFCE00  }
0x5e: {  	v0 =	vld.idx.msk [tilespmem:v0+s3+$0x0], $0xffff;
	_ =	sdelay $0x4  }
0x5f: {  	v0 =	vshll.u32 v0, $0x1  }
0x60: {  	v49 =	vld [tilespmem:$0x1FC30];
	[tilespmem:$0x9600] =	vst v0  }
0x61: {  	v0 =	vld.idx.msk [tilespmem:v46+s3+$0x0], $0xffff;
	_ =	sdelay $0x4  }
0x62: {  	v0 =	vshll.u32 v0, $0x1  }
0x63: {  	v4 =	vld [tilespmem:$0x1FC40];
	[tilespmem:$0x9610] =	vst v0  }
0x64: {  	v0 =	vld.idx.msk [tilespmem:v49+s3+$0x0], $0xffff;
	_ =	sdelay $0x4  }
0x65: {  	v0 =	vshll.u32 v0, $0x1  }
0x66: {  	v5 =	vld [tilespmem:$0x1FC50];
	[tilespmem:$0x9620] =	vst v0  }
0x67: {  	v0 =	vld.idx.msk [tilespmem:v4+s3+$0x0], $0xffff;
	_ =	sdelay $0x4  }
0x68: {  	v0 =	vshll.u32 v0, $0x1  }
0x69: {  	v6 =	vld [tilespmem:$0x1FC60];
	[tilespmem:$0x9630] =	vst v0  }
0x6a: {  	v0 =	vld.idx.msk [tilespmem:v5+s3+$0x0], $0xffff;
	_ =	sdelay $0x4  }
0x6b: {  	v0 =	vshll.u32 v0, $0x1  }
0x6c: {  	v7 =	vld [tilespmem:$0x1FC70];
	[tilespmem:$0x9640] =	vst v0  }
0x6d: {  	v0 =	vld.idx.msk [tilespmem:v6+s3+$0x0], $0xffff;
	_ =	sdelay $0x4  }
0x6e: {  	v0 =	vshll.u32 v0, $0x1  }
0x6f: {  	v8 =	vld [tilespmem:$0x1FC80];
	[tilespmem:$0x9650] =	vst v0  }
0x70: {  	v0 =	vld.idx.msk [tilespmem:v7+s3+$0x0], $0xffff;
	_ =	sdelay $0x4  }
0x71: {  	v0 =	vshll.u32 v0, $0x1  }
0x72: {  	v9 =	vld [tilespmem:$0x1FC90];
	[tilespmem:$0x9660] =	vst v0  }
0x73: {  	v0 =	vld.idx.msk [tilespmem:v8+s3+$0x0], $0xffff;
	_ =	sdelay $0x4  }
0x74: {  	v0 =	vshll.u32 v0, $0x1  }
0x75: {  	v10 =	vld [tilespmem:$0x1FCA0];
	[tilespmem:$0x9670] =	vst v0  }
0x76: {  	v0 =	vld.idx.msk [tilespmem:v9+s3+$0x0], $0xffff;
	_ =	sdelay $0x4  }
0x77: {  	v0 =	vshll.u32 v0, $0x1  }
0x78: {  	v11 =	vld [tilespmem:$0x1FCB0];
	[tilespmem:$0x9680] =	vst v0  }
0x79: {  	v0 =	vld.idx.msk [tilespmem:v10+s3+$0x0], $0xffff;
	_ =	sdelay $0x4  }
0x7a: {  	v0 =	vshll.u32 v0, $0x1  }
0x7b: {  	v12 =	vld [tilespmem:$0x1FCC0];
	[tilespmem:$0x9690] =	vst v0  }
0x7c: {  	v0 =	vld.idx.msk [tilespmem:v11+s3+$0x0], $0xffff;
	_ =	sdelay $0x4  }
0x7d: {  	v0 =	vshll.u32 v0, $0x1  }
0x7e: {  	v13 =	vld [tilespmem:$0x1FCD0];
	[tilespmem:$0x96A0] =	vst v0  }
0x7f: {  	v0 =	vld.idx.msk [tilespmem:v12+s3+$0x0], $0xffff;
	_ =	sdelay $0x4  }
0x80: {  	v0 =	vshll.u32 v0, $0x1  }
0x81: {  	v14 =	vld [tilespmem:$0x1FCE0];
	[tilespmem:$0x96B0] =	vst v0  }
0x82: {  	v0 =	vld.idx.msk [tilespmem:v13+s3+$0x0], $0xffff;
	_ =	sdelay $0x4  }
0x83: {  	v0 =	vshll.u32 v0, $0x1  }
0x84: {  	v15 =	vld [tilespmem:$0x1FCF0];
	[tilespmem:$0x96C0] =	vst v0  }
0x85: {  	v0 =	vld.idx.msk [tilespmem:v14+s3+$0x0], $0xffff;
	_ =	sdelay $0x4  }
0x86: {  	v0 =	vshll.u32 v0, $0x1  }
0x87: {  	v16 =	vld [tilespmem:$0x1FD00];
	[tilespmem:$0x96D0] =	vst v0  }
0x88: {  	v0 =	vld.idx.msk [tilespmem:v15+s3+$0x0], $0xffff;
	_ =	sdelay $0x4  }
0x89: {  	v0 =	vshll.u32 v0, $0x1  }
0x8a: {  	[tilespmem:$0x96E0] =	vst v0  }
0x8b: {  	v0 =	vld.idx.msk [tilespmem:v16+s3+$0x0], $0xffff;
	_ =	sdelay $0x1  }
0x8c: {  	v17 =	vld [tilespmem:$0x1FD10];
	_ =	sdelay $0x2  }
0x8d: {  	v0 =	vshll.u32 v0, $0x1  }
0x8e: {  	[tilespmem:$0x96F0] =	vst v0  }
0x8f: {  	[tilespmem:s13], [sflag:$0x1] =	stream.indirect.gather [hbm4b:s4+s11], $0x40, s12, s11, $0xb8;
	[tilespmem:$0x1A000] =	vst v63  }
0x90: {  	_ = 	snop  }
0x91: {  	v18 =	vld [tilespmem:$0x1FD20];
	[tilespmem:s15], [sflag:$0x1] =	stream.indirect.gather [hbm4b:s4+s11], $0x40, s14, s11, $0xb8  }
0x92: {  	v0 =	vld.idx.msk [tilespmem:v17+s3+$0x0], $0xffff;
	_ =	sdelay $0x4  }
0x93: {  	v0 =	vshll.u32 v0, $0x1  }
0x94: {  	v19 =	vld [tilespmem:$0x1FD30];
	[tilespmem:$0x9700] =	vst v0  }
0x95: {  	v0 =	vld.idx.msk [tilespmem:v18+s3+$0x0], $0xffff;
	_ =	sdelay $0x4  }
0x96: {  	v0 =	vshll.u32 v0, $0x1  }
0x97: {  	v20 =	vld [tilespmem:$0x1FD40];
	[tilespmem:$0x9710] =	vst v0  }
0x98: {  	v0 =	vld.idx.msk [tilespmem:v19+s3+$0x0], $0xffff;
	_ =	sdelay $0x4  }
0x99: {  	v0 =	vshll.u32 v0, $0x1  }
0x9a: {  	v21 =	vld [tilespmem:$0x1FD50];
	[tilespmem:$0x9720] =	vst v0  }
0x9b: {  	v0 =	vld.idx.msk [tilespmem:v20+s3+$0x0], $0xffff;
	_ =	sdelay $0x4  }
0x9c: {  	v0 =	vshll.u32 v0, $0x1  }
0x9d: {  	v22 =	vld [tilespmem:$0x1FD60];
	[tilespmem:$0x9730] =	vst v0  }
0x9e: {  	v0 =	vld.idx.msk [tilespmem:v21+s3+$0x0], $0xffff;
	_ =	sdelay $0x4  }
0x9f: {  	v0 =	vshll.u32 v0, $0x1  }
0xa0: {  	v23 =	vld [tilespmem:$0x1FD70];
	[tilespmem:$0x9740] =	vst v0  }
0xa1: {  	v0 =	vld.idx.msk [tilespmem:v22+s3+$0x0], $0xffff;
	_ =	sdelay $0x4  }
0xa2: {  	v0 =	vshll.u32 v0, $0x1  }
0xa3: {  	v24 =	vld [tilespmem:$0x1FD80];
	[tilespmem:$0x9750] =	vst v0  }
0xa4: {  	v0 =	vld.idx.msk [tilespmem:v23+s3+$0x0], $0xffff;
	_ =	sdelay $0x4  }
0xa5: {  	v0 =	vshll.u32 v0, $0x1  }
0xa6: {  	v25 =	vld [tilespmem:$0x1FD90];
	[tilespmem:$0x9760] =	vst v0  }
0xa7: {  	v0 =	vld.idx.msk [tilespmem:v24+s3+$0x0], $0xffff;
	_ =	sdelay $0x4  }
0xa8: {  	v0 =	vshll.u32 v0, $0x1  }
0xa9: {  	v26 =	vld [tilespmem:$0x1FDA0];
	[tilespmem:$0x9770] =	vst v0  }
0xaa: {  	v0 =	vld.idx.msk [tilespmem:v25+s3+$0x0], $0xffff;
	_ =	sdelay $0x4  }
0xab: {  	v0 =	vshll.u32 v0, $0x1  }
0xac: {  	v27 =	vld [tilespmem:$0x1FDB0];
	[tilespmem:$0x9780] =	vst v0  }
0xad: {  	v0 =	vld.idx.msk [tilespmem:v26+s3+$0x0], $0xffff;
	_ =	sdelay $0x4  }
0xae: {  	v0 =	vshll.u32 v0, $0x1  }
0xaf: {  	v41 =	vld [tilespmem:$0x1FDC0];
	[tilespmem:$0x9790] =	vst v0  }
0xb0: {  	v0 =	vld.idx.msk [tilespmem:v27+s3+$0x0], $0xffff;
	_ =	sdelay $0x4  }
0xb1: {  	v0 =	vshll.u32 v0, $0x1  }
0xb2: {  	v44 =	vld [tilespmem:$0x1FDD0];
	[tilespmem:$0x97A0] =	vst v0  }
0xb3: {  	v0 =	vld.idx.msk [tilespmem:v41+s3+$0x0], $0xffff;
	_ =	sdelay $0x4  }
0xb4: {  	v0 =	vshll.u32 v0, $0x1  }
0xb5: {  	v45 =	vld [tilespmem:$0x1FDE0];
	[tilespmem:$0x97B0] =	vst v0  }
0xb6: {  	v0 =	vld.idx.msk [tilespmem:v44+s3+$0x0], $0xffff;
	_ =	sdelay $0x4  }
0xb7: {  	v0 =	vshll.u32 v0, $0x1  }
0xb8: {  	v46 =	vld [tilespmem:$0x1FDF0];
	[tilespmem:$0x97C0] =	vst v0  }
0xb9: {  	v0 =	vld.idx.msk [tilespmem:v45+s3+$0x0], $0xffff;
	_ =	sdelay $0x4  }
0xba: {  	v0 =	vshll.u32 v0, $0x1  }
0xbb: {  	v49 =	vld [tilespmem:$0x1FE10];
	[tilespmem:$0x97D0] =	vst v0  }
0xbc: {  	v0 =	vld.idx.msk [tilespmem:v46+s3+$0x0], $0xffff;
	_ =	sdelay $0x4  }
0xbd: {  	v0 =	vshll.u32 v0, $0x1  }
0xbe: {  	[tilespmem:$0x97E0] =	vst v0  }
0xbf: {  	v0 =	vld.idx.msk [tilespmem:v49+s3+$0x0], $0xffff;
	_ =	sdelay $0x4  }
0xc0: {  	v0 =	vshll.u32 v0, $0x1  }
0xc1: {  	[tilespmem:$0x97F0] =	vst v0  }
0xc2: {  	[tilespmem:s17], [sflag:$0x2] =	stream.indirect.gather [hbm4b:s4+s11], $0x40, s16, s11, $0xb8;
	[tilespmem:$0x1A000] =	vst v63  }
0xc3: {  	s30 =	simm.s32 $0x0  }
0xc4: {  	[tilespmem:s19], [sflag:$0x2] =	stream.indirect.gather [hbm4b:s4+s11], $0x40, s18, s11, $0xb8;
	[tilespmem:$0x1A000] =	vst v63  }
.LBB2_2:
0xc5: {  	_ =	swait.ge [sflag:s20], $0x2000  }
0xc6: {  	[sflag:s20] =	ssyncset.done $0x0  }
0xc7: {  	[sflag:s20] =	ssyncadd.s32 $0xFFFFE000  }
0xc8: {  	_ =	swait.ge [sflag:s20], $0x2000  }
0xc9: {  	p1 =	seq.s32 s30, $0x0;
	[sflag:s20] =	ssyncset.done $0x0  }
0xca: {  	s0 =	simm.s32 @!p1 $0x3;
	[sflag:s20] =	ssyncadd.s32 $0xFFFFE000  }
0xcb: {  	_ =	swait.ge @!p1 [sflag:s0], $0x2000  }
0xcc: {  	s10 =	sshll.u32 s30, $0x8;
	[sflag:s0] =	ssyncset.done @!p1 $0x0  }
0xcd: {  	s1 =	simm.s32 $0x0;
	s5 =	simm.s32 $0x1;
	[sflag:s0] =	ssyncadd.s32 @!p1 $0xFFFFE000  }
0xce: {  	s26 =	simm.s32 $0x2;
	s28 =	simm.s32 $0x3;
	_ =	swait.ge @!p1 [sflag:s0], $0x2000  }
0xcf: {  	s6 =	simm.s32 $0x4;
	s29 =	simm.s32 $0x5;
	v0 =	vmov s1;
	v1 =	vmov s5;
	[sflag:s0] =	ssyncset.done @!p1 $0x0  }
0xd0: {  	s31 =	simm.s32 $0x6;
	v2 =	vmov s26;
	v3 =	vmov s28;
	v4 =	vmov s6;
	v44 =	vld [tilespmem:$0x1FE20];
	[sflag:s0] =	ssyncadd.s32 @!p1 $0xFFFFE000;
	s0 =	sand.u32 $0x3FFFFF00, s10  }
0xd1: {  	v5 =	vmov s29;
	v6 =	vmov s31;
	s6 =	simm.s32 $0x7;
	v0 =	vshrl.u32 v0, $0x3;
	v12 =	vld [tilespmem:s0+$0x6400]  }
0xd2: {  	v1 =	vshrl.u32 v1, $0x3;
	v7 =	vmov s6;
	v2 =	vshrl.u32 v2, $0x3;
	v11 =	vld [tilespmem:s0+$0x6410]  }
0xd3: {  	v3 =	vshrl.u32 v3, $0x3;
	v4 =	vshrl.u32 v4, $0x3;
	v7 =	vshrl.u32 v7, $0x3;
	v10 =	vld [tilespmem:s0+$0x6420]  }
0xd4: {  	v5 =	vshrl.u32 v5, $0x3;
	v6 =	vshrl.u32 v6, $0x3;
	v7 =	vshll.u32 v7, v33;
	v9 =	vld [tilespmem:s0+$0x6430];
	s0 =	simm.s32 $0x9900  }
0xd5: {  	v0 =	vshll.u32 v0, v33;
	v1 =	vshll.u32 v1, v33;
	v7 =	vbroadcast v7, $0x0;
	v8 =	vld [tilespmem:s0+$0xC0]  }
0xd6: {  	v2 =	vshll.u32 v2, v33;
	v3 =	vshll.u32 v3, v33;
	v0 =	vbroadcast v0, $0x0;
	v13 =	vld [tilespmem:s0+$0xFFFFFF00]  }
0xd7: {  	v4 =	vshll.u32 v4, v33;
	v1 =	vbroadcast v1, $0x0;
	v15 =	vadd.s32 v36, v7;
	v14 =	vld [tilespmem:s0+$0xFFFFFF40]  }
0xd8: {  	v5 =	vshll.u32 v5, v33;
	v2 =	vbroadcast v2, $0x0;
	v16 =	vadd.s32 v55, v0;
	v17 =	vld [tilespmem:s0+$0xFFFFFF80]  }
0xd9: {  	v6 =	vshll.u32 v6, v33;
	v3 =	vbroadcast v3, $0x0;
	v18 =	vadd.s32 v39, v1;
	v19 =	vld [tilespmem:s0+$0xFFFFFFC0]  }
0xda: {  	v4 =	vbroadcast v4, $0x0;
	v21 =	vld [tilespmem:s0+$0x0];
	v20 =	vadd.s32 v44, v2;
	v8 =	vadd.f32 v8, v12  }
0xdb: {  	v24 =	vbroadcast v5, $0x0;
	v22 =	vadd.s32 v56, v3;
	v23 =	vld [tilespmem:s0+$0x40];
	v13 =	vadd.f32 v13, v12  }
0xdc: {  	v26 =	vbroadcast v6, $0x0;
	v25 =	vld [tilespmem:s0+$0x80];
	v5 =	vadd.f32 v14, v12;
	v14 =	vadd.s32 v47, v4;
	[tilespmem:v15+s21+$0x0] =	vst.idx.msk $0xffff, v8  }
0xdd: {  	v6 =	vadd.f32 v17, v12;
	[tilespmem:v16+s21+$0x0] =	vst.idx.msk $0xffff, v13;
	v8 =	vadd.s32 v63, v24;
	v13 =	vld [tilespmem:s0+$0xD0]  }
0xde: {  	[tilespmem:v18+s21+$0x0] =	vst.idx.msk $0xffff, v5;
	v5 =	vadd.f32 v19, v12;
	v16 =	vadd.s32 v32, v26;
	v15 =	vld [tilespmem:s0+$0xFFFFFF10]  }
0xdf: {  	[tilespmem:v20+s21+$0x0] =	vst.idx.msk $0xffff, v6;
	v6 =	vadd.f32 v21, v12;
	v18 =	vadd.s32 v37, v7  }
0xe0: {  	v19 =	vadd.s32 v54, v0;
	[tilespmem:v22+s21+$0x0] =	vst.idx.msk $0xffff, v5;
	v5 =	vadd.f32 v23, v12  }
0xe1: {  	[tilespmem:v14+s21+$0x0] =	vst.idx.msk $0xffff, v6;
	v6 =	vadd.f32 v25, v12  }
0xe2: {  	[tilespmem:v8+s21+$0x0] =	vst.idx.msk $0xffff, v5;
	v5 =	vadd.f32 v13, v11  }
0xe3: {  	[tilespmem:v16+s21+$0x0] =	vst.idx.msk $0xffff, v6;
	v8 =	vadd.f32 v15, v11  }
0xe4: {  	v17 =	vld [tilespmem:s0+$0xFFFFFF50];
	[tilespmem:v18+s21+$0x0] =	vst.idx.msk $0xffff, v5  }
0xe5: {  	v20 =	vld [tilespmem:s0+$0xFFFFFF90];
	[tilespmem:v19+s21+$0x0] =	vst.idx.msk $0xffff, v8  }
0xe6: {  	v46 =	vld [tilespmem:$0x1FE30]  }
0xe7: {  	v41 =	vadd.s32 v52, v1;
	v22 =	vld [tilespmem:s0+$0xFFFFFFD0]  }
0xe8: {  	v14 =	vadd.s32 v40, v2;
	v45 =	vld [tilespmem:s0+$0x10]  }
0xe9: {  	v13 =	vadd.s32 v57, v3;
	v15 =	vld [tilespmem:s0+$0x50]  }
0xea: {  	v16 =	vadd.s32 v61, v4;
	v6 =	vadd.f32 v17, v11;
	v17 =	vld [tilespmem:s0+$0x90]  }
0xeb: {  	v5 =	vadd.f32 v20, v11;
	v18 =	vld [tilespmem:s0+$0xE0];
	v8 =	vadd.s32 v46, v24  }
0xec: {  	v20 =	vadd.s32 v34, v26;
	v19 =	vld [tilespmem:s0+$0xFFFFFF20];
	[tilespmem:v41+s21+$0x0] =	vst.idx.msk $0xffff, v6;
	v6 =	vadd.f32 v22, v11  }
0xed: {  	[tilespmem:v14+s21+$0x0] =	vst.idx.msk $0xffff, v5;
	v5 =	vadd.f32 v45, v11;
	v14 =	vadd.s32 v38, v7  }
0xee: {  	v49 =	vadd.s32 v51, v0;
	[tilespmem:v13+s21+$0x0] =	vst.idx.msk $0xffff, v6;
	v6 =	vadd.f32 v15, v11  }
0xef: {  	[tilespmem:v16+s21+$0x0] =	vst.idx.msk $0xffff, v5;
	v5 =	vadd.f32 v17, v11  }
0xf0: {  	v21 =	vld [tilespmem:s0+$0xFFFFFF60];
	[tilespmem:v8+s21+$0x0] =	vst.idx.msk $0xffff, v6;
	v6 =	vadd.f32 v18, v10  }
0xf1: {  	v41 =	vld [tilespmem:s0+$0xFFFFFFA0];
	[tilespmem:v20+s21+$0x0] =	vst.idx.msk $0xffff, v5;
	v8 =	vadd.f32 v19, v10  }
0xf2: {  	v15 =	vld [tilespmem:s0+$0xFFFFFFE0];
	[tilespmem:v14+s21+$0x0] =	vst.idx.msk $0xffff, v6  }
0xf3: {  	v13 =	vadd.s32 v53, v1;
	v17 =	vld [tilespmem:s0+$0x20];
	[tilespmem:v49+s21+$0x0] =	vst.idx.msk $0xffff, v8  }
0xf4: {  	v16 =	vadd.s32 v58, v2;
	v29 =	vld [tilespmem:$0x1FE40]  }
0xf5: {  	v45 =	vld [tilespmem:s0+$0xA0];
	v18 =	vadd.s32 v59, v3  }
0xf6: {  	v5 =	vadd.f32 v21, v10;
	v19 =	vld [tilespmem:s0+$0x60]  }
0xf7: {  	v6 =	vadd.f32 v41, v10;
	v22 =	vld [tilespmem:s0+$0xF0]  }
0xf8: {  	s8 =	simm.s32 $0x8;
	v20 =	vadd.s32 v42, v4;
	[tilespmem:v13+s21+$0x0] =	vst.idx.msk $0xffff, v5;
	v5 =	vadd.f32 v15, v10;
	v8 =	vmov v46;
	v46 =	vld [tilespmem:s0+$0xFFFFFF30]  }
0xf9: {  	v15 =	vmov s8;
	v49 =	vld [tilespmem:s0+$0xFFFFFF70];
	[tilespmem:v16+s21+$0x0] =	vst.idx.msk $0xffff, v6;
	v14 =	vadd.s32 v29, v24  }
0xfa: {  	v41 =	vadd.s32 $0x1987, v55;
	v13 =	vadd.s32 v31, v26;
	v27 =	vshrl.u32 v15, $0x3;
	v15 =	vld [tilespmem:s0+$0xFFFFFFB0];
	[tilespmem:v18+s21+$0x0] =	vst.idx.msk $0xffff, v5  }
0xfb: {  	v0 =	vadd.s32 v50, v0;
	v6 =	vadd.f32 v17, v10;
	v16 =	vadd.s32 v41, v7;
	v17 =	vld [tilespmem:s0+$0xFFFFFFF0]  }
0xfc: {  	v1 =	vadd.s32 v48, v1;
	v3 =	vadd.s32 v60, v3;
	v5 =	vadd.f32 v19, v10  }
0xfd: {  	v7 =	vadd.f32 v45, v10;
	[tilespmem:v20+s21+$0x0] =	vst.idx.msk $0xffff, v6;
	v20 =	vadd.s32 v43, v2  }
0xfe: {  	s9 =	simm.s32 $0x9;
	v45 =	vld [tilespmem:s0+$0x30];
	v18 =	vadd.f32 v46, v9;
	[tilespmem:v14+s21+$0x0] =	vst.idx.msk $0xffff, v5;
	v14 =	vadd.f32 v22, v9  }
0xff: {  	s10 =	simm.s32 $0xA;
	v19 =	vmov s9;
	[tilespmem:v13+s21+$0x0] =	vst.idx.msk $0xffff, v7;
	v46 =	vadd.f32 v49, v9;
	v49 =	vadd.f32 v15, v9;
	v15 =	vld [tilespmem:s0+$0x70]  }
0x100: {  	s28 =	simm.s32 $0xC;
	s29 =	simm.s32 $0xD;
	v6 =	vmov s10;
	v2 =	vadd.s32 v62, v4;
	[tilespmem:v16+s21+$0x0] =	vst.idx.msk $0xffff, v14;
	v16 =	vadd.f32 v17, v9;
	v17 =	vld [tilespmem:s0+$0xB0]  }
0x101: {  	v4 =	vadd.s32 v30, v24;
	v7 =	vmov s28;
	v13 =	vmov s29;
	[tilespmem:v0+s21+$0x0] =	vst.idx.msk $0xffff, v18  }
0x102: {  	s26 =	simm.s32 $0xB;
	s31 =	simm.s32 $0xE;
	[tilespmem:v1+s21+$0x0] =	vst.idx.msk $0xffff, v46;
	v0 =	vadd.s32 v35, v26;
	v18 =	vshll.u32 v27, v33;
	v1 =	vshrl.u32 v19, $0x3  }
0x103: {  	s5 =	simm.s32 $0xF;
	s1 =	simm.s32 $0x10;
	[tilespmem:v20+s21+$0x0] =	vst.idx.msk $0xffff, v49;
	v19 =	vadd.f32 v45, v9;
	v5 =	vmov s26;
	v14 =	vmov s31  }
.LBB2_3:
0x104: {  	p0 =	slt.u32 s1, $0x78;
	v6 =	vshrl.u32 v6, $0x3;
	v20 =	vmov s5;
	[tilespmem:v3+s21+$0x0] =	vst.idx.msk $0xffff, v16;
	v3 =	vadd.f32 v15, v9  }
0x105: {  	v5 =	vshrl.u32 v5, $0x3;
	v15 =	vshrl.u32 v20, $0x3;
	[tilespmem:v2+s21+$0x0] =	vst.idx.msk $0xffff, v19;
	v2 =	vadd.f32 v17, v9  }
0x106: {  	v16 =	vshrl.u32 v7, $0x3;
	v13 =	vshrl.u32 v13, $0x3;
	s0 =	sadd.s32 $0x200, s0;
	v7 =	vshll.u32 v15, v33;
	[tilespmem:v4+s21+$0x0] =	vst.idx.msk $0xffff, v3  }
0x107: {  	v14 =	vshrl.u32 v14, $0x3;
	v3 =	vbroadcast v18, $0x0;
	v15 =	vld [tilespmem:s0+$0xC0];
	v7 =	vbroadcast v7, $0x0;
	[tilespmem:v0+s21+$0x0] =	vst.idx.msk $0xffff, v2  }
0x108: {  	v1 =	vshll.u32 v1, v33;
	v4 =	vshll.u32 v5, v33;
	v2 =	vshll.u32 v6, v33;
	v0 =	vld [tilespmem:s0+$0xFFFFFF00]  }
0x109: {  	v6 =	vbroadcast v1, $0x0;
	v1 =	vshll.u32 v16, v33;
	v17 =	vld [tilespmem:s0+$0xFFFFFF40];
	v16 =	vadd.s32 v36, v7  }
0x10a: {  	v13 =	vshll.u32 v13, v33;
	v18 =	vadd.s32 v55, v3;
	v5 =	vbroadcast v2, $0x0;
	v19 =	vld [tilespmem:s0+$0xFFFFFF80]  }
0x10b: {  	v14 =	vshll.u32 v14, v33;
	v4 =	vbroadcast v4, $0x0;
	v20 =	vadd.s32 v39, v6;
	v21 =	vld [tilespmem:s0+$0xFFFFFFC0]  }
0x10c: {  	v2 =	vbroadcast v1, $0x0;
	v22 =	vadd.s32 v44, v5;
	v23 =	vld [tilespmem:s0+$0x0];
	v15 =	vadd.f32 v15, v12  }
0x10d: {  	v25 =	vadd.s32 v56, v4;
	v24 =	vadd.f32 v0, v12;
	v26 =	vld [tilespmem:s0+$0x40];
	v0 =	vbroadcast v13, $0x0  }
0x10e: {  	v1 =	vbroadcast v14, $0x0;
	v13 =	vadd.f32 v17, v12;
	v17 =	vadd.s32 v47, v2;
	v27 =	vld [tilespmem:s0+$0x80];
	[tilespmem:v16+s21+$0x0] =	vst.idx.msk $0xffff, v15  }
0x10f: {  	[tilespmem:v18+s21+$0x0] =	vst.idx.msk $0xffff, v24;
	v14 =	vadd.f32 v19, v12;
	v15 =	vadd.s32 v63, v0;
	v16 =	vld [tilespmem:s0+$0xD0]  }
0x110: {  	v19 =	vadd.s32 v32, v1;
	v18 =	vld [tilespmem:s0+$0xFFFFFF10];
	[tilespmem:v20+s21+$0x0] =	vst.idx.msk $0xffff, v13;
	v13 =	vadd.f32 v21, v12  }
0x111: {  	v21 =	vadd.s32 v37, v7;
	v20 =	vld [tilespmem:s0+$0xFFFFFF50];
	[tilespmem:v22+s21+$0x0] =	vst.idx.msk $0xffff, v14;
	v14 =	vadd.f32 v23, v12  }
0x112: {  	v22 =	vadd.s32 v54, v3;
	v23 =	vld [tilespmem:s0+$0xFFFFFF90];
	[tilespmem:v25+s21+$0x0] =	vst.idx.msk $0xffff, v13;
	v13 =	vadd.f32 v26, v12  }
0x113: {  	v24 =	vadd.s32 v52, v6;
	v25 =	vld [tilespmem:s0+$0xFFFFFFD0];
	[tilespmem:v17+s21+$0x0] =	vst.idx.msk $0xffff, v14;
	v14 =	vadd.f32 v27, v12  }
0x114: {  	v17 =	vadd.s32 v40, v5;
	v26 =	vld [tilespmem:s0+$0x10];
	[tilespmem:v15+s21+$0x0] =	vst.idx.msk $0xffff, v13;
	v13 =	vadd.f32 v16, v11  }
0x115: {  	v16 =	vadd.s32 v57, v4;
	v15 =	vadd.f32 v18, v11;
	v18 =	vld [tilespmem:s0+$0x50];
	[tilespmem:v19+s21+$0x0] =	vst.idx.msk $0xffff, v14  }
0x116: {  	v19 =	vadd.s32 v61, v2;
	v14 =	vadd.f32 v20, v11;
	v20 =	vld [tilespmem:s0+$0x90];
	[tilespmem:v21+s21+$0x0] =	vst.idx.msk $0xffff, v13  }
0x117: {  	[tilespmem:v22+s21+$0x0] =	vst.idx.msk $0xffff, v15;
	v13 =	vadd.f32 v23, v11;
	v15 =	vadd.s32 v8, v0;
	v21 =	vld [tilespmem:s0+$0xE0]  }
0x118: {  	v23 =	vadd.s32 v34, v1;
	v22 =	vld [tilespmem:s0+$0xFFFFFF20];
	[tilespmem:v24+s21+$0x0] =	vst.idx.msk $0xffff, v14;
	v14 =	vadd.f32 v25, v11  }
0x119: {  	v24 =	vld [tilespmem:s0+$0xFFFFFF60];
	[tilespmem:v17+s21+$0x0] =	vst.idx.msk $0xffff, v13;
	v13 =	vadd.f32 v26, v11;
	v17 =	vadd.s32 v38, v7  }
0x11a: {  	v25 =	vadd.s32 v51, v3;
	v26 =	vld [tilespmem:s0+$0xFFFFFFA0];
	[tilespmem:v16+s21+$0x0] =	vst.idx.msk $0xffff, v14;
	v14 =	vadd.f32 v18, v11  }
0x11b: {  	v16 =	vadd.s32 v53, v6;
	v18 =	vld [tilespmem:s0+$0xFFFFFFE0];
	[tilespmem:v19+s21+$0x0] =	vst.idx.msk $0xffff, v13;
	v13 =	vadd.f32 v20, v11  }
0x11c: {  	v19 =	vadd.s32 v58, v5;
	v20 =	vld [tilespmem:s0+$0x20];
	[tilespmem:v15+s21+$0x0] =	vst.idx.msk $0xffff, v14;
	v14 =	vadd.f32 v21, v10  }
0x11d: {  	v21 =	vadd.s32 v59, v4;
	v15 =	vadd.f32 v22, v10;
	v22 =	vld [tilespmem:s0+$0x60];
	[tilespmem:v23+s21+$0x0] =	vst.idx.msk $0xffff, v13  }
0x11e: {  	v23 =	vadd.s32 v42, v2;
	v13 =	vadd.f32 v24, v10;
	v24 =	vld [tilespmem:s0+$0xA0];
	[tilespmem:v17+s21+$0x0] =	vst.idx.msk $0xffff, v14  }
0x11f: {  	[tilespmem:v25+s21+$0x0] =	vst.idx.msk $0xffff, v15;
	v14 =	vadd.f32 v26, v10;
	v15 =	vadd.s32 v29, v0;
	v17 =	vld [tilespmem:s0+$0xF0]  }
0x120: {  	v25 =	vld [tilespmem:s0+$0xFFFFFF30];
	[tilespmem:v16+s21+$0x0] =	vst.idx.msk $0xffff, v13;
	v13 =	vadd.f32 v18, v10;
	v16 =	vadd.s32 v31, v1  }
0x121: {  	v18 =	vmov s1;
	v26 =	vld [tilespmem:s0+$0xFFFFFF70];
	[tilespmem:v19+s21+$0x0] =	vst.idx.msk $0xffff, v14;
	v14 =	vadd.f32 v20, v10;
	v19 =	vadd.s32 v41, v7  }
0x122: {  	s5 =	sadd.s32 $0x1, s1;
	v18 =	vshrl.u32 v18, $0x3;
	v20 =	vadd.s32 v50, v3;
	v27 =	vld [tilespmem:s0+$0xFFFFFFB0];
	[tilespmem:v21+s21+$0x0] =	vst.idx.msk $0xffff, v13;
	v3 =	vadd.f32 v22, v10  }
0x123: {  	v21 =	vmov s5;
	s5 =	sadd.s32 $0x2, s1;
	v22 =	vadd.s32 v48, v6;
	v28 =	vld [tilespmem:s0+$0xFFFFFFF0];
	[tilespmem:v23+s21+$0x0] =	vst.idx.msk $0xffff, v14;
	v7 =	vadd.f32 v24, v10  }
0x124: {  	v6 =	vmov s5;
	s5 =	sadd.s32 $0x3, s1;
	v23 =	vadd.s32 v43, v5;
	v24 =	vld [tilespmem:s0+$0x30];
	[tilespmem:v15+s21+$0x0] =	vst.idx.msk $0xffff, v3;
	v13 =	vadd.f32 v17, v9  }
.Ltmp2:
0x125: {  	v5 =	vmov s5;
	s5 =	sadd.s32 $0x4, s1;
	v3 =	vadd.s32 v60, v4;
	v14 =	vadd.f32 v25, v9;
	v15 =	vld [tilespmem:s0+$0x70];
	[tilespmem:v16+s21+$0x0] =	vst.idx.msk $0xffff, v7;
	(pc) =	sbr.rel @p0 .LBB2_3-.Ltmp2, $4  }
0x126: {  	v2 =	vadd.s32 v62, v2;
	v7 =	vmov s5;
	s5 =	sadd.s32 $0x5, s1;
	v16 =	vadd.f32 v26, v9;
	v17 =	vld [tilespmem:s0+$0xB0];
	[tilespmem:v19+s21+$0x0] =	vst.idx.msk $0xffff, v13  }
0x127: {  	v4 =	vadd.s32 v30, v0;
	v13 =	vmov s5;
	s5 =	sadd.s32 $0x6, s1;
	[tilespmem:v20+s21+$0x0] =	vst.idx.msk $0xffff, v14;
	v19 =	vadd.f32 v27, v9  }
0x128: {  	v0 =	vadd.s32 v35, v1;
	v14 =	vmov s5;
	[tilespmem:v22+s21+$0x0] =	vst.idx.msk $0xffff, v16;
	v16 =	vadd.f32 v28, v9  }
0x129: {  	v18 =	vshll.u32 v18, v33;
	v1 =	vshrl.u32 v21, $0x3;
	s5 =	sadd.s32 $0x7, s1;
	s1 =	sadd.s32 $0x8, s1;
	[tilespmem:v23+s21+$0x0] =	vst.idx.msk $0xffff, v19;
	v19 =	vadd.f32 v24, v9  }
0x12a: {  	v6 =	vshrl.u32 v6, $0x3;
	v20 =	vmov s5  }
0x12b: {  	v15 =	vadd.f32 v15, v9;
	v5 =	vshrl.u32 v5, $0x3;
	v7 =	vshrl.u32 v7, $0x3;
	s0 =	sadd.s32 $0x200, s0  }
0x12c: {  	v18 =	vbroadcast v18, $0x0;
	v1 =	vshll.u32 v1, v33;
	v20 =	vshrl.u32 v20, $0x3;
	v22 =	vld [tilespmem:s0+$0xFFFFFF00]  }
0x12d: {  	v17 =	vadd.f32 v17, v9;
	v6 =	vshll.u32 v6, v33;
	v23 =	vld [tilespmem:s0+$0xFFFFFF40];
	v1 =	vbroadcast v1, $0x0  }
0x12e: {  	[tilespmem:v3+s21+$0x0] =	vst.idx.msk $0xffff, v16;
	v45 =	vld [tilespmem:s0+$0xFFFFFF80];
	v20 =	vshll.u32 v20, v33;
	v3 =	vadd.s32 v55, v18;
	v6 =	vbroadcast v6, $0x0  }
0x12f: {  	v21 =	vld [tilespmem:s0+$0xC0];
	v5 =	vshll.u32 v5, v33;
	[tilespmem:v2+s21+$0x0] =	vst.idx.msk $0xffff, v19;
	v20 =	vbroadcast v20, $0x0;
	v2 =	vadd.s32 v39, v1  }
0x130: {  	v14 =	vshrl.u32 v14, $0x3;
	v7 =	vshll.u32 v7, v33;
	[tilespmem:v4+s21+$0x0] =	vst.idx.msk $0xffff, v15;
	v4 =	vadd.s32 v44, v6  }
0x131: {  	v46 =	vld [tilespmem:s0+$0xFFFFFFC0];
	v5 =	vbroadcast v5, $0x0;
	v24 =	vadd.s32 v36, v20;
	v28 =	vadd.f32 v22, v12  }
0x132: {  	v13 =	vshrl.u32 v13, $0x3;
	v14 =	vshll.u32 v14, v33;
	v49 =	vld [tilespmem:s0+$0x0];
	[tilespmem:v0+s21+$0x0] =	vst.idx.msk $0xffff, v17;
	v23 =	vadd.f32 v23, v12  }
0x133: {  	v26 =	vld [tilespmem:s0+$0x80];
	v7 =	vbroadcast v7, $0x0;
	v17 =	vadd.s32 v56, v5;
	v45 =	vadd.f32 v45, v12;
	[tilespmem:v3+s21+$0x0] =	vst.idx.msk $0xffff, v28  }
0x134: {  	v13 =	vshll.u32 v13, v33;
	v14 =	vbroadcast v14, $0x0;
	v21 =	vadd.f32 v21, v12;
	v22 =	vld [tilespmem:s0+$0x40];
	[tilespmem:v2+s21+$0x0] =	vst.idx.msk $0xffff, v23  }
0x135: {  	v13 =	vbroadcast v13, $0x0;
	v25 =	vadd.s32 v47, v7;
	v23 =	vld [tilespmem:s0+$0xFFFFFF50];
	[tilespmem:v4+s21+$0x0] =	vst.idx.msk $0xffff, v45  }
0x136: {  	v19 =	vadd.s32 v32, v14;
	v46 =	vadd.f32 v46, v12;
	[tilespmem:v24+s21+$0x0] =	vst.idx.msk $0xffff, v21;
	v21 =	vld [tilespmem:s0+$0xFFFFFF10]  }
0x137: {  	v3 =	vadd.s32 v63, v13;
	v28 =	vld [tilespmem:s0+$0xFFFFFF90]  }
0x138: {  	v49 =	vadd.f32 v49, v12;
	[tilespmem:v17+s21+$0x0] =	vst.idx.msk $0xffff, v46;
	v17 =	vadd.s32 v52, v1;
	v16 =	vld [tilespmem:s0+$0xD0]  }
0x139: {  	v15 =	vadd.s32 v54, v18;
	v46 =	vadd.f32 v26, v12;
	v45 =	vadd.f32 v22, v12;
	v22 =	vld [tilespmem:s0+$0xFFFFFFD0]  }
0x13a: {  	[tilespmem:v25+s21+$0x0] =	vst.idx.msk $0xffff, v49;
	v12 =	vadd.s32 v40, v6  }
0x13b: {  	v4 =	vadd.s32 v37, v20;
	v25 =	vld [tilespmem:s0+$0x10];
	[tilespmem:v19+s21+$0x0] =	vst.idx.msk $0xffff, v46;
	v27 =	vadd.f32 v23, v11  }
0x13c: {  	v19 =	vadd.s32 v61, v7;
	[tilespmem:v3+s21+$0x0] =	vst.idx.msk $0xffff, v45;
	v23 =	vld [tilespmem:s0+$0x90];
	v26 =	vadd.f32 v21, v11  }
0x13d: {  	v21 =	vld [tilespmem:s0+$0x50];
	v28 =	vadd.f32 v28, v11;
	v49 =	vadd.f32 v16, v11;
	[tilespmem:v17+s21+$0x0] =	vst.idx.msk $0xffff, v27  }
0x13e: {  	v16 =	vadd.s32 v57, v5;
	v46 =	vadd.f32 v22, v11;
	[tilespmem:v15+s21+$0x0] =	vst.idx.msk $0xffff, v26;
	v22 =	vld [tilespmem:s0+$0xFFFFFF60]  }
0x13f: {  	v17 =	vadd.s32 v34, v14;
	[tilespmem:v12+s21+$0x0] =	vst.idx.msk $0xffff, v28;
	v15 =	vld [tilespmem:s0+$0xFFFFFF20]  }
0x140: {  	v45 =	vadd.s32 v8, v13;
	[tilespmem:v4+s21+$0x0] =	vst.idx.msk $0xffff, v49;
	v49 =	vadd.f32 v25, v11;
	v25 =	vld [tilespmem:s0+$0xFFFFFFA0]  }
0x141: {  	v24 =	vadd.s32 v51, v18;
	v12 =	vadd.s32 v38, v20;
	v4 =	vld [tilespmem:s0+$0xE0];
	v38 =	vadd.f32 v23, v11  }
0x142: {  	v28 =	vadd.f32 v21, v11;
	[tilespmem:v19+s21+$0x0] =	vst.idx.msk $0xffff, v49;
	v11 =	vadd.s32 v58, v6  }
0x143: {  	[tilespmem:v16+s21+$0x0] =	vst.idx.msk $0xffff, v46  }
0x144: {  	v16 =	vadd.s32 v53, v1;
	v19 =	vld [tilespmem:s0+$0x20];
	[tilespmem:v17+s21+$0x0] =	vst.idx.msk $0xffff, v38;
	v46 =	vadd.f32 v15, v10  }
0x145: {  	v17 =	vadd.s32 v42, v7;
	v21 =	vld [tilespmem:s0+$0xFFFFFFE0];
	[tilespmem:v45+s21+$0x0] =	vst.idx.msk $0xffff, v28;
	v26 =	vadd.f32 v25, v10  }
0x146: {  	v49 =	vadd.f32 v22, v10;
	v22 =	vld [tilespmem:s0+$0xA0];
	v45 =	vadd.f32 v4, v10;
	[tilespmem:v24+s21+$0x0] =	vst.idx.msk $0xffff, v46  }
0x147: {  	v15 =	vld [tilespmem:s0+$0x60];
	v4 =	vadd.s32 v59, v5;
	[tilespmem:v11+s21+$0x0] =	vst.idx.msk $0xffff, v26  }
0x148: {  	v38 =	vadd.s32 v31, v14;
	[tilespmem:v12+s21+$0x0] =	vst.idx.msk $0xffff, v45;
	v28 =	vld [tilespmem:s0+$0xFFFFFF30]  }
0x149: {  	v27 =	vadd.s32 v29, v13;
	[tilespmem:v16+s21+$0x0] =	vst.idx.msk $0xffff, v49;
	v46 =	vadd.f32 v19, v10;
	v12 =	vld [tilespmem:s0+$0xF0]  }
0x14a: {  	v18 =	vadd.s32 v50, v18;
	v29 =	vadd.f32 v21, v10;
	v45 =	vld [tilespmem:s0+$0xFFFFFF70];
	[tilespmem:$0x1FC10] =	vst v41  }
0x14b: {  	v11 =	vadd.s32 v41, v20;
	v24 =	vadd.f32 v22, v10;
	v49 =	vld [tilespmem:s0+$0xFFFFFFB0];
	[tilespmem:v17+s21+$0x0] =	vst.idx.msk $0xffff, v46  }
0x14c: {  	v1 =	vadd.s32 v48, v1;
	v20 =	vadd.f32 v15, v10;
	[tilespmem:v4+s21+$0x0] =	vst.idx.msk $0xffff, v29;
	v10 =	vld [tilespmem:s0+$0x30]  }
0x14d: {  	v6 =	vadd.s32 v43, v6;
	[tilespmem:v38+s21+$0x0] =	vst.idx.msk $0xffff, v24;
	v4 =	vld [tilespmem:s0+$0xFFFFFFF0];
	v26 =	vadd.f32 v28, v9  }
0x14e: {  	v7 =	vadd.s32 v62, v7;
	[tilespmem:v27+s21+$0x0] =	vst.idx.msk $0xffff, v20;
	v29 =	vld [tilespmem:s0+$0xB0];
	v25 =	vadd.f32 v12, v9  }
0x14f: {  	v5 =	vadd.s32 v60, v5;
	v27 =	vld [tilespmem:s0+$0x70];
	v28 =	vadd.f32 v45, v9;
	[tilespmem:v18+s21+$0x0] =	vst.idx.msk $0xffff, v26  }
0x150: {  	v43 =	vadd.s32 v35, v14;
	v31 =	vadd.f32 v49, v9;
	[tilespmem:v11+s21+$0x0] =	vst.idx.msk $0xffff, v25  }
0x151: {  	v38 =	vadd.s32 v30, v13;
	[tilespmem:v1+s21+$0x0] =	vst.idx.msk $0xffff, v28;
	v45 =	vadd.f32 v10, v9  }
0x152: {  	v41 =	vadd.f32 v4, v9;
	[tilespmem:v6+s21+$0x0] =	vst.idx.msk $0xffff, v31  }
0x153: {  	s9 =	sshll.u32 s30, $0x14;
	v49 =	vadd.f32 v29, v9;
	[tilespmem:v7+s21+$0x0] =	vst.idx.msk $0xffff, v45  }
0x154: {  	s0 =	sor.u32 s7, s9;
	v46 =	vadd.f32 v27, v9;
	[tilespmem:v5+s21+$0x0] =	vst.idx.msk $0xffff, v41  }
0x155: {  	s0 =	sshrl.u32 s0, $0x3;
	[tilespmem:v43+s21+$0x0] =	vst.idx.msk $0xffff, v49  }
0x156: {  	s10 =	simm.s32 $0x11800;
	s1 =	sadd.s32 s2, s0;
	[tilespmem:v38+s21+$0x0] =	vst.idx.msk $0xffff, v46  }
0x157: {  	[hbm4b:s1+s3] =	stream.linear.scatter [tilespmem:s10], [sflag:$0x3], $0x80, $0x38;
	[tilespmem:$0x1A000] =	vst v63  }
0x158: {  	s26 =	simm.s32 $0x11888;
	s28 =	sadd.s32 $0x10, s1  }
0x159: {  	[hbm4b:s28+s3] =	stream.linear.scatter [tilespmem:s26], [sflag:$0x3], $0x80, $0x38;
	[tilespmem:$0x1A000] =	vst v63  }
0x15a: {  	s29 =	simm.s32 $0x11910;
	s6 =	simm.s32 $0x11998;
	s31 =	sadd.s32 $0x20, s1  }
0x15b: {  	[hbm4b:s31+s3] =	stream.linear.scatter [tilespmem:s29], [sflag:$0x3], $0x80, $0x38;
	[tilespmem:$0x1A000] =	vst v63  }
0x15c: {  	s5 =	simm.s32 $0x2200;
	s9 =	simm.s32 $0x11A20;
	s8 =	sadd.s32 $0x30, s1  }
0x15d: {  	[hbm4b:s8+s3] =	stream.linear.scatter [tilespmem:s6], [sflag:$0x3], $0x80, $0x38;
	[tilespmem:$0x1A000] =	vst v63  }
0x15e: {  	s0 =	simm.s32 $0x440;
	s10 =	sadd.s32 $0x40, s1;
	s26 =	simm.s32 $0x11AA8  }
0x15f: {  	[hbm4b:s10+s3] =	stream.linear.scatter [tilespmem:s9], [sflag:$0x3], $0x80, $0x38;
	[tilespmem:$0x1A000] =	vst v63  }
0x160: {  	s28 =	sadd.s32 $0x50, s1;
	s29 =	simm.s32 $0x11B30;
	s31 =	sadd.s32 $0x60, s1  }
0x161: {  	[hbm4b:s28+s3] =	stream.linear.scatter [tilespmem:s26], [sflag:$0x3], $0x80, $0x38;
	[tilespmem:$0x1A000] =	vst v63  }
0x162: {  	s6 =	simm.s32 $0x11BB8;
	s10 =	sadd.s32 $0x70, s1;
	s1 =	sadd.s32 $0x1000, s1  }
0x163: {  	[hbm4b:s31+s3] =	stream.linear.scatter [tilespmem:s29], [sflag:$0x3], $0x80, $0x38;
	[tilespmem:$0x1A000] =	vst v63  }
.LBB2_5:
0x164: {  	[hbm4b:s10+s3] =	stream.linear.scatter [tilespmem:s6], [sflag:$0x3], $0x80, $0x38;
	[tilespmem:$0x1A000] =	vst v63  }
0x165: {  	s6 =	smov.u32 s0;
	s0 =	smov.u32 s5  }
0x166: {  	s31 =	sadd.s32 $0x1100, s5;
	s0 =	sshra.s32 s0, $0x2;
	s10 =	sadd.s32 $0x11800, s6  }
0x167: {  	[hbm4b:s1+s3] =	stream.linear.scatter [tilespmem:s10], [sflag:$0x3], $0x80, $0x38;
	[tilespmem:$0x1A000] =	vst v63  }
0x168: {  	p0 =	sne.s32 s5, $0x7700;
	s5 =	sadd.s32 $0x11888, s6;
	s10 =	sadd.s32 $0x10, s1  }
0x169: {  	[hbm4b:s10+s3] =	stream.linear.scatter [tilespmem:s5], [sflag:$0x3], $0x80, $0x38;
	[tilespmem:$0x1A000] =	vst v63  }
0x16a: {  	s5 =	sadd.s32 $0x11910, s6;
	s10 =	sadd.s32 $0x20, s1  }
0x16b: {  	[hbm4b:s10+s3] =	stream.linear.scatter [tilespmem:s5], [sflag:$0x3], $0x80, $0x38;
	[tilespmem:$0x1A000] =	vst v63  }
0x16c: {  	s5 =	sadd.s32 $0x11998, s6;
	s10 =	sadd.s32 $0x30, s1  }
0x16d: {  	[hbm4b:s10+s3] =	stream.linear.scatter [tilespmem:s5], [sflag:$0x3], $0x80, $0x38;
	[tilespmem:$0x1A000] =	vst v63  }
0x16e: {  	s5 =	sadd.s32 $0x11A20, s6;
	s10 =	sadd.s32 $0x40, s1  }
0x16f: {  	[hbm4b:s10+s3] =	stream.linear.scatter [tilespmem:s5], [sflag:$0x3], $0x80, $0x38;
	[tilespmem:$0x1A000] =	vst v63  }
.Ltmp3:
0x170: {  	s5 =	sadd.s32 $0x11AA8, s6;
	s10 =	sadd.s32 $0x50, s1;
	(pc) =	sbr.rel @p0 .LBB2_5-.Ltmp3, $4  }
0x171: {  	[hbm4b:s10+s3] =	stream.linear.scatter [tilespmem:s5], [sflag:$0x3], $0x80, $0x38;
	[tilespmem:$0x1A000] =	vst v63  }
0x172: {  	s5 =	sadd.s32 $0x11B30, s6;
	s10 =	sadd.s32 $0x60, s1;
	s6 =	sadd.s32 $0x11BB8, s6  }
0x173: {  	[hbm4b:s10+s3] =	stream.linear.scatter [tilespmem:s5], [sflag:$0x3], $0x80, $0x38;
	[tilespmem:$0x1A000] =	vst v63  }
0x174: {  	s10 =	sadd.s32 $0x70, s1;
	s1 =	sadd.s32 $0x1000, s1;
	s5 =	smov.u32 s31  }
0x175: {  	[hbm4b:s10+s3] =	stream.linear.scatter [tilespmem:s6], [sflag:$0x3], $0x80, $0x38;
	[tilespmem:$0x1A000] =	vst v63  }
0x176: {  	s5 =	sadd.s32 $0x11800, s0;
	s8 =	sadd.s32 $0x11888, s0  }
0x177: {  	[hbm4b:s1+s3] =	stream.linear.scatter [tilespmem:s5], [sflag:$0x3], $0x80, $0x38;
	[tilespmem:$0x1A000] =	vst v63  }
0x178: {  	s9 =	sadd.s32 $0x10, s1;
	s10 =	sadd.s32 $0x11910, s0;
	s26 =	sadd.s32 $0x20, s1  }
0x179: {  	[hbm4b:s9+s3] =	stream.linear.scatter [tilespmem:s8], [sflag:$0x3], $0x80, $0x38;
	[tilespmem:$0x1A000] =	vst v63  }
0x17a: {  	s28 =	sadd.s32 $0x11998, s0;
	s29 =	sadd.s32 $0x30, s1;
	s6 =	sadd.s32 $0x70, s1  }
0x17b: {  	[hbm4b:s26+s3] =	stream.linear.scatter [tilespmem:s10], [sflag:$0x3], $0x80, $0x38;
	[tilespmem:$0x1A000] =	vst v63  }
0x17c: {  	s31 =	sshll.u32 s30, $0x2;
	s8 =	sadd.s32 $0x11A20, s0;
	s9 =	sadd.s32 $0x40, s1  }
0x17d: {  	[hbm4b:s29+s3] =	stream.linear.scatter [tilespmem:s28], [sflag:$0x3], $0x80, $0x38;
	[tilespmem:$0x1A000] =	vst v63  }
0x17e: {  	s26 =	sadd.s32 $0x50, s1;
	s29 =	sadd.s32 $0x60, s1;
	s1 =	sor.u32 $0x1, s31  }
0x17f: {  	[hbm4b:s9+s3] =	stream.linear.scatter [tilespmem:s8], [sflag:$0x3], $0x80, $0x38;
	[tilespmem:$0x1A000] =	vst v63  }
0x180: {  	s10 =	sadd.s32 $0x11AA8, s0;
	s8 =	sshll.u32 s1, $0x6  }
0x181: {  	[hbm4b:s26+s3] =	stream.linear.scatter [tilespmem:s10], [sflag:$0x3], $0x80, $0x38;
	[tilespmem:$0x1A000] =	vst v63  }
0x182: {  	s5 =	sadd.s32 $0x11BB8, s0;
	s28 =	sadd.s32 $0x11B30, s0;
	s0 =	sand.u32 $0x3FFFFF40, s8  }
0x183: {  	[hbm4b:s29+s3] =	stream.linear.scatter [tilespmem:s28], [sflag:$0x3], $0x80, $0x38;
	[tilespmem:$0x1A000] =	vst v63  }
0x184: {  	s8 =	simm.s32 $0x2;
	s26 =	simm.s32 $0x4;
	s29 =	simm.s32 $0x1  }
0x185: {  	[hbm4b:s6+s3] =	stream.linear.scatter [tilespmem:s5], [sflag:$0x3], $0x80, $0x38;
	[tilespmem:$0x1A000] =	vst v63  }
0x186: {  	s10 =	simm.s32 $0x7;
	v5 =	vmov s8;
	v2 =	vmov s26;
	v3 =	vmov s29;
	v12 =	vld [tilespmem:s0+$0x6400]  }
0x187: {  	v1 =	vmov s10;
	v2 =	vshrl.u32 v2, $0x3;
	v3 =	vshrl.u32 v3, $0x3;
	v11 =	vld [tilespmem:s0+$0x6410]  }
0x188: {  	s10 =	simm.s32 $0xB9F0;
	v5 =	vshrl.u32 v5, $0x3;
	v2 =	vshll.u32 v2, v33;
	v10 =	vld [tilespmem:s0+$0x6420];
	v6 =	vshll.u32 v3, v33  }
0x189: {  	v5 =	vshll.u32 v5, v33;
	s6 =	simm.s32 $0x3;
	v7 =	vld [tilespmem:s10+$0xFFFFFF10];
	v3 =	vbroadcast v2, $0x0;
	v6 =	vbroadcast v6, $0x0  }
0x18a: {  	v15 =	vshrl.u32 v1, $0x3;
	v13 =	vbroadcast v5, $0x0;
	v2 =	vmov s6;
	v16 =	vld [tilespmem:s10+$0xFFFFFE90]  }
0x18b: {  	v14 =	vld [tilespmem:s10+$0xFFFFFE50];
	v1 =	vshrl.u32 v2, $0x3;
	v5 =	vadd.s32 v47, v3;
	v2 =	vadd.s32 v48, v6  }
0x18c: {  	v9 =	vld [tilespmem:s0+$0x6430];
	v20 =	vadd.s32 v44, v13;
	v1 =	vshll.u32 v1, v33;
	[tilespmem:$0x1FBB0] =	vst v2  }
0x18d: {  	s9 =	simm.s32 $0x0;
	v17 =	vadd.s32 v39, v6;
	v31 =	vbroadcast v1, $0x0;
	v18 =	vld [tilespmem:s10+$0xFFFFFED0]  }
0x18e: {  	v0 =	vmov s9;
	v19 =	vld [tilespmem:s10+$0xFFFFFE10];
	v7 =	vadd.f32 v7, v12  }
0x18f: {  	s8 =	simm.s32 $0x6;
	v0 =	vshrl.u32 v0, $0x3;
	v21 =	vld [tilespmem:s10+$0xFFFFFFD0];
	v23 =	vadd.s32 v56, v31;
	v16 =	vadd.f32 v16, v12  }
0x190: {  	v22 =	vmov s8;
	v25 =	vshll.u32 v0, v33;
	s28 =	simm.s32 $0x5;
	v24 =	vld [tilespmem:s10+$0xFFFFFF90];
	v0 =	vadd.f32 v14, v12;
	[tilespmem:v5+s22+$0x0] =	vst.idx.msk $0xffff, v7  }
0x191: {  	v4 =	vmov s28;
	v14 =	vshrl.u32 v22, $0x3;
	v22 =	vld [tilespmem:s10+$0xFFFFFF50];
	[tilespmem:v20+s22+$0x0] =	vst.idx.msk $0xffff, v16  }
0x192: {  	v15 =	vshll.u32 v15, v33;
	v4 =	vshrl.u32 v4, $0x3;
	v7 =	vld [tilespmem:s10+$0xFFFFFF20];
	[tilespmem:v17+s22+$0x0] =	vst.idx.msk $0xffff, v0;
	v0 =	vadd.f32 v18, v12  }
0x193: {  	v4 =	vshll.u32 v4, v33;
	v1 =	vbroadcast v15, $0x0;
	v15 =	vld [tilespmem:s10+$0xFFFFFEA0]  }
0x194: {  	v5 =	vbroadcast v4, $0x0;
	v4 =	vld [tilespmem:s10+$0xFFFFFE60];
	[tilespmem:v23+s22+$0x0] =	vst.idx.msk $0xffff, v0  }
0x195: {  	v18 =	vadd.f32 v21, v12;
	v0 =	vadd.s32 v59, v31;
	v21 =	vld [tilespmem:s10+$0xFFFFFEE0]  }
0x196: {  	[tilespmem:$0x1FBD0] =	vst v0;
	v0 =	vld [tilespmem:$0x1FE40];
	_ =	sdelay $0x4  }
0x197: {  	v0 =	vadd.s32 v0, v5  }
0x198: {  	[tilespmem:$0x1FBF0] =	vst v0;
	v0 =	vld [tilespmem:$0x1FFB0];
	_ =	sdelay $0x1  }
0x199: {  	v28 =	vbroadcast v25, $0x0;
	v25 =	vadd.s32 v40, v13;
	_ =	sdelay $0x2  }
0x19a: {  	v15 =	vadd.f32 v15, v11;
	v0 =	vadd.s32 v0, v1  }
0x19b: {  	[tilespmem:$0x1FBC0] =	vst v0  }
0x19c: {  	[tilespmem:v25+s22+$0x0] =	vst.idx.msk $0xffff, v15  }
0x19d: {  	v14 =	vshll.u32 v14, v33;
	v15 =	vld [tilespmem:$0x1FF70]  }
0x19e: {  	v30 =	vbroadcast v14, $0x0  }
0x19f: {  	v29 =	vadd.s32 v55, v28;
	v42 =	vadd.s32 v42, v3  }
0x1a0: {  	v35 =	vadd.s32 v57, v31;
	v14 =	vadd.s32 v52, v6;
	v16 =	vadd.s32 v32, v30  }
0x1a1: {  	v2 =	vmovc v32;
	v6 =	vadd.s32 v53, v6;
	v20 =	vadd.s32 v8, v5;
	v32 =	vadd.s32 v34, v30  }
0x1a2: {  	s0 =	simm.s32 $0xBBF0;
	v38 =	vadd.s32 v63, v5;
	v17 =	vadd.f32 v19, v12;
	v15 =	vadd.s32 v15, v30  }
0x1a3: {  	v19 =	vadd.s32 v61, v3;
	v24 =	vadd.f32 v24, v12;
	v41 =	vld [tilespmem:s0+$0xFFFFFE50];
	[tilespmem:$0x1FBE0] =	vst v15;
	v15 =	vadd.s32 v51, v28  }
0x1a4: {  	s9 =	simm.s32 $0x8;
	v22 =	vadd.f32 v22, v12;
	v23 =	vadd.s32 v36, v1;
	v4 =	vadd.f32 v4, v11;
	[tilespmem:$0x1FC00] =	vst v15  }
0x1a5: {  	v27 =	vmovc v36;
	v43 =	vmov s9;
	s9 =	simm.s32 $0xA;
	s28 =	simm.s32 $0x9;
	v36 =	vadd.s32 v37, v1;
	v37 =	vadd.s32 v54, v28;
	[tilespmem:v16+s22+$0x0] =	vst.idx.msk $0xffff, v24  }
0x1a6: {  	v7 =	vadd.f32 v7, v11;
	v15 =	vmov s28;
	v25 =	vld [tilespmem:s10+$0xFFFFFEB0];
	v24 =	vmov s9;
	[tilespmem:v14+s22+$0x0] =	vst.idx.msk $0xffff, v4  }
0x1a7: {  	s26 =	simm.s32 $0xF;
	v21 =	vadd.f32 v21, v11;
	v15 =	vshrl.u32 v15, $0x3;
	[tilespmem:v38+s22+$0x0] =	vst.idx.msk $0xffff, v22;
	v14 =	vshrl.u32 v24, $0x3;
	v24 =	vld [tilespmem:s10+$0xFFFFFFA0]  }
0x1a8: {  	v45 =	vmov s26;
	s29 =	simm.s32 $0xC;
	v0 =	vmovc v40;
	v40 =	vadd.s32 v58, v13;
	[tilespmem:v19+s22+$0x0] =	vst.idx.msk $0xffff, v7;
	v15 =	vshll.u32 v15, v33;
	v22 =	vld [tilespmem:s10+$0xFFFFFE70]  }
0x1a9: {  	v16 =	vmov s29;
	[tilespmem:v35+s22+$0x0] =	vst.idx.msk $0xffff, v21;
	v7 =	vld [tilespmem:s10+$0xFFFFFF60];
	v14 =	vshll.u32 v14, v33;
	v49 =	vbroadcast v15, $0x0  }
0x1aa: {  	v41 =	vadd.f32 v41, v12;
	v21 =	vld [tilespmem:s0+$0xFFFFFE10];
	[tilespmem:v29+s22+$0x0] =	vst.idx.msk $0xffff, v17;
	v16 =	vshrl.u32 v16, $0x3;
	v15 =	vbroadcast v14, $0x0  }
0x1ab: {  	v29 =	vld [tilespmem:s10+$0xFFFFFE20];
	v14 =	vshll.u32 v16, v33;
	v38 =	vadd.s32 v39, v49;
	v19 =	vadd.f32 v25, v10  }
0x1ac: {  	v26 =	vmovc v44;
	[tilespmem:v23+s22+$0x0] =	vst.idx.msk $0xffff, v18;
	v16 =	vbroadcast v14, $0x0;
	v25 =	vshrl.u32 v45, $0x3;
	v45 =	vld [tilespmem:s0+$0xFFFFFF10];
	v23 =	vadd.f32 v24, v11  }
0x1ad: {  	s28 =	simm.s32 $0xB;
	v46 =	vld [tilespmem:s0+$0xFFFFFE90];
	v14 =	vadd.s32 v48, v49;
	v48 =	vshrl.u32 v43, $0x3;
	v22 =	vadd.f32 v22, v10;
	[tilespmem:v40+s22+$0x0] =	vst.idx.msk $0xffff, v19  }
0x1ae: {  	v43 =	vadd.s32 v26, v15;
	v7 =	vadd.f32 v7, v11;
	v19 =	vmov s28;
	[tilespmem:v32+s22+$0x0] =	vst.idx.msk $0xffff, v23;
	v32 =	vld [tilespmem:s10+$0xFFFFFFE0]  }
0x1af: {  	s29 =	simm.s32 $0xE;
	v18 =	vadd.s32 v47, v16;
	v24 =	vadd.f32 v21, v12;
	v19 =	vshrl.u32 v19, $0x3;
	[tilespmem:v6+s22+$0x0] =	vst.idx.msk $0xffff, v22  }
0x1b0: {  	v23 =	vmov s29;
	v6 =	vld [tilespmem:s10+$0xFFFFFF30];
	[tilespmem:v20+s22+$0x0] =	vst.idx.msk $0xffff, v7;
	v7 =	vadd.f32 v29, v11;
	v19 =	vshll.u32 v19, v33  }
0x1b1: {  	v23 =	vshrl.u32 v23, $0x3;
	v22 =	vadd.f32 v45, v12;
	v45 =	vld [tilespmem:s0+$0xFFFFFED0];
	v19 =	vbroadcast v19, $0x0  }
0x1b2: {  	[tilespmem:v38+s22+$0x0] =	vst.idx.msk $0xffff, v41;
	v21 =	vshll.u32 v23, v33;
	v23 =	vadd.f32 v46, v12  }
0x1b3: {  	[tilespmem:v37+s22+$0x0] =	vst.idx.msk $0xffff, v7;
	v17 =	vbroadcast v21, $0x0;
	v21 =	vadd.f32 v32, v11;
	v32 =	vadd.s32 v56, v19  }
0x1b4: {  	[tilespmem:v18+s22+$0x0] =	vst.idx.msk $0xffff, v22  }
0x1b5: {  	[tilespmem:v43+s22+$0x0] =	vst.idx.msk $0xffff, v23;
	v6 =	vadd.f32 v6, v10  }
0x1b6: {  	[tilespmem:v36+s22+$0x0] =	vst.idx.msk $0xffff, v21;
	v45 =	vadd.f32 v45, v12  }
0x1b7: {  	[tilespmem:v42+s22+$0x0] =	vst.idx.msk $0xffff, v6  }
0x1b8: {  	v35 =	vshll.u32 v48, v33;
	[tilespmem:v32+s22+$0x0] =	vst.idx.msk $0xffff, v45  }
0x1b9: {  	v20 =	vbroadcast v35, $0x0;
	v35 =	vadd.s32 v0, v15;
	v0 =	vld [tilespmem:$0x1FF40];
	_ =	sdelay $0x4  }
0x1ba: {  	v5 =	vadd.s32 v0, v5;
	v0 =	vld [tilespmem:$0x1FBB0]  }
0x1bb: {  	v48 =	vld [tilespmem:s10+$0xFFFFFE80];
	_ =	sdelay $0x4  }
0x1bc: {  	v6 =	vadd.f32 v48, v9;
	_ =	sdelay $0x1  }
0x1bd: {  	[tilespmem:v0+s22+$0x0] =	vst.idx.msk $0xffff, v6  }
0x1be: {  	v0 =	vld [tilespmem:$0x1FBC0]  }
0x1bf: {  	v41 =	vld [tilespmem:s10+$0xFFFFFFF0];
	_ =	sdelay $0x4  }
0x1c0: {  	v41 =	vadd.f32 v41, v10;
	_ =	sdelay $0x1  }
0x1c1: {  	[tilespmem:v0+s22+$0x0] =	vst.idx.msk $0xffff, v41  }
0x1c2: {  	v47 =	vshll.u32 v25, v33;
	v0 =	vld [tilespmem:$0x1FBD0]  }
0x1c3: {  	v21 =	vbroadcast v47, $0x0;
	v47 =	vld [tilespmem:s10+$0xFFFFFEF0];
	_ =	sdelay $0x4  }
0x1c4: {  	v48 =	vadd.f32 v47, v10;
	_ =	sdelay $0x1  }
0x1c5: {  	[tilespmem:v0+s22+$0x0] =	vst.idx.msk $0xffff, v48  }
0x1c6: {  	v41 =	vadd.s32 v60, v31;
	v31 =	vld [tilespmem:$0x1FBE0]  }
0x1c7: {  	v43 =	vld [tilespmem:s10+$0xFFFFFFB0];
	_ =	sdelay $0x4  }
0x1c8: {  	v43 =	vadd.f32 v43, v10;
	_ =	sdelay $0x1  }
0x1c9: {  	[tilespmem:v31+s22+$0x0] =	vst.idx.msk $0xffff, v43  }
0x1ca: {  	v60 =	vld [tilespmem:$0x1FBF0]  }
0x1cb: {  	v26 =	vadd.s32 v62, v3;
	v62 =	vld [tilespmem:s10+$0xFFFFFF70];
	_ =	sdelay $0x1  }
0x1cc: {  	v48 =	vld [tilespmem:$0x1FC10];
	_ =	sdelay $0x1  }
0x1cd: {  	v42 =	vld [tilespmem:s10+$0xFFFFFF40]  }
0x1ce: {  	v38 =	vld [tilespmem:s0+$0xFFFFFF20];
	v37 =	vadd.f32 v62, v10  }
0x1cf: {  	v62 =	vld [tilespmem:s10+$0x0]  }
0x1d0: {  	v36 =	vadd.s32 v61, v16;
	v43 =	vadd.s32 v48, v1;
	v1 =	vld [tilespmem:$0x1FFA0];
	[tilespmem:v60+s22+$0x0] =	vst.idx.msk $0xffff, v37  }
0x1d1: {  	v37 =	vld [tilespmem:$0x1FF80]  }
0x1d2: {  	s26 =	simm.s32 $0xD;
	v31 =	vadd.f32 v42, v9  }
0x1d3: {  	v44 =	vld [tilespmem:s0+$0xFFFFFF90];
	v4 =	vmov s26;
	v45 =	vadd.f32 v38, v11  }
0x1d4: {  	v4 =	vshrl.u32 v4, $0x3;
	v25 =	vld [tilespmem:s0+$0xFFFFFFD0];
	[tilespmem:v26+s22+$0x0] =	vst.idx.msk $0xffff, v31  }
0x1d5: {  	v4 =	vshll.u32 v4, v33;
	v39 =	vadd.s32 v52, v49;
	v3 =	vld [tilespmem:s0+$0xFFFFFE60];
	[tilespmem:v36+s22+$0x0] =	vst.idx.msk $0xffff, v45  }
0x1d6: {  	v42 =	vadd.s32 v37, v30;
	v30 =	vadd.s32 v53, v49;
	v49 =	vadd.f32 v62, v9;
	v62 =	vld [tilespmem:$0x1FC00]  }
0x1d7: {  	v18 =	vbroadcast v4, $0x0;
	v4 =	vadd.s32 v2, v17;
	v2 =	vld [tilespmem:s10+$0xFFFFFE30]  }
0x1d8: {  	v40 =	vld [tilespmem:s0+$0xFFFFFF50]  }
0x1d9: {  	v46 =	vld [tilespmem:s10+$0xFFFFFEC0]  }
0x1da: {  	v38 =	vld [tilespmem:s0+$0xFFFFFEA0]  }
0x1db: {  	v29 =	vadd.s32 v27, v21;
	v27 =	vadd.f32 v3, v11;
	v47 =	vld [tilespmem:s0+$0xFFFFFEE0]  }
0x1dc: {  	v2 =	vadd.f32 v2, v10;
	v26 =	vld [tilespmem:$0x1FE40]  }
0x1dd: {  	v37 =	vadd.s32 v50, v28;
	v28 =	vld [tilespmem:$0x1FFB0];
	[tilespmem:v39+s22+$0x0] =	vst.idx.msk $0xffff, v27  }
0x1de: {  	v25 =	vadd.f32 v25, v12;
	[tilespmem:v62+s22+$0x0] =	vst.idx.msk $0xffff, v2  }
0x1df: {  	v22 =	vadd.s32 v59, v19;
	v7 =	vadd.f32 v40, v12;
	v40 =	vadd.f32 v44, v12;
	v2 =	vld [tilespmem:$0x1FF70]  }
0x1e0: {  	v23 =	vadd.s32 v8, v18;
	v3 =	vadd.s32 v34, v17;
	v6 =	vadd.f32 v46, v9  }
0x1e1: {  	v32 =	vadd.s32 v55, v20;
	v46 =	vadd.f32 v38, v11;
	v38 =	vadd.f32 v47, v11;
	v47 =	vld [tilespmem:s10+$0xFFFFFF00]  }
0x1e2: {  	v0 =	vadd.s32 v57, v19;
	v44 =	vld [tilespmem:s10+$0xFFFFFFC0];
	v48 =	vadd.s32 v63, v18;
	v31 =	vadd.s32 v54, v20  }
0x1e3: {  	v34 =	vld [tilespmem:s10+$0xFFFFFF80];
	v36 =	vadd.s32 v58, v15;
	v1 =	vadd.s32 v1, v21;
	v26 =	vadd.s32 v26, v18  }
0x1e4: {  	s5 =	simm.s32 $0x10;
	s6 =	simm.s32 $0xBDF0;
	v28 =	vadd.s32 v28, v21;
	v62 =	vmovc v61;
	v61 =	vmov v52;
	v45 =	vld [tilespmem:s10+$0xFFFFFE40];
	v27 =	vadd.s32 v2, v17  }
.LBB2_7:
0x1e5: {  	v50 =	vld [tilespmem:s6+$0xFFFFFE50]  }
0x1e6: {  	v53 =	vld [tilespmem:$0x1FEB0]  }
0x1e7: {  	v39 =	vld [tilespmem:$0x1FFD0];
	[tilespmem:v4+s22+$0x0] =	vst.idx.msk $0xffff, v40  }
0x1e8: {  	[tilespmem:v35+s22+$0x0] =	vst.idx.msk $0xffff, v46;
	v40 =	vld [tilespmem:s6+$0xFFFFFF90]  }
0x1e9: {  	s9 =	smov.u32 s5;
	v52 =	vld [tilespmem:s0+$0xFFFFFEB0]  }
0x1ea: {  	s29 =	sadd.s32 $0x2, s9;
	[tilespmem:v43+s22+$0x0] =	vst.idx.msk $0xffff, v49;
	v49 =	vld [tilespmem:s6+$0xFFFFFE90]  }
0x1eb: {  	s8 =	sadd.s32 $0x7, s5;
	v2 =	vadd.s32 v51, v20;
	[tilespmem:v48+s22+$0x0] =	vst.idx.msk $0xffff, v7;
	v60 =	vmov s29;
	v48 =	vld [tilespmem:s0+$0xFFFFFFA0];
	v53 =	vadd.s32 v53, v13  }
0x1ec: {  	v58 =	vmovc v51;
	v51 =	vmov s8;
	v43 =	vshrl.u32 v60, $0x3;
	v7 =	vadd.f32 v44, v9;
	v44 =	vld [tilespmem:s0+$0xFFFFFF60]  }
0x1ed: {  	s26 =	sadd.s32 $0x4, s9;
	v35 =	vadd.f32 v47, v9;
	v60 =	vshll.u32 v43, v33;
	v43 =	vshrl.u32 v51, $0x3;
	v51 =	vld [tilespmem:s6+$0xFFFFFFD0]  }
0x1ee: {  	v46 =	vmov s26;
	[tilespmem:v42+s22+$0x0] =	vst.idx.msk $0xffff, v7;
	v42 =	vld [tilespmem:s0+$0xFFFFFE70]  }
0x1ef: {  	s8 =	sadd.s32 $0x1, s9;
	v54 =	vadd.f32 v34, v9;
	[tilespmem:v41+s22+$0x0] =	vst.idx.msk $0xffff, v35;
	v7 =	vshrl.u32 v46, $0x3;
	v46 =	vld [tilespmem:s6+$0xFFFFFF10]  }
0x1f0: {  	v45 =	vadd.f32 v45, v9;
	v13 =	vmov v15;
	v15 =	vmov s8;
	[tilespmem:v53+s22+$0x0] =	vst.idx.msk $0xffff, v6;
	v6 =	vld [tilespmem:$0x1FE60]  }
0x1f1: {  	v4 =	vmov s9;
	v15 =	vshrl.u32 v15, $0x3;
	[tilespmem:v5+s22+$0x0] =	vst.idx.msk $0xffff, v54;
	v54 =	vld [tilespmem:$0x1FE20]  }
0x1f2: {  	s28 =	sadd.s32 $0x5, s9;
	v4 =	vshrl.u32 v4, $0x3;
	[tilespmem:v37+s22+$0x0] =	vst.idx.msk $0xffff, v45;
	v15 =	vshll.u32 v15, v33;
	v5 =	vshll.u32 v7, v33;
	v7 =	vld [tilespmem:s6+$0xFFFFFF50]  }
0x1f3: {  	v47 =	vmov s28;
	[tilespmem:v0+s22+$0x0] =	vst.idx.msk $0xffff, v38;
	v0 =	vld [tilespmem:$0x1FF00];
	v48 =	vadd.f32 v48, v11;
	v34 =	vbroadcast v15, $0x0  }
0x1f4: {  	[tilespmem:v29+s22+$0x0] =	vst.idx.msk $0xffff, v25;
	v47 =	vshrl.u32 v47, $0x3;
	v35 =	vadd.f32 v52, v10;
	v37 =	vld [tilespmem:s6+$0xFFFFFE10];
	v38 =	vshll.u32 v43, v33  }
0x1f5: {  	s10 =	sadd.s32 $0x6, s9;
	s9 =	sadd.s32 $0x3, s9;
	v52 =	vshll.u32 v4, v33;
	v15 =	vbroadcast v60, $0x0;
	[tilespmem:v3+s22+$0x0] =	vst.idx.msk $0xffff, v48;
	v3 =	vld [tilespmem:s0+$0xFFFFFFE0];
	v6 =	vadd.s32 v6, v34  }
0x1f6: {  	v43 =	vld [tilespmem:s0+$0xFFFFFF30];
	[tilespmem:v32+s22+$0x0] =	vst.idx.msk $0xffff, v24;
	v5 =	vbroadcast v5, $0x0;
	v60 =	vmov s9;
	v42 =	vadd.f32 v42, v10  }
0x1f7: {  	v4 =	vshrl.u32 v60, $0x3;
	v60 =	vmov s10;
	v53 =	vld [tilespmem:$0x1FE80];
	v45 =	vadd.s32 v54, v15;
	[tilespmem:v36+s22+$0x0] =	vst.idx.msk $0xffff, v35  }
0x1f8: {  	v29 =	vshrl.u32 v60, $0x3;
	v60 =	vld [tilespmem:s0+$0xFFFFFE20];
	v35 =	vadd.f32 v50, v12;
	v0 =	vadd.s32 v0, v5;
	[tilespmem:v30+s22+$0x0] =	vst.idx.msk $0xffff, v42  }
0x1f9: {  	v29 =	vshll.u32 v29, v33;
	v54 =	vshll.u32 v47, v33;
	v37 =	vadd.f32 v37, v12;
	v47 =	vld [tilespmem:s0+$0xFFFFFE80]  }
0x1fa: {  	v48 =	vbroadcast v29, $0x0;
	v29 =	vshll.u32 v4, v33;
	v3 =	vadd.f32 v3, v11;
	[tilespmem:v6+s22+$0x0] =	vst.idx.msk $0xffff, v35;
	v6 =	vld [tilespmem:$0x1FFE0]  }
0x1fb: {  	v36 =	vld [tilespmem:s6+$0xFFFFFED0];
	v25 =	vadd.f32 v46, v12;
	v24 =	vmov v37;
	v37 =	vbroadcast v29, $0x0  }
0x1fc: {  	v30 =	vld [tilespmem:s0+$0xFFFFFEC0];
	v41 =	vadd.s32 v53, v34;
	v53 =	vadd.f32 v49, v12;
	[tilespmem:v1+s22+$0x0] =	vst.idx.msk $0xffff, v3  }
0x1fd: {  	v1 =	vadd.s32 v56, v37;
	[tilespmem:v0+s22+$0x0] =	vst.idx.msk $0xffff, v25;
	v25 =	vadd.f32 v51, v12;
	v51 =	vld [tilespmem:s0+$0xFFFFFEF0]  }
0x1fe: {  	v0 =	vbroadcast v54, $0x0;
	v54 =	vld [tilespmem:s6+$0xFFFFFE60]  }
0x1ff: {  	[tilespmem:v45+s22+$0x0] =	vst.idx.msk $0xffff, v53;
	v53 =	vadd.s32 v6, v16;
	v6 =	vld [tilespmem:$0x1FF90]  }
0x200: {  	v39 =	vadd.s32 v39, v16;
	v36 =	vadd.f32 v36, v12;
	v45 =	vadd.s32 v62, v5;
	v16 =	vmovc v5;
	v5 =	vld [tilespmem:$0x1FFC0]  }
0x201: {  	v46 =	vld [tilespmem:s0+$0xFFFFFFB0]  }
0x202: {  	v38 =	vbroadcast v38, $0x0;
	v42 =	vld [tilespmem:s6+$0xFFFFFF20];
	[tilespmem:v1+s22+$0x0] =	vst.idx.msk $0xffff, v36;
	v1 =	vadd.f32 v51, v10  }
0x203: {  	v44 =	vadd.f32 v44, v11;
	v51 =	vadd.f32 v54, v11;
	v54 =	vld [tilespmem:s6+$0xFFFFFEE0]  }
0x204: {  	[tilespmem:v22+s22+$0x0] =	vst.idx.msk $0xffff, v1;
	v1 =	vld [tilespmem:$0x1FC10];
	v29 =	vadd.s32 v6, v38;
	v6 =	vadd.f32 v43, v10  }
0x205: {  	[tilespmem:v23+s22+$0x0] =	vst.idx.msk $0xffff, v44;
	v35 =	vadd.s32 v5, v15;
	v5 =	vld [tilespmem:$0x1FF40]  }
0x206: {  	[tilespmem:v39+s22+$0x0] =	vst.idx.msk $0xffff, v6;
	v39 =	vld [tilespmem:s0+$0xFFFFFF70]  }
0x207: {  	v4 =	vld [tilespmem:$0x1FF50]  }
0x208: {  	v3 =	vld [tilespmem:s0+$0xFFFFFFF0];
	v32 =	vadd.s32 v8, v0;
	v43 =	vadd.s32 v59, v37  }
0x209: {  	v22 =	vmovc v43;
	v43 =	vadd.s32 v1, v21;
	v21 =	vmov v38;
	v1 =	vld [tilespmem:$0x1FFA0];
	v6 =	vadd.f32 v60, v11  }
0x20a: {  	v38 =	vadd.f32 v54, v11;
	v54 =	vld [tilespmem:$0x1FF30];
	v5 =	vadd.s32 v5, v18;
	v18 =	vmovc v0;
	v0 =	vadd.f32 v47, v9  }
0x20b: {  	v60 =	vld [tilespmem:s0+$0xFFFFFF40];
	[tilespmem:v31+s22+$0x0] =	vst.idx.msk $0xffff, v6;
	v39 =	vadd.f32 v39, v10  }
0x20c: {  	[tilespmem:v14+s22+$0x0] =	vst.idx.msk $0xffff, v0;
	v0 =	vld [tilespmem:$0x1FF60]  }
0x20d: {  	v31 =	vadd.f32 v3, v10;
	[tilespmem:v26+s22+$0x0] =	vst.idx.msk $0xffff, v39;
	v26 =	vld [tilespmem:$0x1FF80]  }
0x20e: {  	v52 =	vbroadcast v52, $0x0;
	v50 =	vadd.s32 v61, v34;
	v47 =	vld [tilespmem:s6+$0xFFFFFEA0]  }
0x20f: {  	v23 =	vmov v32;
	v6 =	vadd.f32 v30, v9;
	v36 =	vld [tilespmem:s0+$0xFFFFFE30];
	[tilespmem:v28+s22+$0x0] =	vst.idx.msk $0xffff, v31  }
0x210: {  	v32 =	vadd.s32 v55, v52;
	v30 =	vadd.f32 v46, v10;
	v28 =	vadd.f32 v60, v9;
	v60 =	vmovc v55;
	v55 =	vld [tilespmem:s0+$0x0]  }
0x211: {  	v3 =	vadd.s32 v0, v48;
	v0 =	vld [tilespmem:$0x1FEF0]  }
0x212: {  	v49 =	vadd.f32 v42, v11;
	[tilespmem:v27+s22+$0x0] =	vst.idx.msk $0xffff, v30;
	v42 =	vadd.s32 v26, v17;
	v26 =	vld [tilespmem:$0x1FE50]  }
0x213: {  	[tilespmem:v50+s22+$0x0] =	vst.idx.msk $0xffff, v51;
	v51 =	vmov v58;
	v58 =	vld [tilespmem:$0x1FEA0]  }
0x214: {  	[tilespmem:v53+s22+$0x0] =	vst.idx.msk $0xffff, v28;
	v53 =	vld [tilespmem:$0x1FE90];
	v27 =	vadd.f32 v36, v10  }
0x215: {  	v28 =	vld [tilespmem:$0x1FFB0]  }
0x216: {  	[tilespmem:v2+s22+$0x0] =	vst.idx.msk $0xffff, v27;
	v2 =	vld [tilespmem:$0x1FF70]  }
0x217: {  	p0 =	slt.u32 s5, $0x78;
	v14 =	vmovc v41;
	v41 =	vadd.s32 v0, v19;
	v19 =	vmov v37;
	v37 =	vadd.s32 v26, v20;
	v26 =	vld [tilespmem:$0x1FE40]  }
.Ltmp4:
0x218: {  	v40 =	vadd.f32 v40, v12;
	v7 =	vadd.f32 v7, v12;
	v4 =	vadd.s32 v4, v48;
	(pc) =	sbr.rel @p0 .LBB2_7-.Ltmp4, $4  }
0x219: {  	v1 =	vadd.s32 v1, v21;
	v44 =	vld [tilespmem:s0+$0xFFFFFFC0];
	v46 =	vadd.f32 v47, v11;
	[tilespmem:v45+s22+$0x0] =	vst.idx.msk $0xffff, v49  }
0x21a: {  	v47 =	vld [tilespmem:s0+$0xFFFFFF00];
	v49 =	vadd.f32 v55, v9;
	v36 =	vadd.s32 v58, v15;
	v17 =	vmovc v48;
	v48 =	vadd.s32 v63, v18  }
0x21b: {  	v45 =	vld [tilespmem:s0+$0xFFFFFE40];
	v30 =	vadd.s32 v53, v34;
	v28 =	vadd.s32 v28, v21;
	v27 =	vadd.s32 v2, v17;
	v20 =	vmovc v52  }
0x21c: {  	s5 =	sadd.s32 $0x8, s5;
	v55 =	vmovc v60;
	v34 =	vld [tilespmem:s0+$0xFFFFFF80];
	s0 =	smov.u32 s6;
	s6 =	sadd.s32 $0x200, s6;
	v0 =	vadd.s32 v57, v19;
	v31 =	vadd.s32 v54, v20;
	v26 =	vadd.s32 v26, v18  }
0x21d: {  	_ =	sdelay $0x2  }
0x21e: {  	v50 =	vld [tilespmem:$0x1FE80]  }
0x21f: {  	v39 =	vld [tilespmem:$0x1FFC0];
	[tilespmem:v4+s22+$0x0] =	vst.idx.msk $0xffff, v40  }
0x220: {  	[tilespmem:v35+s22+$0x0] =	vst.idx.msk $0xffff, v46  }
0x221: {  	[tilespmem:v29+s22+$0x0] =	vst.idx.msk $0xffff, v25  }
0x222: {  	[tilespmem:v43+s22+$0x0] =	vst.idx.msk $0xffff, v49  }
0x223: {  	v29 =	vld [tilespmem:$0x1FEB0];
	_ =	sdelay $0x1  }
0x224: {  	v2 =	vadd.f32 v47, v9;
	v47 =	vld [tilespmem:s0+$0xFFFFFFE0]  }
0x225: {  	[tilespmem:v48+s22+$0x0] =	vst.idx.msk $0xffff, v7  }
0x226: {  	v48 =	vadd.f32 v44, v9;
	[tilespmem:v32+s22+$0x0] =	vst.idx.msk $0xffff, v24  }
0x227: {  	[tilespmem:v0+s22+$0x0] =	vst.idx.msk $0xffff, v38;
	v12 =	vadd.s32 v29, v13  }
0x228: {  	[tilespmem:v42+s22+$0x0] =	vst.idx.msk $0xffff, v48;
	v56 =	vadd.f32 v34, v9  }
0x229: {  	v49 =	vld [tilespmem:s0+$0xFFFFFFA0];
	[tilespmem:v41+s22+$0x0] =	vst.idx.msk $0xffff, v2;
	v4 =	vadd.f32 v47, v11  }
0x22a: {  	v52 =	vld [tilespmem:s0+$0xFFFFFF60];
	[tilespmem:v5+s22+$0x0] =	vst.idx.msk $0xffff, v56  }
0x22b: {  	v59 =	vld [tilespmem:s0+$0xFFFFFE70];
	[tilespmem:v1+s22+$0x0] =	vst.idx.msk $0xffff, v4  }
0x22c: {  	v57 =	vld [tilespmem:s0+$0xFFFFFE20];
	[tilespmem:v12+s22+$0x0] =	vst.idx.msk $0xffff, v6  }
0x22d: {  	v42 =	vld [tilespmem:$0x1FFD0]  }
0x22e: {  	v25 =	vld [tilespmem:s0+$0xFFFFFEF0];
	v2 =	vadd.f32 v49, v11  }
0x22f: {  	v62 =	vadd.f32 v52, v11;
	v1 =	vld [tilespmem:s0+$0xFFFFFFF0]  }
0x230: {  	v61 =	vld [tilespmem:s0+$0xFFFFFF30];
	v24 =	vadd.f32 v45, v9;
	[tilespmem:v3+s22+$0x0] =	vst.idx.msk $0xffff, v2  }
0x231: {  	v32 =	vadd.f32 v57, v11;
	[tilespmem:v23+s22+$0x0] =	vst.idx.msk $0xffff, v62  }
0x232: {  	v34 =	vadd.f32 v59, v10;
	[tilespmem:v37+s22+$0x0] =	vst.idx.msk $0xffff, v24;
	v63 =	vadd.s32 v42, v16  }
0x233: {  	[tilespmem:v31+s22+$0x0] =	vst.idx.msk $0xffff, v32;
	v2 =	vadd.f32 v25, v10  }
0x234: {  	[tilespmem:v30+s22+$0x0] =	vst.idx.msk $0xffff, v34;
	v1 =	vadd.f32 v1, v10  }
0x235: {  	v6 =	vadd.f32 v61, v10;
	v3 =	vld [tilespmem:s0+$0xFFFFFFB0];
	[tilespmem:v22+s22+$0x0] =	vst.idx.msk $0xffff, v2  }
0x236: {  	v35 =	vld [tilespmem:s0+$0xFFFFFF70];
	[tilespmem:v28+s22+$0x0] =	vst.idx.msk $0xffff, v1  }
0x237: {  	v37 =	vld [tilespmem:s0+$0xFFFFFEB0];
	[tilespmem:v63+s22+$0x0] =	vst.idx.msk $0xffff, v6  }
0x238: {  	v8 =	vld [tilespmem:$0x1FFE0]  }
0x239: {  	v0 =	vld [tilespmem:s0+$0xFFFFFE30]  }
0x23a: {  	v5 =	vld [tilespmem:s0+$0xFFFFFE80];
	v3 =	vadd.f32 v3, v10  }
0x23b: {  	v38 =	vadd.s32 v51, v20;
	v40 =	vadd.f32 v35, v10;
	v6 =	vld [tilespmem:s0+$0xFFFFFF40]  }
0x23c: {  	v45 =	vld [tilespmem:s0+$0xFFFFFF00];
	v43 =	vadd.f32 v37, v10;
	[tilespmem:v27+s22+$0x0] =	vst.idx.msk $0xffff, v3  }
0x23d: {  	v3 =	vld [tilespmem:$0x1FC10];
	[tilespmem:v26+s22+$0x0] =	vst.idx.msk $0xffff, v40;
	v44 =	vadd.s32 v8, v16  }
0x23e: {  	v41 =	vld [tilespmem:s0+$0x0];
	v0 =	vadd.f32 v0, v10;
	[tilespmem:v36+s22+$0x0] =	vst.idx.msk $0xffff, v43  }
0x23f: {  	v5 =	vadd.f32 v5, v9;
	v7 =	vld [tilespmem:$0x1FEF0]  }
0x240: {  	v49 =	vld [tilespmem:$0x1FF80];
	[tilespmem:v38+s22+$0x0] =	vst.idx.msk $0xffff, v0;
	v6 =	vadd.f32 v6, v9  }
0x241: {  	v0 =	vld [tilespmem:$0x1FF40];
	[tilespmem:v14+s22+$0x0] =	vst.idx.msk $0xffff, v5  }
0x242: {  	v48 =	vld [tilespmem:s0+$0xFFFFFEC0];
	[tilespmem:v44+s22+$0x0] =	vst.idx.msk $0xffff, v6  }
0x243: {  	v3 =	vadd.s32 v3, v21;
	v57 =	vld [tilespmem:$0x1FE50]  }
0x244: {  	v56 =	vadd.s32 v29, v15;
	v46 =	vld [tilespmem:s0+$0xFFFFFFC0]  }
0x245: {  	v47 =	vld [tilespmem:s0+$0xFFFFFF80];
	v7 =	vadd.s32 v7, v19  }
0x246: {  	v2 =	vadd.f32 v41, v9;
	v4 =	vld [tilespmem:s0+$0xFFFFFE40];
	v16 =	vadd.s32 v49, v17  }
0x247: {  	v62 =	vadd.f32 v48, v9;
	v0 =	vadd.s32 v0, v18  }
0x248: {  	v52 =	vadd.f32 v45, v9;
	[tilespmem:v3+s22+$0x0] =	vst.idx.msk $0xffff, v2;
	v59 =	vadd.s32 v57, v20  }
0x249: {  	v1 =	vadd.f32 v46, v9;
	[tilespmem:v56+s22+$0x0] =	vst.idx.msk $0xffff, v62  }
0x24a: {  	s9 =	sshll.u32 s1, $0x12;
	v61 =	vadd.f32 v47, v9;
	[tilespmem:v7+s22+$0x0] =	vst.idx.msk $0xffff, v52  }
0x24b: {  	s0 =	sor.u32 s7, s9;
	v63 =	vadd.f32 v4, v9;
	[tilespmem:v16+s22+$0x0] =	vst.idx.msk $0xffff, v1  }
0x24c: {  	s0 =	sshrl.u32 s0, $0x3;
	[tilespmem:v0+s22+$0x0] =	vst.idx.msk $0xffff, v61  }
0x24d: {  	s10 =	simm.s32 $0x13A00;
	s1 =	sadd.s32 s2, s0;
	[tilespmem:v59+s22+$0x0] =	vst.idx.msk $0xffff, v63  }
0x24e: {  	[hbm4b:s1+s3] =	stream.linear.scatter [tilespmem:s10], [sflag:$0x3], $0x80, $0x38;
	[tilespmem:$0x1A000] =	vst v63  }
0x24f: {  	s26 =	simm.s32 $0x13A88;
	s5 =	sadd.s32 $0x10, s1  }
0x250: {  	[hbm4b:s5+s3] =	stream.linear.scatter [tilespmem:s26], [sflag:$0x3], $0x80, $0x38;
	[tilespmem:$0x1A000] =	vst v63  }
0x251: {  	s28 =	simm.s32 $0x13B10;
	s8 =	simm.s32 $0x13C20;
	s29 =	sadd.s32 $0x20, s1  }
0x252: {  	[hbm4b:s29+s3] =	stream.linear.scatter [tilespmem:s28], [sflag:$0x3], $0x80, $0x38;
	[tilespmem:$0x1A000] =	vst v63  }
0x253: {  	s0 =	simm.s32 $0x440;
	s6 =	sadd.s32 $0x30, s1;
	s5 =	simm.s32 $0x13B98  }
0x254: {  	[hbm4b:s6+s3] =	stream.linear.scatter [tilespmem:s5], [sflag:$0x3], $0x80, $0x38;
	[tilespmem:$0x1A000] =	vst v63  }
0x255: {  	s9 =	sadd.s32 $0x40, s1;
	s10 =	simm.s32 $0x13CA8;
	s26 =	sadd.s32 $0x50, s1  }
0x256: {  	[hbm4b:s9+s3] =	stream.linear.scatter [tilespmem:s8], [sflag:$0x3], $0x80, $0x38;
	[tilespmem:$0x1A000] =	vst v63  }
0x257: {  	s28 =	simm.s32 $0x13D30;
	s29 =	sadd.s32 $0x60, s1;
	s5 =	simm.s32 $0x2200  }
0x258: {  	[hbm4b:s26+s3] =	stream.linear.scatter [tilespmem:s10], [sflag:$0x3], $0x80, $0x38;
	[tilespmem:$0x1A000] =	vst v63  }
0x259: {  	s6 =	simm.s32 $0x13DB8;
	s10 =	sadd.s32 $0x70, s1;
	s1 =	sadd.s32 $0x1000, s1  }
0x25a: {  	[hbm4b:s29+s3] =	stream.linear.scatter [tilespmem:s28], [sflag:$0x3], $0x80, $0x38;
	[tilespmem:$0x1A000] =	vst v63  }
.LBB2_9:
0x25b: {  	[hbm4b:s10+s3] =	stream.linear.scatter [tilespmem:s6], [sflag:$0x3], $0x80, $0x38;
	[tilespmem:$0x1A000] =	vst v63  }
0x25c: {  	s6 =	smov.u32 s0;
	s0 =	smov.u32 s5  }
0x25d: {  	s8 =	sadd.s32 $0x1100, s5;
	s0 =	sshra.s32 s0, $0x2;
	s9 =	sadd.s32 $0x13A00, s6  }
0x25e: {  	[hbm4b:s1+s3] =	stream.linear.scatter [tilespmem:s9], [sflag:$0x3], $0x80, $0x38;
	[tilespmem:$0x1A000] =	vst v63  }
0x25f: {  	p0 =	sne.s32 s5, $0x7700;
	s5 =	sadd.s32 $0x13A88, s6;
	s9 =	sadd.s32 $0x10, s1  }
0x260: {  	[hbm4b:s9+s3] =	stream.linear.scatter [tilespmem:s5], [sflag:$0x3], $0x80, $0x38;
	[tilespmem:$0x1A000] =	vst v63  }
0x261: {  	s5 =	sadd.s32 $0x13B10, s6;
	s9 =	sadd.s32 $0x20, s1  }
0x262: {  	[hbm4b:s9+s3] =	stream.linear.scatter [tilespmem:s5], [sflag:$0x3], $0x80, $0x38;
	[tilespmem:$0x1A000] =	vst v63  }
0x263: {  	s5 =	sadd.s32 $0x13B98, s6;
	s9 =	sadd.s32 $0x30, s1  }
0x264: {  	[hbm4b:s9+s3] =	stream.linear.scatter [tilespmem:s5], [sflag:$0x3], $0x80, $0x38;
	[tilespmem:$0x1A000] =	vst v63  }
0x265: {  	s5 =	sadd.s32 $0x13C20, s6;
	s9 =	sadd.s32 $0x40, s1  }
0x266: {  	[hbm4b:s9+s3] =	stream.linear.scatter [tilespmem:s5], [sflag:$0x3], $0x80, $0x38;
	[tilespmem:$0x1A000] =	vst v63  }
.Ltmp5:
0x267: {  	s5 =	sadd.s32 $0x13CA8, s6;
	s9 =	sadd.s32 $0x50, s1;
	(pc) =	sbr.rel @p0 .LBB2_9-.Ltmp5, $4  }
0x268: {  	[hbm4b:s9+s3] =	stream.linear.scatter [tilespmem:s5], [sflag:$0x3], $0x80, $0x38;
	[tilespmem:$0x1A000] =	vst v63  }
0x269: {  	s10 =	sadd.s32 $0x70, s1;
	s5 =	sadd.s32 $0x13D30, s6;
	s9 =	sadd.s32 $0x60, s1  }
0x26a: {  	[hbm4b:s9+s3] =	stream.linear.scatter [tilespmem:s5], [sflag:$0x3], $0x80, $0x38;
	[tilespmem:$0x1A000] =	vst v63  }
0x26b: {  	s6 =	sadd.s32 $0x13DB8, s6;
	s1 =	sadd.s32 $0x1000, s1;
	s5 =	smov.u32 s8  }
0x26c: {  	[hbm4b:s10+s3] =	stream.linear.scatter [tilespmem:s6], [sflag:$0x3], $0x80, $0x38;
	[tilespmem:$0x1A000] =	vst v63  }
0x26d: {  	s5 =	sadd.s32 $0x13A00, s0  }
0x26e: {  	[hbm4b:s1+s3] =	stream.linear.scatter [tilespmem:s5], [sflag:$0x3], $0x80, $0x38;
	[tilespmem:$0x1A000] =	vst v63  }
0x26f: {  	s28 =	sadd.s32 $0x13A88, s0;
	s29 =	sadd.s32 $0x10, s1  }
0x270: {  	[hbm4b:s29+s3] =	stream.linear.scatter [tilespmem:s28], [sflag:$0x3], $0x80, $0x38;
	[tilespmem:$0x1A000] =	vst v63  }
0x271: {  	s8 =	sadd.s32 $0x13B10, s0;
	s9 =	sadd.s32 $0x20, s1  }
0x272: {  	[hbm4b:s9+s3] =	stream.linear.scatter [tilespmem:s8], [sflag:$0x3], $0x80, $0x38;
	[tilespmem:$0x1A000] =	vst v63  }
0x273: {  	s10 =	sadd.s32 $0x13B98, s0;
	s26 =	sadd.s32 $0x30, s1  }
0x274: {  	[hbm4b:s26+s3] =	stream.linear.scatter [tilespmem:s10], [sflag:$0x3], $0x80, $0x38;
	[tilespmem:$0x1A000] =	vst v63  }
0x275: {  	v47 =	vld [tilespmem:$0x1FE60];
	s28 =	sadd.s32 $0x13C20, s0;
	s29 =	sadd.s32 $0x40, s1  }
0x276: {  	v52 =	vld [tilespmem:$0x1FE70];
	[hbm4b:s29+s3] =	stream.linear.scatter [tilespmem:s28], [sflag:$0x3], $0x80, $0x38  }
0x277: {  	p0 =	seq.s32 s30, $0x31;
	v28 =	vld [tilespmem:$0x1FF10];
	s8 =	sadd.s32 $0x13CA8, s0;
	s9 =	sadd.s32 $0x50, s1  }
0x278: {  	v40 =	vld [tilespmem:$0x1FE40];
	[hbm4b:s9+s3] =	stream.linear.scatter [tilespmem:s8], [sflag:$0x3], $0x80, $0x38  }
.Ltmp6:
0x279: {  	v8 =	vld [tilespmem:$0x1FF50];
	(pc) =	sbr.rel @p0 .LBB2_12-.Ltmp6, $4  }
0x27a: {  	v43 =	vld [tilespmem:$0x1FF60];
	s10 =	sadd.s32 $0x13D30, s0;
	s26 =	sadd.s32 $0x60, s1  }
0x27b: {  	v36 =	vld [tilespmem:$0x1FF90];
	[hbm4b:s26+s3] =	stream.linear.scatter [tilespmem:s10], [sflag:$0x3], $0x80, $0x38  }
0x27c: {  	v56 =	vld [tilespmem:$0x1FFA0];
	s28 =	sadd.s32 $0x13DB8, s0;
	s29 =	sadd.s32 $0x70, s1  }
0x27d: {  	v59 =	vmov v39;
	v57 =	vmov v50;
	v63 =	vld [tilespmem:$0x1FE20];
	[hbm4b:s29+s3] =	stream.linear.scatter [tilespmem:s28], [sflag:$0x3], $0x80, $0x38  }
0x27e: {  	v3 =	vld [tilespmem:$0x1FE00];
	_ =	sdelay $0x1  }
0x27f: {  	s0 =	sadd.s32 $0x4, s31  }
0x280: {  	v0 =	vmov s0  }
0x281: {  	v0 =	vand.u32 $0x1FC, v0  }
0x282: {  	v1 =	vadd.s32 v3, v0;
	_ =	sdelay $0x1  }
0x283: {  	v4 =	vld [tilespmem:$0x1FC20];
	_ =	sdelay $0x2  }
0x284: {  	v1 =	vld.idx.msk [tilespmem:v1+s3+$0x0], $0xffff;
	_ =	sdelay $0x1  }
0x285: {  	v2 =	vadd.s32 v4, v0;
	_ =	sdelay $0x1  }
0x286: {  	v5 =	vld [tilespmem:$0x1FC30]  }
0x287: {  	v1 =	vshll.u32 v1, $0x1  }
0x288: {  	[tilespmem:$0x9600] =	vst v1  }
0x289: {  	v1 =	vld.idx.msk [tilespmem:v2+s3+$0x0], $0xffff;
	_ =	sdelay $0x1  }
0x28a: {  	v35 =	vadd.s32 v5, v0;
	_ =	sdelay $0x1  }
0x28b: {  	v6 =	vld [tilespmem:$0x1FC40]  }
0x28c: {  	v1 =	vshll.u32 v1, $0x1  }
0x28d: {  	[tilespmem:$0x9610] =	vst v1  }
0x28e: {  	v1 =	vld.idx.msk [tilespmem:v35+s3+$0x0], $0xffff;
	_ =	sdelay $0x1  }
0x28f: {  	v37 =	vadd.s32 v6, v0;
	_ =	sdelay $0x1  }
0x290: {  	v7 =	vld [tilespmem:$0x1FC50]  }
0x291: {  	v1 =	vshll.u32 v1, $0x1  }
0x292: {  	[tilespmem:$0x9620] =	vst v1  }
0x293: {  	v1 =	vld.idx.msk [tilespmem:v37+s3+$0x0], $0xffff;
	_ =	sdelay $0x1  }
0x294: {  	v38 =	vadd.s32 v7, v0;
	_ =	sdelay $0x1  }
0x295: {  	v9 =	vld [tilespmem:$0x1FC60]  }
0x296: {  	v1 =	vshll.u32 v1, $0x1  }
0x297: {  	[tilespmem:$0x9630] =	vst v1  }
0x298: {  	v1 =	vld.idx.msk [tilespmem:v38+s3+$0x0], $0xffff;
	_ =	sdelay $0x1  }
0x299: {  	v39 =	vadd.s32 v9, v0;
	_ =	sdelay $0x1  }
0x29a: {  	v10 =	vld [tilespmem:$0x1FC70]  }
0x29b: {  	v1 =	vshll.u32 v1, $0x1  }
0x29c: {  	[tilespmem:$0x9640] =	vst v1  }
0x29d: {  	v1 =	vld.idx.msk [tilespmem:v39+s3+$0x0], $0xffff;
	_ =	sdelay $0x1  }
0x29e: {  	v41 =	vadd.s32 v10, v0;
	_ =	sdelay $0x1  }
0x29f: {  	v11 =	vld [tilespmem:$0x1FC80]  }
0x2a0: {  	v1 =	vshll.u32 v1, $0x1  }
0x2a1: {  	[tilespmem:$0x9650] =	vst v1  }
0x2a2: {  	v1 =	vld.idx.msk [tilespmem:v41+s3+$0x0], $0xffff;
	_ =	sdelay $0x1  }
0x2a3: {  	v0 =	vadd.s32 v11, v0;
	_ =	sdelay $0x2  }
0x2a4: {  	v1 =	vshll.u32 v1, $0x1  }
0x2a5: {  	s29 =	sadd.s32 $0x5, s31;
	[tilespmem:$0x9660] =	vst v1  }
0x2a6: {  	v44 =	vmov s29;
	v0 =	vld.idx.msk [tilespmem:v0+s3+$0x0], $0xffff  }
0x2a7: {  	v1 =	vand.u32 $0x1FD, v44  }
0x2a8: {  	v45 =	vadd.s32 v3, v1;
	_ =	sdelay $0x2  }
0x2a9: {  	v0 =	vshll.u32 v0, $0x1  }
0x2aa: {  	[tilespmem:$0x9670] =	vst v0  }
0x2ab: {  	v0 =	vld.idx.msk [tilespmem:v45+s3+$0x0], $0xffff;
	_ =	sdelay $0x1  }
0x2ac: {  	v46 =	vadd.s32 v4, v1;
	_ =	sdelay $0x2  }
0x2ad: {  	v0 =	vshll.u32 v0, $0x1  }
0x2ae: {  	[tilespmem:$0x9680] =	vst v0  }
0x2af: {  	v0 =	vld.idx.msk [tilespmem:v46+s3+$0x0], $0xffff;
	_ =	sdelay $0x1  }
0x2b0: {  	v48 =	vadd.s32 v5, v1;
	_ =	sdelay $0x2  }
0x2b1: {  	v0 =	vshll.u32 v0, $0x1  }
0x2b2: {  	[tilespmem:$0x9690] =	vst v0  }
0x2b3: {  	v0 =	vld.idx.msk [tilespmem:v48+s3+$0x0], $0xffff;
	_ =	sdelay $0x1  }
0x2b4: {  	v49 =	vadd.s32 v6, v1;
	_ =	sdelay $0x2  }
0x2b5: {  	v0 =	vshll.u32 v0, $0x1  }
0x2b6: {  	[tilespmem:$0x96A0] =	vst v0  }
0x2b7: {  	v0 =	vld.idx.msk [tilespmem:v49+s3+$0x0], $0xffff;
	_ =	sdelay $0x1  }
0x2b8: {  	v50 =	vadd.s32 v7, v1;
	_ =	sdelay $0x2  }
0x2b9: {  	v0 =	vshll.u32 v0, $0x1  }
0x2ba: {  	[tilespmem:$0x96B0] =	vst v0  }
0x2bb: {  	v0 =	vld.idx.msk [tilespmem:v50+s3+$0x0], $0xffff;
	_ =	sdelay $0x1  }
0x2bc: {  	v61 =	vadd.s32 v9, v1;
	_ =	sdelay $0x2  }
0x2bd: {  	v0 =	vshll.u32 v0, $0x1  }
0x2be: {  	[tilespmem:$0x96C0] =	vst v0  }
0x2bf: {  	v0 =	vld.idx.msk [tilespmem:v61+s3+$0x0], $0xffff;
	_ =	sdelay $0x1  }
0x2c0: {  	v62 =	vadd.s32 v10, v1;
	_ =	sdelay $0x2  }
0x2c1: {  	v0 =	vshll.u32 v0, $0x1  }
0x2c2: {  	[tilespmem:$0x96D0] =	vst v0  }
0x2c3: {  	v0 =	vld.idx.msk [tilespmem:v62+s3+$0x0], $0xffff;
	_ =	sdelay $0x1  }
0x2c4: {  	v1 =	vadd.s32 v11, v1;
	_ =	sdelay $0x2  }
0x2c5: {  	v0 =	vshll.u32 v0, $0x1  }
0x2c6: {  	[tilespmem:$0x96E0] =	vst v0  }
0x2c7: {  	v0 =	vld.idx.msk [tilespmem:v1+s3+$0x0], $0xffff;
	_ =	sdelay $0x4  }
0x2c8: {  	v0 =	vshll.u32 v0, $0x1  }
0x2c9: {  	[tilespmem:$0x96F0] =	vst v0  }
0x2ca: {  	[tilespmem:s13], [sflag:$0x1] =	stream.indirect.gather [hbm4b:s4+s11], $0x40, s12, s11, $0xb8;
	[tilespmem:$0x1A000] =	vst v63  }
0x2cb: {  	_ = 	snop  }
0x2cc: {  	[tilespmem:s15], [sflag:$0x1] =	stream.indirect.gather [hbm4b:s4+s11], $0x40, s14, s11, $0xb8;
	[tilespmem:$0x1A000] =	vst v63  }
.LBB2_12:
0x2cd: {  	_ =	swait.ge [sflag:s23], $0x2000  }
0x2ce: {  	[sflag:s23] =	ssyncset.done $0x0  }
0x2cf: {  	[sflag:s23] =	ssyncadd.s32 $0xFFFFE000  }
0x2d0: {  	_ =	swait.ge [sflag:s23], $0x2000  }
0x2d1: {  	[sflag:s23] =	ssyncset.done $0x0  }
0x2d2: {  	s0 =	simm.s32 @!p1 $0x4;
	[sflag:s23] =	ssyncadd.s32 $0xFFFFE000  }
0x2d3: {  	_ =	swait.ge @!p1 [sflag:s0], $0x2000  }
0x2d4: {  	s1 =	sor.u32 $0x2, s31;
	[sflag:s0] =	ssyncset.done @!p1 $0x0  }
0x2d5: {  	s6 =	simm.s32 $0x7;
	s29 =	simm.s32 $0x1;
	[sflag:s0] =	ssyncadd.s32 @!p1 $0xFFFFE000  }
0x2d6: {  	s28 =	simm.s32 $0x4;
	s9 =	simm.s32 $0x2;
	v1 =	vmov s6;
	v3 =	vmov s29;
	_ =	swait.ge @!p1 [sflag:s0], $0x2000  }
0x2d7: {  	s26 =	sshll.u32 s1, $0x6;
	v2 =	vmov s28;
	v5 =	vmov s9;
	v3 =	vshrl.u32 v3, $0x3;
	[sflag:s0] =	ssyncset.done @!p1 $0x0;
	v48 =	vld [tilespmem:$0x1FF00]  }
0x2d8: {  	v2 =	vshrl.u32 v2, $0x3;
	v5 =	vshrl.u32 v5, $0x3;
	v6 =	vshll.u32 v3, v33;
	v61 =	vld [tilespmem:$0x1FEC0];
	[sflag:s0] =	ssyncadd.s32 @!p1 $0xFFFFE000;
	s0 =	sand.u32 $0x3FFFFFC0, s26  }
0x2d9: {  	s10 =	simm.s32 $0xD900;
	s6 =	simm.s32 $0x3;
	v15 =	vshrl.u32 v1, $0x3;
	v2 =	vshll.u32 v2, v33;
	v6 =	vbroadcast v6, $0x0;
	v12 =	vld [tilespmem:s0+$0x6400]  }
0x2da: {  	v5 =	vshll.u32 v5, v33;
	v3 =	vbroadcast v2, $0x0;
	v2 =	vmov s6;
	v14 =	vld [tilespmem:s10+$0xFFFFFF40]  }
0x2db: {  	v13 =	vbroadcast v5, $0x0;
	v1 =	vshrl.u32 v2, $0x3;
	v2 =	vadd.s32 v57, v6;
	v16 =	vld [tilespmem:s10+$0xFFFFFF80]  }
0x2dc: {  	s5 =	simm.s32 $0x0;
	v1 =	vshll.u32 v1, v33;
	v17 =	vadd.s32 v47, v6;
	v7 =	vld [tilespmem:s10+$0x0];
	[tilespmem:$0x1FB50] =	vst v2  }
0x2dd: {  	v0 =	vmov s5;
	v20 =	vadd.s32 v63, v13;
	v30 =	vbroadcast v1, $0x0;
	v18 =	vld [tilespmem:s10+$0xFFFFFFC0]  }
0x2de: {  	v0 =	vshrl.u32 v0, $0x3;
	v11 =	vld [tilespmem:s0+$0x6410];
	v5 =	vadd.s32 v48, v3  }
0x2df: {  	v25 =	vshll.u32 v0, v33;
	v10 =	vld [tilespmem:s0+$0x6420];
	v23 =	vadd.s32 v61, v30;
	v0 =	vadd.f32 v14, v12  }
0x2e0: {  	v9 =	vld [tilespmem:s0+$0x6430];
	v16 =	vadd.f32 v16, v12  }
0x2e1: {  	v19 =	vld [tilespmem:s10+$0xFFFFFF00];
	v7 =	vadd.f32 v7, v12;
	[tilespmem:v17+s24+$0x0] =	vst.idx.msk $0xffff, v0  }
0x2e2: {  	v21 =	vld [tilespmem:s10+$0xC0];
	v0 =	vadd.f32 v18, v12;
	[tilespmem:v20+s24+$0x0] =	vst.idx.msk $0xffff, v16  }
0x2e3: {  	s8 =	simm.s32 $0x5;
	v15 =	vshll.u32 v15, v33;
	v24 =	vld [tilespmem:s10+$0x80];
	[tilespmem:v5+s24+$0x0] =	vst.idx.msk $0xffff, v7  }
0x2e4: {  	v4 =	vmov s8;
	v27 =	vbroadcast v15, $0x0;
	v15 =	vld [tilespmem:s10+$0xFFFFFF90];
	[tilespmem:v23+s24+$0x0] =	vst.idx.msk $0xffff, v0  }
0x2e5: {  	s8 =	simm.s32 $0x6;
	v4 =	vshrl.u32 v4, $0x3;
	v0 =	vld [tilespmem:$0x1FEE0]  }
0x2e6: {  	v22 =	vmov s8;
	v4 =	vshll.u32 v4, v33;
	v50 =	vld [tilespmem:$0x1FFB0]  }
0x2e7: {  	v14 =	vshrl.u32 v22, $0x3;
	v22 =	vld [tilespmem:s10+$0x40];
	v17 =	vadd.f32 v19, v12;
	v5 =	vbroadcast v4, $0x0  }
0x2e8: {  	v39 =	vmovc v28;
	v19 =	vadd.s32 v28, v3;
	v28 =	vbroadcast v25, $0x0;
	v25 =	vadd.s32 v59, v13;
	v4 =	vld [tilespmem:s10+$0xFFFFFF50]  }
0x2e9: {  	v7 =	vld [tilespmem:s10+$0x10];
	v31 =	vadd.s32 v40, v5  }
0x2ea: {  	v18 =	vadd.f32 v21, v12;
	v21 =	vld [tilespmem:s10+$0xFFFFFFD0];
	[tilespmem:$0x1FB90] =	vst v31;
	v1 =	vadd.s32 v0, v30  }
0x2eb: {  	v62 =	vld [tilespmem:$0x1FE30];
	v15 =	vadd.f32 v15, v11;
	v31 =	vadd.s32 v50, v27;
	[tilespmem:$0x1FB70] =	vst v1  }
0x2ec: {  	v34 =	vld [tilespmem:$0x1FF20];
	[tilespmem:$0x1FB60] =	vst v31  }
0x2ed: {  	v1 =	vld [tilespmem:$0x1FED0];
	[tilespmem:v25+s24+$0x0] =	vst.idx.msk $0xffff, v15  }
0x2ee: {  	v14 =	vshll.u32 v14, v33;
	v15 =	vld [tilespmem:$0x1FF70]  }
0x2ef: {  	s26 =	simm.s32 $0xF;
	v26 =	vbroadcast v14, $0x0  }
0x2f0: {  	v42 =	vadd.s32 v42, v3;
	v45 =	vmov s26  }
0x2f1: {  	v24 =	vadd.f32 v24, v12;
	v14 =	vadd.s32 v52, v6;
	v16 =	vadd.s32 v8, v26  }
0x2f2: {  	s0 =	simm.s32 $0xDB00;
	v6 =	vadd.s32 v53, v6;
	v23 =	vadd.s32 v36, v27;
	v29 =	vadd.s32 v55, v28  }
0x2f3: {  	v2 =	vmovc v36;
	v32 =	vadd.s32 v43, v26;
	v38 =	vadd.s32 v34, v5;
	v41 =	vld [tilespmem:s0+$0xFFFFFF40];
	v15 =	vadd.s32 v15, v26  }
0x2f4: {  	v36 =	vadd.s32 v56, v27;
	v37 =	vadd.s32 v54, v28;
	[tilespmem:$0x1FB80] =	vst v15;
	v15 =	vadd.s32 v51, v28  }
0x2f5: {  	s9 =	simm.s32 $0x8;
	v22 =	vadd.f32 v22, v12;
	v4 =	vadd.f32 v4, v11;
	v35 =	vadd.s32 v1, v30;
	[tilespmem:$0x1FBA0] =	vst v15  }
0x2f6: {  	v40 =	vadd.s32 v58, v13;
	v7 =	vadd.f32 v7, v11;
	v31 =	vmovc v43;
	v43 =	vmov s9;
	s9 =	simm.s32 $0xA;
	[tilespmem:v16+s24+$0x0] =	vst.idx.msk $0xffff, v24  }
0x2f7: {  	s28 =	simm.s32 $0x9;
	v20 =	vadd.s32 v62, v5;
	v21 =	vadd.f32 v21, v11;
	v25 =	vld [tilespmem:s10+$0xFFFFFFA0];
	v24 =	vmov s9;
	[tilespmem:v14+s24+$0x0] =	vst.idx.msk $0xffff, v4  }
0x2f8: {  	s29 =	simm.s32 $0xC;
	v41 =	vadd.f32 v41, v12;
	v15 =	vmov s28;
	[tilespmem:v38+s24+$0x0] =	vst.idx.msk $0xffff, v22;
	v14 =	vshrl.u32 v24, $0x3;
	v24 =	vld [tilespmem:s10+$0x90]  }
0x2f9: {  	v51 =	vshrl.u32 v43, $0x3;
	v16 =	vmov s29;
	v15 =	vshrl.u32 v15, $0x3;
	[tilespmem:v19+s24+$0x0] =	vst.idx.msk $0xffff, v7;
	v22 =	vld [tilespmem:s10+$0xFFFFFF60]  }
0x2fa: {  	[tilespmem:v35+s24+$0x0] =	vst.idx.msk $0xffff, v21;
	v15 =	vshll.u32 v15, v33;
	v16 =	vshrl.u32 v16, $0x3;
	v7 =	vld [tilespmem:s10+$0x50];
	v14 =	vshll.u32 v14, v33  }
0x2fb: {  	v21 =	vld [tilespmem:s0+$0xFFFFFF00];
	[tilespmem:v23+s24+$0x0] =	vst.idx.msk $0xffff, v18;
	v49 =	vbroadcast v15, $0x0;
	v15 =	vbroadcast v14, $0x0;
	v14 =	vshll.u32 v16, v33  }
0x2fc: {  	[tilespmem:v29+s24+$0x0] =	vst.idx.msk $0xffff, v17;
	v16 =	vbroadcast v14, $0x0;
	v19 =	vadd.f32 v25, v10;
	v25 =	vshrl.u32 v45, $0x3;
	v45 =	vld [tilespmem:s0+$0x0]  }
0x2fd: {  	s28 =	simm.s32 $0xB;
	v46 =	vld [tilespmem:s0+$0xFFFFFF80];
	v38 =	vadd.s32 v47, v49;
	v14 =	vadd.s32 v57, v49;
	v23 =	vadd.f32 v24, v11  }
0x2fe: {  	v57 =	vld [tilespmem:s10+$0xD0];
	v18 =	vadd.s32 v48, v16;
	v22 =	vadd.f32 v22, v10;
	[tilespmem:v40+s24+$0x0] =	vst.idx.msk $0xffff, v19;
	v19 =	vmov s28  }
0x2ff: {  	s29 =	simm.s32 $0xE;
	v29 =	vld [tilespmem:s10+$0xFFFFFF10];
	v43 =	vadd.s32 v63, v15;
	v7 =	vadd.f32 v7, v11;
	v19 =	vshrl.u32 v19, $0x3;
	[tilespmem:v32+s24+$0x0] =	vst.idx.msk $0xffff, v23  }
0x300: {  	v24 =	vadd.f32 v21, v12;
	v23 =	vmov s29;
	[tilespmem:v6+s24+$0x0] =	vst.idx.msk $0xffff, v22;
	v6 =	vld [tilespmem:s10+$0x20];
	v19 =	vshll.u32 v19, v33  }
0x301: {  	s26 =	simm.s32 $0xD;
	[tilespmem:v20+s24+$0x0] =	vst.idx.msk $0xffff, v7;
	v23 =	vshrl.u32 v23, $0x3;
	v22 =	vadd.f32 v45, v12;
	v45 =	vld [tilespmem:s0+$0xFFFFFFC0];
	v19 =	vbroadcast v19, $0x0  }
0x302: {  	v4 =	vmov s26;
	[tilespmem:v38+s24+$0x0] =	vst.idx.msk $0xffff, v41;
	v21 =	vshll.u32 v23, v33;
	v23 =	vadd.f32 v46, v12  }
0x303: {  	v17 =	vbroadcast v21, $0x0;
	v21 =	vadd.f32 v57, v11;
	[tilespmem:v18+s24+$0x0] =	vst.idx.msk $0xffff, v22;
	v32 =	vadd.s32 v61, v19  }
0x304: {  	v4 =	vshrl.u32 v4, $0x3;
	v7 =	vadd.f32 v29, v11;
	[tilespmem:v43+s24+$0x0] =	vst.idx.msk $0xffff, v23  }
0x305: {  	v4 =	vshll.u32 v4, v33;
	[tilespmem:v36+s24+$0x0] =	vst.idx.msk $0xffff, v21;
	v6 =	vadd.f32 v6, v10  }
0x306: {  	v18 =	vbroadcast v4, $0x0;
	v4 =	vadd.s32 v8, v17;
	v8 =	vld [tilespmem:$0x1FFE0];
	[tilespmem:v37+s24+$0x0] =	vst.idx.msk $0xffff, v7;
	v45 =	vadd.f32 v45, v12  }
0x307: {  	[tilespmem:v42+s24+$0x0] =	vst.idx.msk $0xffff, v6  }
0x308: {  	[tilespmem:v32+s24+$0x0] =	vst.idx.msk $0xffff, v45  }
0x309: {  	v22 =	vadd.s32 v0, v19;
	v0 =	vld [tilespmem:$0x1FF40];
	_ =	sdelay $0x4  }
0x30a: {  	v5 =	vadd.s32 v0, v5;
	v0 =	vld [tilespmem:$0x1FB50]  }
0x30b: {  	v48 =	vld [tilespmem:s10+$0xFFFFFF70];
	_ =	sdelay $0x4  }
0x30c: {  	v6 =	vadd.f32 v48, v9;
	_ =	sdelay $0x1  }
0x30d: {  	[tilespmem:v0+s24+$0x0] =	vst.idx.msk $0xffff, v6  }
0x30e: {  	v0 =	vld [tilespmem:$0x1FB60]  }
0x30f: {  	v57 =	vld [tilespmem:s10+$0xE0];
	_ =	sdelay $0x4  }
0x310: {  	v48 =	vadd.f32 v57, v10;
	_ =	sdelay $0x1  }
0x311: {  	[tilespmem:v0+s24+$0x0] =	vst.idx.msk $0xffff, v48  }
0x312: {  	v0 =	vld [tilespmem:$0x1FB70]  }
0x313: {  	v61 =	vld [tilespmem:s10+$0xFFFFFFE0];
	_ =	sdelay $0x4  }
0x314: {  	v57 =	vadd.f32 v61, v10;
	_ =	sdelay $0x1  }
0x315: {  	[tilespmem:v0+s24+$0x0] =	vst.idx.msk $0xffff, v57  }
0x316: {  	v0 =	vld [tilespmem:$0x1FEF0];
	_ =	sdelay $0x4  }
0x317: {  	v41 =	vadd.s32 v0, v30;
	v0 =	vadd.s32 v1, v19;
	v1 =	vld [tilespmem:$0x1FB80]  }
0x318: {  	v47 =	vshll.u32 v25, v33;
	v43 =	vld [tilespmem:s10+$0xA0]  }
0x319: {  	v21 =	vbroadcast v47, $0x0  }
0x31a: {  	v46 =	vld [tilespmem:s10+$0xFFFFFFB0]  }
0x31b: {  	v29 =	vadd.s32 v2, v21;
	v2 =	vld [tilespmem:s0+$0xFFFFFF90];
	_ =	sdelay $0x1  }
0x31c: {  	v43 =	vadd.f32 v43, v10;
	_ =	sdelay $0x1  }
0x31d: {  	[tilespmem:v1+s24+$0x0] =	vst.idx.msk $0xffff, v43  }
0x31e: {  	v6 =	vadd.f32 v46, v9;
	v46 =	vadd.f32 v2, v11;
	v2 =	vld [tilespmem:$0x1FB90]  }
0x31f: {  	v23 =	vadd.s32 v62, v18;
	v62 =	vld [tilespmem:s10+$0x60];
	_ =	sdelay $0x3  }
0x320: {  	v38 =	vld [tilespmem:s0+$0x10]  }
0x321: {  	v42 =	vld [tilespmem:s10+$0x30];
	v37 =	vadd.f32 v62, v10  }
0x322: {  	v35 =	vshll.u32 v51, v33;
	v51 =	vadd.s32 v8, v3;
	v3 =	vld [tilespmem:s0+$0xFFFFFF50]  }
0x323: {  	v1 =	vld [tilespmem:$0x1FC10];
	[tilespmem:v2+s24+$0x0] =	vst.idx.msk $0xffff, v37  }
0x324: {  	v2 =	vld [tilespmem:$0x1FF80]  }
0x325: {  	v36 =	vadd.s32 v39, v16  }
0x326: {  	v63 =	vadd.s32 v52, v49  }
0x327: {  	v52 =	vadd.f32 v3, v11;
	v3 =	vadd.s32 v31, v17;
	v31 =	vadd.f32 v42, v9  }
0x328: {  	v45 =	vadd.f32 v38, v11  }
0x329: {  	v42 =	vadd.s32 v2, v26;
	v2 =	vld [tilespmem:$0x1FE50];
	[tilespmem:v51+s24+$0x0] =	vst.idx.msk $0xffff, v31  }
0x32a: {  	[tilespmem:v36+s24+$0x0] =	vst.idx.msk $0xffff, v45  }
0x32b: {  	v43 =	vadd.s32 v1, v27;
	v27 =	vld [tilespmem:$0x1FBA0]  }
0x32c: {  	v39 =	vld [tilespmem:s10+$0xFFFFFF20]  }
0x32d: {  	v44 =	vld [tilespmem:s0+$0x80]  }
0x32e: {  	v25 =	vld [tilespmem:s0+$0xC0]  }
0x32f: {  	v40 =	vld [tilespmem:s0+$0x40]  }
0x330: {  	v20 =	vbroadcast v35, $0x0;
	v35 =	vadd.s32 v59, v15;
	v59 =	vld [tilespmem:s0+$0xFFFFFFD0]  }
0x331: {  	v62 =	vmov v53;
	v53 =	vld [tilespmem:s10+$0xF0];
	v37 =	vadd.s32 v2, v28;
	v2 =	vadd.f32 v39, v10  }
0x332: {  	v8 =	vld [tilespmem:$0x1FE40];
	[tilespmem:v63+s24+$0x0] =	vst.idx.msk $0xffff, v52  }
0x333: {  	[tilespmem:v27+s24+$0x0] =	vst.idx.msk $0xffff, v2  }
0x334: {  	v25 =	vadd.f32 v25, v12;
	v2 =	vld [tilespmem:$0x1FF70]  }
0x335: {  	v7 =	vadd.f32 v40, v12;
	v40 =	vadd.f32 v44, v12;
	v47 =	vld [tilespmem:s10+$0xFFFFFFF0]  }
0x336: {  	v32 =	vadd.s32 v55, v20;
	v38 =	vadd.f32 v59, v11;
	v48 =	vadd.s32 v34, v18;
	v44 =	vld [tilespmem:s10+$0xB0]  }
0x337: {  	v57 =	vmovc v34;
	v30 =	vadd.s32 v62, v49;
	v49 =	vadd.f32 v53, v9;
	v1 =	vadd.s32 v56, v21;
	v34 =	vld [tilespmem:s10+$0x70]  }
0x338: {  	v61 =	vmovc v56;
	v31 =	vadd.s32 v54, v20;
	v36 =	vadd.s32 v58, v15;
	v28 =	vadd.s32 v50, v21;
	v59 =	vld [tilespmem:$0x1FEB0]  }
0x339: {  	s5 =	simm.s32 $0x10;
	s6 =	simm.s32 $0xDD00;
	v56 =	vmovc v8;
	v26 =	vadd.s32 v8, v18;
	v8 =	vmovc v50;
	v45 =	vld [tilespmem:s10+$0xFFFFFF30];
	v63 =	vmov v2;
	v27 =	vadd.s32 v2, v17  }
.LBB2_13:
0x33a: {  	v50 =	vld [tilespmem:s6+$0xFFFFFF40]  }
0x33b: {  	v2 =	vld [tilespmem:$0x1FFF0]  }
0x33c: {  	v39 =	vld [tilespmem:$0x1FFD0];
	[tilespmem:v4+s24+$0x0] =	vst.idx.msk $0xffff, v40  }
0x33d: {  	s9 =	smov.u32 s5;
	v53 =	vadd.s32 v59, v13;
	[tilespmem:v35+s24+$0x0] =	vst.idx.msk $0xffff, v46;
	v40 =	vld [tilespmem:s6+$0x80]  }
0x33e: {  	s29 =	sadd.s32 $0x2, s9;
	v52 =	vld [tilespmem:s0+$0xFFFFFFA0]  }
0x33f: {  	[tilespmem:v43+s24+$0x0] =	vst.idx.msk $0xffff, v49;
	v54 =	vmov s29;
	v49 =	vld [tilespmem:s6+$0xFFFFFF80]  }
0x340: {  	[tilespmem:v48+s24+$0x0] =	vst.idx.msk $0xffff, v7;
	v43 =	vshrl.u32 v54, $0x3;
	v54 =	vld [tilespmem:s0+$0x90]  }
0x341: {  	v7 =	vadd.f32 v44, v9;
	v44 =	vld [tilespmem:s0+$0x50]  }
0x342: {  	[tilespmem:v53+s24+$0x0] =	vst.idx.msk $0xffff, v6;
	v6 =	vld [tilespmem:$0x1FE60]  }
0x343: {  	s26 =	sadd.s32 $0x4, s9;
	v45 =	vadd.f32 v45, v9;
	v53 =	vld [tilespmem:$0x1FE20]  }
0x344: {  	s8 =	sadd.s32 $0x7, s5;
	v46 =	vmov s26;
	v35 =	vadd.f32 v47, v9;
	[tilespmem:v42+s24+$0x0] =	vst.idx.msk $0xffff, v7;
	v42 =	vld [tilespmem:s0+$0xFFFFFF60]  }
0x345: {  	v51 =	vmov s8;
	s8 =	sadd.s32 $0x1, s9;
	v7 =	vshrl.u32 v46, $0x3;
	v46 =	vld [tilespmem:s6+$0x0];
	[tilespmem:v37+s24+$0x0] =	vst.idx.msk $0xffff, v45  }
0x346: {  	v13 =	vmov v15;
	v15 =	vmov s8;
	[tilespmem:v41+s24+$0x0] =	vst.idx.msk $0xffff, v35;
	v37 =	vld [tilespmem:s6+$0xFFFFFF00]  }
0x347: {  	v35 =	vadd.f32 v34, v9;
	v41 =	vshll.u32 v43, v33;
	v43 =	vshrl.u32 v51, $0x3;
	[tilespmem:v0+s24+$0x0] =	vst.idx.msk $0xffff, v38;
	v0 =	vld [tilespmem:$0x1FF00]  }
0x348: {  	v15 =	vshrl.u32 v15, $0x3;
	v38 =	vshll.u32 v43, v33;
	v43 =	vld [tilespmem:s0+$0x20]  }
0x349: {  	v4 =	vmov s9;
	v15 =	vshll.u32 v15, v33;
	[tilespmem:v5+s24+$0x0] =	vst.idx.msk $0xffff, v35;
	v35 =	vadd.f32 v52, v10;
	v52 =	vld [tilespmem:$0x1FE80]  }
0x34a: {  	s28 =	sadd.s32 $0x5, s9;
	v4 =	vshrl.u32 v4, $0x3;
	v34 =	vbroadcast v15, $0x0;
	[tilespmem:v32+s24+$0x0] =	vst.idx.msk $0xffff, v24;
	v24 =	vld [tilespmem:$0x1FF10]  }
0x34b: {  	s10 =	sadd.s32 $0x6, s9;
	s9 =	sadd.s32 $0x3, s9;
	v47 =	vmov s28;
	v15 =	vbroadcast v41, $0x0;
	v5 =	vshll.u32 v7, v33;
	v7 =	vld [tilespmem:s6+$0x40]  }
0x34c: {  	v47 =	vshrl.u32 v47, $0x3;
	v51 =	vmov s9;
	v6 =	vadd.s32 v6, v34;
	[tilespmem:v36+s24+$0x0] =	vst.idx.msk $0xffff, v35;
	v36 =	vld [tilespmem:s6+$0xFFFFFFC0]  }
0x34d: {  	v45 =	vadd.s32 v53, v15;
	v53 =	vadd.f32 v49, v12;
	v49 =	vld [tilespmem:s0+$0xFFFFFF10];
	v42 =	vadd.f32 v42, v10  }
0x34e: {  	v41 =	vadd.s32 v52, v34;
	v52 =	vshll.u32 v4, v33;
	v4 =	vshrl.u32 v51, $0x3;
	v51 =	vld [tilespmem:s6+$0xC0]  }
0x34f: {  	v48 =	vadd.f32 v54, v11;
	v54 =	vmov s10;
	v35 =	vadd.f32 v50, v12;
	[tilespmem:v30+s24+$0x0] =	vst.idx.msk $0xffff, v42;
	v30 =	vld [tilespmem:s0+$0xFFFFFFB0]  }
0x350: {  	v5 =	vbroadcast v5, $0x0;
	[tilespmem:v29+s24+$0x0] =	vst.idx.msk $0xffff, v25;
	v29 =	vshrl.u32 v54, $0x3;
	v54 =	vshll.u32 v47, v33;
	v47 =	vld [tilespmem:s0+$0xFFFFFF70]  }
0x351: {  	[tilespmem:v6+s24+$0x0] =	vst.idx.msk $0xffff, v35;
	v6 =	vld [tilespmem:$0x1FFE0]  }
0x352: {  	[tilespmem:v3+s24+$0x0] =	vst.idx.msk $0xffff, v48;
	v0 =	vadd.s32 v0, v5;
	v3 =	vld [tilespmem:s0+$0xD0]  }
0x353: {  	v25 =	vadd.f32 v46, v12;
	v46 =	vld [tilespmem:s0+$0xA0];
	v29 =	vshll.u32 v29, v33  }
0x354: {  	v48 =	vbroadcast v29, $0x0;
	v29 =	vshll.u32 v4, v33;
	v4 =	vld [tilespmem:$0x1FE70]  }
0x355: {  	[tilespmem:v45+s24+$0x0] =	vst.idx.msk $0xffff, v53;
	v45 =	vadd.s32 v24, v5;
	v24 =	vld [tilespmem:$0x1FE30]  }
0x356: {  	v39 =	vadd.s32 v39, v16;
	v53 =	vadd.s32 v6, v16;
	v16 =	vmov v5;
	v5 =	vld [tilespmem:$0x1FFC0]  }
0x357: {  	[tilespmem:v0+s24+$0x0] =	vst.idx.msk $0xffff, v25;
	v0 =	vbroadcast v54, $0x0;
	v54 =	vld [tilespmem:s6+$0xFFFFFF50];
	v3 =	vadd.f32 v3, v11  }
0x358: {  	v6 =	vld [tilespmem:$0x1FF90]  }
0x359: {  	[tilespmem:v1+s24+$0x0] =	vst.idx.msk $0xffff, v3;
	v1 =	vld [tilespmem:$0x1FEC0]  }
0x35a: {  	v37 =	vadd.f32 v37, v12;
	v3 =	vld [tilespmem:$0x1FEE0]  }
0x35b: {  	v38 =	vbroadcast v38, $0x0;
	v35 =	vadd.s32 v5, v15;
	v5 =	vld [tilespmem:$0x1FF40]  }
0x35c: {  	v44 =	vadd.f32 v44, v11;
	v42 =	vld [tilespmem:s6+$0x10];
	v32 =	vadd.s32 v24, v0;
	v24 =	vmovc v37;
	v37 =	vbroadcast v29, $0x0  }
0x35d: {  	v25 =	vadd.f32 v51, v12;
	v51 =	vld [tilespmem:s0+$0xFFFFFFE0];
	v29 =	vadd.s32 v6, v38;
	v6 =	vadd.f32 v43, v10  }
0x35e: {  	[tilespmem:v23+s24+$0x0] =	vst.idx.msk $0xffff, v44;
	v50 =	vadd.s32 v4, v34;
	v4 =	vld [tilespmem:$0x1FF50];
	v1 =	vadd.s32 v1, v37  }
0x35f: {  	[tilespmem:v39+s24+$0x0] =	vst.idx.msk $0xffff, v6;
	v39 =	vld [tilespmem:s0+$0x60];
	v6 =	vadd.f32 v49, v11  }
0x360: {  	v43 =	vadd.s32 v3, v37;
	v3 =	vld [tilespmem:s0+$0xE0];
	v5 =	vadd.s32 v5, v18;
	v18 =	vmovc v0;
	v0 =	vadd.f32 v47, v9  }
0x361: {  	v36 =	vadd.f32 v36, v12;
	v44 =	vld [tilespmem:s0+$0x30];
	[tilespmem:v31+s24+$0x0] =	vst.idx.msk $0xffff, v6  }
0x362: {  	[tilespmem:v14+s24+$0x0] =	vst.idx.msk $0xffff, v0;
	v0 =	vld [tilespmem:$0x1FF60]  }
0x363: {  	[tilespmem:v1+s24+$0x0] =	vst.idx.msk $0xffff, v36;
	v36 =	vld [tilespmem:s0+$0xFFFFFF20];
	v1 =	vadd.f32 v51, v10  }
0x364: {  	v51 =	vadd.f32 v54, v11;
	v54 =	vld [tilespmem:s6+$0xFFFFFFD0];
	v39 =	vadd.f32 v39, v10  }
0x365: {  	v2 =	vadd.s32 v2, v20;
	[tilespmem:v22+s24+$0x0] =	vst.idx.msk $0xffff, v1;
	v1 =	vld [tilespmem:$0x1FC10]  }
0x366: {  	v40 =	vadd.f32 v40, v12;
	v52 =	vbroadcast v52, $0x0;
	v31 =	vadd.f32 v3, v10;
	[tilespmem:v26+s24+$0x0] =	vst.idx.msk $0xffff, v39;
	v26 =	vld [tilespmem:$0x1FF80]  }
0x367: {  	v6 =	vadd.f32 v30, v9;
	v30 =	vadd.f32 v46, v10;
	v3 =	vadd.s32 v0, v48;
	v0 =	vld [tilespmem:$0x1FEF0]  }
0x368: {  	v7 =	vadd.f32 v7, v12;
	v23 =	vmov v32;
	v32 =	vadd.s32 v55, v52;
	v47 =	vld [tilespmem:s6+$0xFFFFFF90];
	[tilespmem:v28+s24+$0x0] =	vst.idx.msk $0xffff, v31  }
0x369: {  	v4 =	vadd.s32 v4, v48;
	[tilespmem:v27+s24+$0x0] =	vst.idx.msk $0xffff, v30;
	v28 =	vadd.f32 v44, v9;
	v55 =	vld [tilespmem:s0+$0xF0]  }
0x36a: {  	v22 =	vmovc v43;
	v43 =	vadd.s32 v1, v21;
	v21 =	vmov v38;
	v38 =	vadd.f32 v54, v11;
	v54 =	vld [tilespmem:$0x1FF30]  }
0x36b: {  	v49 =	vadd.f32 v42, v11;
	[tilespmem:v50+s24+$0x0] =	vst.idx.msk $0xffff, v51;
	v42 =	vadd.s32 v26, v17;
	v26 =	vld [tilespmem:$0x1FE50]  }
0x36c: {  	p1 =	slt.u32 s5, $0x78;
	v14 =	vmov v41;
	[tilespmem:v53+s24+$0x0] =	vst.idx.msk $0xffff, v28;
	v27 =	vadd.f32 v36, v10;
	v41 =	vadd.s32 v0, v19;
	v0 =	vld [tilespmem:$0x1FED0]  }
.Ltmp7:
0x36d: {  	v30 =	vadd.s32 v62, v34;
	v46 =	vadd.f32 v47, v11;
	[tilespmem:v45+s24+$0x0] =	vst.idx.msk $0xffff, v49;
	(pc) =	sbr.rel @p1 .LBB2_13-.Ltmp7, $4  }
0x36e: {  	v44 =	vld [tilespmem:s0+$0xB0];
	v36 =	vadd.s32 v58, v15;
	[tilespmem:v2+s24+$0x0] =	vst.idx.msk $0xffff, v27;
	v1 =	vadd.s32 v61, v21  }
0x36f: {  	v47 =	vld [tilespmem:s0+$0xFFFFFFF0];
	v17 =	vmovc v48;
	v48 =	vadd.s32 v57, v18;
	v49 =	vadd.f32 v55, v9;
	v28 =	vadd.s32 v8, v21  }
0x370: {  	v34 =	vld [tilespmem:s0+$0x70];
	v27 =	vadd.s32 v63, v17;
	v19 =	vmovc v37;
	v37 =	vadd.s32 v26, v20;
	v20 =	vmov v52  }
0x371: {  	s5 =	sadd.s32 $0x8, s5;
	v55 =	vmovc v60;
	v45 =	vld [tilespmem:s0+$0xFFFFFF30];
	s0 =	smov.u32 s6;
	s6 =	sadd.s32 $0x200, s6;
	v26 =	vadd.s32 v56, v18;
	v31 =	vadd.s32 v54, v20;
	v0 =	vadd.s32 v0, v19  }
0x372: {  	_ =	sdelay $0x3  }
0x373: {  	v39 =	vld [tilespmem:$0x1FFC0];
	[tilespmem:v4+s24+$0x0] =	vst.idx.msk $0xffff, v40  }
0x374: {  	[tilespmem:v35+s24+$0x0] =	vst.idx.msk $0xffff, v46  }
0x375: {  	[tilespmem:v29+s24+$0x0] =	vst.idx.msk $0xffff, v25  }
0x376: {  	[tilespmem:v43+s24+$0x0] =	vst.idx.msk $0xffff, v49  }
0x377: {  	[tilespmem:v48+s24+$0x0] =	vst.idx.msk $0xffff, v7;
	v51 =	vld [tilespmem:s0+$0xD0]  }
0x378: {  	v12 =	vadd.s32 v59, v13;
	[tilespmem:v32+s24+$0x0] =	vst.idx.msk $0xffff, v24;
	v52 =	vadd.f32 v44, v9  }
0x379: {  	[tilespmem:v0+s24+$0x0] =	vst.idx.msk $0xffff, v38;
	v2 =	vadd.f32 v47, v9  }
0x37a: {  	v58 =	vadd.f32 v34, v9;
	[tilespmem:v42+s24+$0x0] =	vst.idx.msk $0xffff, v52  }
0x37b: {  	[tilespmem:v41+s24+$0x0] =	vst.idx.msk $0xffff, v2  }
0x37c: {  	[tilespmem:v5+s24+$0x0] =	vst.idx.msk $0xffff, v58;
	v4 =	vadd.f32 v51, v11  }
0x37d: {  	v53 =	vld [tilespmem:s0+$0x90];
	[tilespmem:v12+s24+$0x0] =	vst.idx.msk $0xffff, v6  }
0x37e: {  	v57 =	vld [tilespmem:s0+$0x50];
	[tilespmem:v1+s24+$0x0] =	vst.idx.msk $0xffff, v4  }
0x37f: {  	v42 =	vld [tilespmem:$0x1FFD0]  }
0x380: {  	v61 =	vld [tilespmem:s0+$0xFFFFFF10]  }
0x381: {  	v62 =	vld [tilespmem:s0+$0xFFFFFF60]  }
0x382: {  	v63 =	vld [tilespmem:s0+$0x20];
	v2 =	vadd.f32 v53, v11  }
0x383: {  	v24 =	vadd.f32 v57, v11;
	v1 =	vld [tilespmem:s0+$0xE0]  }
0x384: {  	v32 =	vld [tilespmem:s0+$0xFFFFFFE0];
	v29 =	vadd.f32 v45, v9;
	[tilespmem:v3+s24+$0x0] =	vst.idx.msk $0xffff, v2;
	v25 =	vadd.s32 v42, v16  }
0x385: {  	v34 =	vadd.f32 v61, v11;
	[tilespmem:v23+s24+$0x0] =	vst.idx.msk $0xffff, v24  }
0x386: {  	v35 =	vadd.f32 v62, v10;
	[tilespmem:v37+s24+$0x0] =	vst.idx.msk $0xffff, v29  }
0x387: {  	v6 =	vadd.f32 v63, v10;
	[tilespmem:v31+s24+$0x0] =	vst.idx.msk $0xffff, v34  }
0x388: {  	[tilespmem:v30+s24+$0x0] =	vst.idx.msk $0xffff, v35;
	v3 =	vld [tilespmem:s0+$0xA0];
	v1 =	vadd.f32 v1, v10  }
0x389: {  	v2 =	vadd.f32 v32, v10;
	v37 =	vld [tilespmem:s0+$0x60];
	[tilespmem:v25+s24+$0x0] =	vst.idx.msk $0xffff, v6  }
0x38a: {  	v43 =	vld [tilespmem:$0x1FFF0];
	[tilespmem:v28+s24+$0x0] =	vst.idx.msk $0xffff, v1  }
0x38b: {  	v38 =	vld [tilespmem:s0+$0xFFFFFFA0];
	[tilespmem:v22+s24+$0x0] =	vst.idx.msk $0xffff, v2  }
0x38c: {  	v49 =	vld [tilespmem:$0x1FFE0]  }
0x38d: {  	v0 =	vld [tilespmem:s0+$0xFFFFFF20]  }
0x38e: {  	v5 =	vld [tilespmem:s0+$0xFFFFFF70];
	v3 =	vadd.f32 v3, v10  }
0x38f: {  	v46 =	vadd.f32 v37, v10;
	v6 =	vld [tilespmem:s0+$0x30];
	v45 =	vadd.s32 v43, v20  }
0x390: {  	v48 =	vadd.f32 v38, v10;
	v47 =	vld [tilespmem:s0+$0xF0];
	[tilespmem:v27+s24+$0x0] =	vst.idx.msk $0xffff, v3  }
0x391: {  	v3 =	vld [tilespmem:$0x1FC10];
	[tilespmem:v26+s24+$0x0] =	vst.idx.msk $0xffff, v46;
	v11 =	vadd.s32 v49, v16  }
0x392: {  	v0 =	vadd.f32 v0, v10;
	v50 =	vld [tilespmem:s0+$0xFFFFFFF0];
	[tilespmem:v36+s24+$0x0] =	vst.idx.msk $0xffff, v48  }
0x393: {  	v5 =	vadd.f32 v5, v9;
	v7 =	vld [tilespmem:$0x1FEF0]  }
0x394: {  	v57 =	vld [tilespmem:$0x1FF80];
	v6 =	vadd.f32 v6, v9;
	[tilespmem:v45+s24+$0x0] =	vst.idx.msk $0xffff, v0  }
0x395: {  	v0 =	vld [tilespmem:$0x1FF40];
	[tilespmem:v14+s24+$0x0] =	vst.idx.msk $0xffff, v5  }
0x396: {  	v53 =	vld [tilespmem:s0+$0xFFFFFFB0];
	[tilespmem:v11+s24+$0x0] =	vst.idx.msk $0xffff, v6  }
0x397: {  	v3 =	vadd.s32 v3, v21;
	v11 =	vld [tilespmem:$0x1FE50]  }
0x398: {  	v59 =	vadd.s32 v59, v15;
	v51 =	vld [tilespmem:s0+$0xB0]  }
0x399: {  	v52 =	vld [tilespmem:s0+$0x70];
	v7 =	vadd.s32 v7, v19  }
0x39a: {  	v2 =	vadd.f32 v47, v9;
	v16 =	vadd.s32 v57, v17;
	v4 =	vld [tilespmem:s0+$0xFFFFFF30]  }
0x39b: {  	v62 =	vadd.f32 v53, v9;
	v0 =	vadd.s32 v0, v18  }
0x39c: {  	v58 =	vadd.f32 v50, v9;
	[tilespmem:v3+s24+$0x0] =	vst.idx.msk $0xffff, v2;
	v11 =	vadd.s32 v11, v20  }
0x39d: {  	v1 =	vadd.f32 v51, v9;
	[tilespmem:v59+s24+$0x0] =	vst.idx.msk $0xffff, v62  }
0x39e: {  	s9 =	sshll.u32 s1, $0x12;
	v61 =	vadd.f32 v52, v9;
	[tilespmem:v7+s24+$0x0] =	vst.idx.msk $0xffff, v58  }
0x39f: {  	s0 =	sor.u32 s7, s9;
	[tilespmem:v16+s24+$0x0] =	vst.idx.msk $0xffff, v1;
	v63 =	vadd.f32 v4, v9  }
0x3a0: {  	s0 =	sshrl.u32 s0, $0x3;
	[tilespmem:v0+s24+$0x0] =	vst.idx.msk $0xffff, v61  }
0x3a1: {  	s10 =	simm.s32 $0x15C00;
	s1 =	sadd.s32 s2, s0;
	[tilespmem:v11+s24+$0x0] =	vst.idx.msk $0xffff, v63  }
0x3a2: {  	[hbm4b:s1+s3] =	stream.linear.scatter [tilespmem:s10], [sflag:$0x4], $0x80, $0x38;
	[tilespmem:$0x1A000] =	vst v63  }
0x3a3: {  	s26 =	simm.s32 $0x15C88;
	s5 =	sadd.s32 $0x10, s1  }
0x3a4: {  	[hbm4b:s5+s3] =	stream.linear.scatter [tilespmem:s26], [sflag:$0x4], $0x80, $0x38;
	[tilespmem:$0x1A000] =	vst v63  }
0x3a5: {  	s28 =	simm.s32 $0x15D10;
	s8 =	simm.s32 $0x15E20;
	s29 =	sadd.s32 $0x20, s1  }
0x3a6: {  	[hbm4b:s29+s3] =	stream.linear.scatter [tilespmem:s28], [sflag:$0x4], $0x80, $0x38;
	[tilespmem:$0x1A000] =	vst v63  }
0x3a7: {  	s0 =	simm.s32 $0x440;
	s6 =	sadd.s32 $0x30, s1;
	s5 =	simm.s32 $0x15D98  }
0x3a8: {  	[hbm4b:s6+s3] =	stream.linear.scatter [tilespmem:s5], [sflag:$0x4], $0x80, $0x38;
	[tilespmem:$0x1A000] =	vst v63  }
0x3a9: {  	s9 =	sadd.s32 $0x40, s1;
	s10 =	simm.s32 $0x15EA8;
	s26 =	sadd.s32 $0x50, s1  }
0x3aa: {  	[hbm4b:s9+s3] =	stream.linear.scatter [tilespmem:s8], [sflag:$0x4], $0x80, $0x38;
	[tilespmem:$0x1A000] =	vst v63  }
0x3ab: {  	s28 =	simm.s32 $0x15F30;
	s29 =	sadd.s32 $0x60, s1;
	s5 =	simm.s32 $0x2200  }
0x3ac: {  	[hbm4b:s26+s3] =	stream.linear.scatter [tilespmem:s10], [sflag:$0x4], $0x80, $0x38;
	[tilespmem:$0x1A000] =	vst v63  }
0x3ad: {  	s6 =	simm.s32 $0x15FB8;
	s10 =	sadd.s32 $0x70, s1;
	s1 =	sadd.s32 $0x1000, s1  }
0x3ae: {  	[hbm4b:s29+s3] =	stream.linear.scatter [tilespmem:s28], [sflag:$0x4], $0x80, $0x38;
	[tilespmem:$0x1A000] =	vst v63  }
.LBB2_15:
0x3af: {  	[hbm4b:s10+s3] =	stream.linear.scatter [tilespmem:s6], [sflag:$0x4], $0x80, $0x38;
	[tilespmem:$0x1A000] =	vst v63  }
0x3b0: {  	s6 =	smov.u32 s0;
	s0 =	smov.u32 s5  }
0x3b1: {  	s8 =	sadd.s32 $0x1100, s5;
	s0 =	sshra.s32 s0, $0x2;
	s9 =	sadd.s32 $0x15C00, s6  }
0x3b2: {  	[hbm4b:s1+s3] =	stream.linear.scatter [tilespmem:s9], [sflag:$0x4], $0x80, $0x38;
	[tilespmem:$0x1A000] =	vst v63  }
0x3b3: {  	p1 =	sne.s32 s5, $0x7700;
	s5 =	sadd.s32 $0x15C88, s6;
	s9 =	sadd.s32 $0x10, s1  }
0x3b4: {  	[hbm4b:s9+s3] =	stream.linear.scatter [tilespmem:s5], [sflag:$0x4], $0x80, $0x38;
	[tilespmem:$0x1A000] =	vst v63  }
0x3b5: {  	s5 =	sadd.s32 $0x15D10, s6;
	s9 =	sadd.s32 $0x20, s1  }
0x3b6: {  	[hbm4b:s9+s3] =	stream.linear.scatter [tilespmem:s5], [sflag:$0x4], $0x80, $0x38;
	[tilespmem:$0x1A000] =	vst v63  }
0x3b7: {  	s5 =	sadd.s32 $0x15D98, s6;
	s9 =	sadd.s32 $0x30, s1  }
0x3b8: {  	[hbm4b:s9+s3] =	stream.linear.scatter [tilespmem:s5], [sflag:$0x4], $0x80, $0x38;
	[tilespmem:$0x1A000] =	vst v63  }
0x3b9: {  	s5 =	sadd.s32 $0x15E20, s6;
	s9 =	sadd.s32 $0x40, s1  }
0x3ba: {  	[hbm4b:s9+s3] =	stream.linear.scatter [tilespmem:s5], [sflag:$0x4], $0x80, $0x38;
	[tilespmem:$0x1A000] =	vst v63  }
.Ltmp8:
0x3bb: {  	s5 =	sadd.s32 $0x15EA8, s6;
	s9 =	sadd.s32 $0x50, s1;
	(pc) =	sbr.rel @p1 .LBB2_15-.Ltmp8, $4  }
0x3bc: {  	[hbm4b:s9+s3] =	stream.linear.scatter [tilespmem:s5], [sflag:$0x4], $0x80, $0x38;
	[tilespmem:$0x1A000] =	vst v63  }
0x3bd: {  	s10 =	sadd.s32 $0x70, s1;
	s5 =	sadd.s32 $0x15F30, s6;
	s9 =	sadd.s32 $0x60, s1  }
0x3be: {  	[hbm4b:s9+s3] =	stream.linear.scatter [tilespmem:s5], [sflag:$0x4], $0x80, $0x38;
	[tilespmem:$0x1A000] =	vst v63  }
0x3bf: {  	s6 =	sadd.s32 $0x15FB8, s6;
	s1 =	sadd.s32 $0x1000, s1;
	s5 =	smov.u32 s8  }
0x3c0: {  	[hbm4b:s10+s3] =	stream.linear.scatter [tilespmem:s6], [sflag:$0x4], $0x80, $0x38;
	[tilespmem:$0x1A000] =	vst v63  }
0x3c1: {  	s5 =	sadd.s32 $0x15C00, s0  }
0x3c2: {  	[hbm4b:s1+s3] =	stream.linear.scatter [tilespmem:s5], [sflag:$0x4], $0x80, $0x38;
	[tilespmem:$0x1A000] =	vst v63  }
0x3c3: {  	s8 =	sadd.s32 $0x15C88, s0;
	s9 =	sadd.s32 $0x10, s1  }
0x3c4: {  	[hbm4b:s9+s3] =	stream.linear.scatter [tilespmem:s8], [sflag:$0x4], $0x80, $0x38;
	[tilespmem:$0x1A000] =	vst v63  }
0x3c5: {  	s10 =	sadd.s32 $0x15D10, s0;
	s26 =	sadd.s32 $0x20, s1  }
0x3c6: {  	[hbm4b:s26+s3] =	stream.linear.scatter [tilespmem:s10], [sflag:$0x4], $0x80, $0x38;
	[tilespmem:$0x1A000] =	vst v63  }
0x3c7: {  	s28 =	sadd.s32 $0x15D98, s0;
	s29 =	sadd.s32 $0x30, s1  }
0x3c8: {  	[hbm4b:s29+s3] =	stream.linear.scatter [tilespmem:s28], [sflag:$0x4], $0x80, $0x38;
	[tilespmem:$0x1A000] =	vst v63  }
0x3c9: {  	s8 =	sadd.s32 $0x15E20, s0;
	s9 =	sadd.s32 $0x40, s1;
	s26 =	sadd.s32 $0x50, s1  }
0x3ca: {  	[hbm4b:s9+s3] =	stream.linear.scatter [tilespmem:s8], [sflag:$0x4], $0x80, $0x38;
	[tilespmem:$0x1A000] =	vst v63  }
0x3cb: {  	s29 =	sadd.s32 $0x60, s1;
	s8 =	sadd.s32 $0x70, s1;
	s1 =	sor.u32 $0x3, s31  }
0x3cc: {  	s10 =	sadd.s32 $0x15EA8, s0;
	s9 =	sshll.u32 s1, $0x6  }
0x3cd: {  	v8 =	vld [tilespmem:$0x1FF00];
	[hbm4b:s26+s3] =	stream.linear.scatter [tilespmem:s10], [sflag:$0x4], $0x80, $0x38  }
0x3ce: {  	s6 =	sadd.s32 $0x15FB8, s0;
	v47 =	vld [tilespmem:$0x1FE60];
	s28 =	sadd.s32 $0x15F30, s0;
	s0 =	sand.u32 $0x3FFFFFC0, s9  }
0x3cf: {  	v48 =	vld [tilespmem:$0x1FE80];
	[hbm4b:s29+s3] =	stream.linear.scatter [tilespmem:s28], [sflag:$0x4], $0x80, $0x38  }
0x3d0: {  	v53 =	vld [tilespmem:$0x1FE20];
	s10 =	simm.s32 $0x0;
	s26 =	simm.s32 $0x7;
	s29 =	simm.s32 $0x1  }
0x3d1: {  	v59 =	vld [tilespmem:$0x1FEC0];
	[hbm4b:s8+s3] =	stream.linear.scatter [tilespmem:s6], [sflag:$0x4], $0x80, $0x38  }
0x3d2: {  	s9 =	simm.s32 $0x2;
	v0 =	vmov s10;
	v1 =	vmov s26;
	s28 =	simm.s32 $0x4;
	v3 =	vmov s29;
	v12 =	vld [tilespmem:s0+$0x6400]  }
0x3d3: {  	v5 =	vmov s9;
	v2 =	vmov s28;
	v3 =	vshrl.u32 v3, $0x3;
	v11 =	vld [tilespmem:s0+$0x6410]  }
0x3d4: {  	v5 =	vshrl.u32 v5, $0x3;
	v2 =	vshrl.u32 v2, $0x3;
	v10 =	vld [tilespmem:s0+$0x6420];
	v6 =	vshll.u32 v3, v33  }
0x3d5: {  	s10 =	simm.s32 $0xF9F0;
	v5 =	vshll.u32 v5, v33;
	s6 =	simm.s32 $0x3;
	v9 =	vld [tilespmem:s0+$0x6430];
	v2 =	vshll.u32 v2, v33;
	v6 =	vbroadcast v6, $0x0  }
0x3d6: {  	v13 =	vbroadcast v5, $0x0;
	v16 =	vld [tilespmem:s10+$0xFFFFFE90];
	v3 =	vbroadcast v2, $0x0;
	v2 =	vmov s6  }
0x3d7: {  	v15 =	vshrl.u32 v1, $0x3;
	v7 =	vld [tilespmem:s10+$0xFFFFFF10];
	v1 =	vshrl.u32 v2, $0x3;
	v2 =	vadd.s32 v48, v6  }
0x3d8: {  	v14 =	vld [tilespmem:s10+$0xFFFFFE50];
	v20 =	vadd.s32 v53, v13;
	[tilespmem:$0x1FAF0] =	vst v2  }
0x3d9: {  	v5 =	vadd.s32 v8, v3;
	v1 =	vshll.u32 v1, v33;
	v18 =	vld [tilespmem:s10+$0xFFFFFED0]  }
0x3da: {  	v0 =	vshrl.u32 v0, $0x3;
	s8 =	simm.s32 $0x5;
	v17 =	vadd.s32 v47, v6;
	v34 =	vbroadcast v1, $0x0;
	v19 =	vld [tilespmem:s10+$0xFFFFFE10]  }
0x3db: {  	v15 =	vshll.u32 v15, v33;
	v4 =	vmov s8;
	s8 =	simm.s32 $0x6;
	v21 =	vld [tilespmem:s10+$0xFFFFFFD0];
	v16 =	vadd.f32 v16, v12  }
0x3dc: {  	v22 =	vmov s8;
	v7 =	vadd.f32 v7, v12;
	v24 =	vld [tilespmem:s10+$0xFFFFFF90];
	v23 =	vadd.s32 v59, v34  }
0x3dd: {  	v25 =	vshll.u32 v0, v33;
	v0 =	vadd.f32 v14, v12;
	v14 =	vshrl.u32 v22, $0x3;
	v22 =	vld [tilespmem:s10+$0xFFFFFF50];
	[tilespmem:v20+s25+$0x0] =	vst.idx.msk $0xffff, v16  }
0x3de: {  	v27 =	vbroadcast v15, $0x0;
	v4 =	vshrl.u32 v4, $0x3;
	[tilespmem:v5+s25+$0x0] =	vst.idx.msk $0xffff, v7;
	v15 =	vld [tilespmem:s10+$0xFFFFFEA0]  }
0x3df: {  	v4 =	vshll.u32 v4, v33;
	[tilespmem:v17+s25+$0x0] =	vst.idx.msk $0xffff, v0;
	v7 =	vld [tilespmem:s10+$0xFFFFFF20];
	v0 =	vadd.f32 v18, v12  }
0x3e0: {  	v5 =	vbroadcast v4, $0x0;
	v4 =	vld [tilespmem:s10+$0xFFFFFE60]  }
0x3e1: {  	v58 =	vld [tilespmem:$0x1FE70];
	[tilespmem:v23+s25+$0x0] =	vst.idx.msk $0xffff, v0  }
0x3e2: {  	v51 =	vld [tilespmem:$0x1FF50]  }
0x3e3: {  	v52 =	vld [tilespmem:$0x1FF10]  }
0x3e4: {  	v0 =	vld [tilespmem:$0x1FE30]  }
0x3e5: {  	v2 =	vld [tilespmem:$0x1FEE0]  }
0x3e6: {  	v31 =	vld [tilespmem:$0x1FF60]  }
0x3e7: {  	v44 =	vld [tilespmem:$0x1FED0]  }
0x3e8: {  	v30 =	vld [tilespmem:$0x1FFA0]  }
0x3e9: {  	v28 =	vbroadcast v25, $0x0;
	v25 =	vadd.s32 v39, v13;
	v50 =	vld [tilespmem:$0x1FF20]  }
0x3ea: {  	v62 =	vld [tilespmem:$0x1FE90];
	v1 =	vadd.s32 v0, v5  }
0x3eb: {  	v57 =	vld [tilespmem:$0x1FEA0];
	v20 =	vadd.s32 v2, v34;
	[tilespmem:$0x1FAE0] =	vst v1  }
0x3ec: {  	v18 =	vadd.f32 v21, v12;
	v15 =	vadd.f32 v15, v11;
	v21 =	vld [tilespmem:s10+$0xFFFFFEE0];
	[tilespmem:$0x1FB00] =	vst v20;
	v20 =	vadd.s32 v56, v5  }
0x3ed: {  	v1 =	vld [tilespmem:$0x1FF90];
	[tilespmem:$0x1FB20] =	vst v20  }
0x3ee: {  	v20 =	vld [tilespmem:$0x1FFB0];
	[tilespmem:v25+s25+$0x0] =	vst.idx.msk $0xffff, v15  }
0x3ef: {  	v63 =	vld [tilespmem:$0x1FF70];
	_ =	sdelay $0x1  }
0x3f0: {  	v14 =	vshll.u32 v14, v33  }
0x3f1: {  	s26 =	simm.s32 $0xF;
	v26 =	vbroadcast v14, $0x0  }
0x3f2: {  	v45 =	vmov s26  }
0x3f3: {  	s0 =	simm.s32 $0xFBF0;
	v29 =	vadd.s32 v55, v28;
	v16 =	vadd.s32 v51, v26;
	v15 =	vadd.s32 v63, v26  }
0x3f4: {  	v17 =	vadd.f32 v19, v12;
	v35 =	vadd.s32 v44, v34;
	v41 =	vld [tilespmem:s0+$0xFFFFFE50];
	[tilespmem:$0x1FB10] =	vst v15;
	v15 =	vadd.s32 v43, v28  }
0x3f5: {  	v22 =	vadd.f32 v22, v12;
	v24 =	vadd.f32 v24, v12;
	v14 =	vadd.s32 v58, v6;
	[tilespmem:$0x1FB30] =	vst v15  }
0x3f6: {  	v7 =	vadd.f32 v7, v11;
	v4 =	vadd.f32 v4, v11;
	v38 =	vadd.s32 v50, v5;
	v25 =	vld [tilespmem:s10+$0xFFFFFEB0]  }
0x3f7: {  	s9 =	simm.s32 $0x8;
	v19 =	vadd.s32 v52, v3;
	v32 =	vadd.s32 v31, v26;
	v21 =	vadd.f32 v21, v11;
	v61 =	vld [tilespmem:s0+$0xFFFFFF90]  }
0x3f8: {  	s28 =	simm.s32 $0x9;
	v6 =	vadd.s32 v62, v6;
	v40 =	vadd.s32 v57, v13;
	v43 =	vmov s9;
	s9 =	simm.s32 $0xA;
	[tilespmem:v16+s25+$0x0] =	vst.idx.msk $0xffff, v24;
	v46 =	vld [tilespmem:s0+$0xFFFFFE90]  }
0x3f9: {  	s29 =	simm.s32 $0xC;
	v23 =	vadd.s32 v1, v27;
	v15 =	vmov s28;
	v24 =	vmov s9;
	[tilespmem:v35+s25+$0x0] =	vst.idx.msk $0xffff, v21;
	v21 =	vld [tilespmem:s0+$0xFFFFFE10]  }
0x3fa: {  	v16 =	vmov s29;
	v15 =	vshrl.u32 v15, $0x3;
	[tilespmem:v14+s25+$0x0] =	vst.idx.msk $0xffff, v4;
	v14 =	vshrl.u32 v24, $0x3;
	v24 =	vld [tilespmem:s10+$0xFFFFFFA0]  }
0x3fb: {  	[tilespmem:v38+s25+$0x0] =	vst.idx.msk $0xffff, v22;
	v15 =	vshll.u32 v15, v33;
	v16 =	vshrl.u32 v16, $0x3;
	v22 =	vld [tilespmem:s10+$0xFFFFFE70];
	v14 =	vshll.u32 v14, v33  }
0x3fc: {  	[tilespmem:v19+s25+$0x0] =	vst.idx.msk $0xffff, v7;
	v7 =	vld [tilespmem:s10+$0xFFFFFF60];
	v49 =	vbroadcast v15, $0x0;
	v15 =	vbroadcast v14, $0x0;
	v14 =	vshll.u32 v16, v33  }
0x3fd: {  	[tilespmem:v29+s25+$0x0] =	vst.idx.msk $0xffff, v17;
	v16 =	vbroadcast v14, $0x0;
	v19 =	vadd.f32 v25, v10;
	v25 =	vshrl.u32 v45, $0x3;
	v45 =	vld [tilespmem:s0+$0xFFFFFF10]  }
0x3fe: {  	[tilespmem:v23+s25+$0x0] =	vst.idx.msk $0xffff, v18;
	v29 =	vld [tilespmem:s10+$0xFFFFFE20];
	v38 =	vadd.s32 v47, v49;
	v14 =	vadd.s32 v48, v49;
	v48 =	vshrl.u32 v43, $0x3  }
0x3ff: {  	v43 =	vadd.s32 v53, v15;
	v53 =	vld [tilespmem:s0+$0xFFFFFED0];
	v18 =	vadd.s32 v8, v16;
	v23 =	vadd.f32 v24, v11  }
0x400: {  	v47 =	vshll.u32 v25, v33;
	v25 =	vld [tilespmem:s0+$0xFFFFFFD0];
	v22 =	vadd.f32 v22, v10;
	[tilespmem:v40+s25+$0x0] =	vst.idx.msk $0xffff, v19  }
0x401: {  	v36 =	vadd.s32 v30, v27;
	s29 =	simm.s32 $0xE;
	[tilespmem:v32+s25+$0x0] =	vst.idx.msk $0xffff, v23;
	v32 =	vld [tilespmem:s10+$0xFFFFFFE0]  }
0x402: {  	v35 =	vshll.u32 v48, v33;
	v40 =	vld [tilespmem:s0+$0xFFFFFF50];
	v23 =	vmov s29;
	[tilespmem:v6+s25+$0x0] =	vst.idx.msk $0xffff, v22;
	v22 =	vadd.f32 v45, v12  }
0x403: {  	s26 =	simm.s32 $0xD;
	v24 =	vadd.f32 v21, v12;
	v8 =	vadd.s32 v58, v49;
	v6 =	vld [tilespmem:s10+$0xFFFFFF30];
	v23 =	vshrl.u32 v23, $0x3  }
0x404: {  	v4 =	vmov s26;
	v48 =	vld [tilespmem:s10+$0xFFFFFE80];
	v21 =	vshll.u32 v23, v33;
	v23 =	vadd.f32 v46, v12;
	[tilespmem:v18+s25+$0x0] =	vst.idx.msk $0xffff, v22  }
0x405: {  	v41 =	vadd.f32 v41, v12;
	v4 =	vshrl.u32 v4, $0x3;
	v46 =	vld [tilespmem:s10+$0xFFFFFEC0];
	[tilespmem:$0x1FB40] =	vst v8  }
0x406: {  	v4 =	vshll.u32 v4, v33;
	v17 =	vbroadcast v21, $0x0;
	v21 =	vadd.f32 v32, v11;
	[tilespmem:v43+s25+$0x0] =	vst.idx.msk $0xffff, v23  }
0x407: {  	v18 =	vbroadcast v4, $0x0;
	[tilespmem:v38+s25+$0x0] =	vst.idx.msk $0xffff, v41  }
0x408: {  	[tilespmem:v36+s25+$0x0] =	vst.idx.msk $0xffff, v21  }
0x409: {  	v23 =	vadd.s32 v0, v18;
	v0 =	vld [tilespmem:$0x1FAE0]  }
0x40a: {  	s28 =	simm.s32 $0xB  }
0x40b: {  	v19 =	vmov s28  }
0x40c: {  	v19 =	vshrl.u32 v19, $0x3  }
0x40d: {  	v19 =	vshll.u32 v19, v33  }
0x40e: {  	v19 =	vbroadcast v19, $0x0  }
0x40f: {  	v42 =	vadd.s32 v42, v3;
	v7 =	vadd.f32 v7, v11  }
0x410: {  	v59 =	vadd.s32 v59, v19  }
0x411: {  	v37 =	vadd.s32 v54, v28;
	[tilespmem:v0+s25+$0x0] =	vst.idx.msk $0xffff, v7  }
0x412: {  	v6 =	vadd.f32 v6, v10;
	v0 =	vld [tilespmem:$0x1FFE0]  }
0x413: {  	v45 =	vadd.f32 v53, v12  }
0x414: {  	v7 =	vadd.f32 v29, v11;
	[tilespmem:v42+s25+$0x0] =	vst.idx.msk $0xffff, v6  }
0x415: {  	[tilespmem:v59+s25+$0x0] =	vst.idx.msk $0xffff, v45  }
0x416: {  	[tilespmem:v37+s25+$0x0] =	vst.idx.msk $0xffff, v7  }
0x417: {  	v4 =	vadd.s32 v51, v17;
	v51 =	vadd.s32 v0, v3;
	v0 =	vld [tilespmem:$0x1FF40];
	_ =	sdelay $0x3  }
0x418: {  	v41 =	vld [tilespmem:s10+$0xFFFFFFF0]  }
0x419: {  	v5 =	vadd.s32 v0, v5;
	v0 =	vld [tilespmem:$0x1FAF0];
	_ =	sdelay $0x1  }
0x41a: {  	v56 =	vadd.s32 v20, v27;
	_ =	sdelay $0x1  }
0x41b: {  	v7 =	vadd.f32 v40, v12  }
0x41c: {  	v40 =	vadd.f32 v61, v12;
	v61 =	vadd.f32 v41, v10  }
0x41d: {  	v6 =	vadd.f32 v48, v9  }
0x41e: {  	[tilespmem:v56+s25+$0x0] =	vst.idx.msk $0xffff, v61  }
0x41f: {  	[tilespmem:v0+s25+$0x0] =	vst.idx.msk $0xffff, v6  }
0x420: {  	v0 =	vld [tilespmem:$0x1FB00]  }
0x421: {  	v58 =	vld [tilespmem:s10+$0xFFFFFEF0];
	_ =	sdelay $0x4  }
0x422: {  	v21 =	vbroadcast v47, $0x0;
	v47 =	vadd.f32 v58, v10;
	_ =	sdelay $0x1  }
0x423: {  	[tilespmem:v0+s25+$0x0] =	vst.idx.msk $0xffff, v47  }
0x424: {  	v29 =	vadd.s32 v1, v21;
	v1 =	vld [tilespmem:$0x1FB10]  }
0x425: {  	v43 =	vld [tilespmem:s10+$0xFFFFFFB0];
	_ =	sdelay $0x2  }
0x426: {  	v22 =	vadd.s32 v2, v19;
	v2 =	vld [tilespmem:s0+$0xFFFFFEA0];
	_ =	sdelay $0x1  }
0x427: {  	v43 =	vadd.f32 v43, v10;
	_ =	sdelay $0x1  }
0x428: {  	v0 =	vld [tilespmem:$0x1FEF0];
	[tilespmem:v1+s25+$0x0] =	vst.idx.msk $0xffff, v43  }
0x429: {  	v6 =	vadd.f32 v46, v9;
	v46 =	vadd.f32 v2, v11;
	v2 =	vld [tilespmem:$0x1FB20]  }
0x42a: {  	v59 =	vld [tilespmem:s10+$0xFFFFFF70];
	_ =	sdelay $0x3  }
0x42b: {  	v38 =	vld [tilespmem:s0+$0xFFFFFF20]  }
0x42c: {  	v42 =	vld [tilespmem:s10+$0xFFFFFF40];
	v37 =	vadd.f32 v59, v10  }
0x42d: {  	v3 =	vld [tilespmem:s0+$0xFFFFFE60]  }
0x42e: {  	v1 =	vld [tilespmem:$0x1FC10];
	[tilespmem:v2+s25+$0x0] =	vst.idx.msk $0xffff, v37  }
0x42f: {  	v2 =	vld [tilespmem:$0x1FF80]  }
0x430: {  	v36 =	vadd.s32 v52, v16;
	_ =	sdelay $0x1  }
0x431: {  	v52 =	vadd.f32 v3, v11;
	v3 =	vadd.s32 v31, v17;
	v31 =	vadd.f32 v42, v9  }
0x432: {  	v45 =	vadd.f32 v38, v11  }
0x433: {  	v42 =	vadd.s32 v2, v26;
	v2 =	vld [tilespmem:$0x1FE50];
	[tilespmem:v51+s25+$0x0] =	vst.idx.msk $0xffff, v31  }
0x434: {  	[tilespmem:v36+s25+$0x0] =	vst.idx.msk $0xffff, v45  }
0x435: {  	v8 =	vld [tilespmem:$0x1FE40];
	_ =	sdelay $0x3  }
0x436: {  	v61 =	vld [tilespmem:s10+$0xFFFFFE30]  }
0x437: {  	v59 =	vmov v8;
	v26 =	vadd.s32 v8, v18;
	v8 =	vld [tilespmem:$0x1FFB0];
	_ =	sdelay $0x2  }
0x438: {  	v43 =	vadd.s32 v1, v27  }
0x439: {  	v58 =	vmovc v30;
	v1 =	vadd.s32 v30, v21;
	v30 =	vadd.s32 v62, v49;
	v37 =	vadd.s32 v2, v28  }
0x43a: {  	v2 =	vadd.f32 v61, v10;
	v61 =	vmovc v62;
	v62 =	vmov v8;
	v28 =	vadd.s32 v8, v21;
	v8 =	vld [tilespmem:$0x1FB30];
	_ =	sdelay $0x7  }
0x43b: {  	[tilespmem:v8+s25+$0x0] =	vst.idx.msk $0xffff, v2  }
0x43c: {  	v2 =	vld [tilespmem:$0x1FB40];
	_ =	sdelay $0x2  }
0x43d: {  	v41 =	vadd.s32 v0, v34;
	v34 =	vld [tilespmem:s10+$0x0];
	_ =	sdelay $0x1  }
0x43e: {  	v48 =	vld [tilespmem:s0+$0xFFFFFEE0]  }
0x43f: {  	v20 =	vbroadcast v35, $0x0;
	v47 =	vld [tilespmem:s10+$0xFFFFFF00]  }
0x440: {  	v35 =	vadd.s32 v39, v15;
	v25 =	vadd.f32 v25, v12;
	v0 =	vadd.s32 v44, v19;
	v44 =	vld [tilespmem:s10+$0xFFFFFFC0]  }
0x441: {  	v32 =	vadd.s32 v55, v20;
	v49 =	vadd.f32 v34, v9;
	v34 =	vld [tilespmem:s10+$0xFFFFFF80];
	[tilespmem:v2+s25+$0x0] =	vst.idx.msk $0xffff, v52  }
0x442: {  	v27 =	vadd.s32 v63, v17;
	v36 =	vadd.s32 v57, v15;
	v8 =	vmovc v57;
	v57 =	vmov v63;
	v63 =	vld [tilespmem:$0x1FEB0]  }
0x443: {  	s5 =	simm.s32 $0x10;
	s6 =	simm.s32 $0xFDF0;
	v38 =	vadd.f32 v48, v11;
	v48 =	vadd.s32 v50, v18;
	v56 =	vmovc v50;
	v31 =	vadd.s32 v54, v20;
	v45 =	vld [tilespmem:s10+$0xFFFFFE40]  }
.LBB2_17:
0x444: {  	v50 =	vld [tilespmem:s6+$0xFFFFFE50]  }
0x445: {  	v2 =	vld [tilespmem:$0x1FFF0]  }
0x446: {  	v39 =	vld [tilespmem:$0x1FFD0];
	[tilespmem:v4+s25+$0x0] =	vst.idx.msk $0xffff, v40  }
0x447: {  	s9 =	smov.u32 s5;
	v53 =	vadd.s32 v63, v13;
	[tilespmem:v35+s25+$0x0] =	vst.idx.msk $0xffff, v46;
	v40 =	vld [tilespmem:s6+$0xFFFFFF90]  }
0x448: {  	s29 =	sadd.s32 $0x2, s9;
	v52 =	vld [tilespmem:s0+$0xFFFFFEB0]  }
0x449: {  	[tilespmem:v43+s25+$0x0] =	vst.idx.msk $0xffff, v49;
	v54 =	vmov s29;
	v49 =	vld [tilespmem:s6+$0xFFFFFE90]  }
0x44a: {  	[tilespmem:v48+s25+$0x0] =	vst.idx.msk $0xffff, v7;
	v43 =	vshrl.u32 v54, $0x3;
	v54 =	vld [tilespmem:s0+$0xFFFFFFA0]  }
0x44b: {  	v7 =	vadd.f32 v44, v9;
	v44 =	vld [tilespmem:s0+$0xFFFFFF60]  }
0x44c: {  	[tilespmem:v53+s25+$0x0] =	vst.idx.msk $0xffff, v6;
	v6 =	vld [tilespmem:$0x1FE60]  }
0x44d: {  	s26 =	sadd.s32 $0x4, s9;
	v45 =	vadd.f32 v45, v9;
	v53 =	vld [tilespmem:$0x1FE20]  }
0x44e: {  	s8 =	sadd.s32 $0x7, s5;
	v46 =	vmov s26;
	v35 =	vadd.f32 v47, v9;
	[tilespmem:v42+s25+$0x0] =	vst.idx.msk $0xffff, v7;
	v42 =	vld [tilespmem:s0+$0xFFFFFE70]  }
0x44f: {  	v51 =	vmov s8;
	s8 =	sadd.s32 $0x1, s9;
	v7 =	vshrl.u32 v46, $0x3;
	v46 =	vld [tilespmem:s6+$0xFFFFFF10];
	[tilespmem:v37+s25+$0x0] =	vst.idx.msk $0xffff, v45  }
0x450: {  	v13 =	vmov v15;
	v15 =	vmov s8;
	[tilespmem:v41+s25+$0x0] =	vst.idx.msk $0xffff, v35;
	v37 =	vld [tilespmem:s6+$0xFFFFFE10]  }
0x451: {  	v35 =	vadd.f32 v34, v9;
	v41 =	vshll.u32 v43, v33;
	v43 =	vshrl.u32 v51, $0x3;
	[tilespmem:v0+s25+$0x0] =	vst.idx.msk $0xffff, v38;
	v0 =	vld [tilespmem:$0x1FF00]  }
0x452: {  	v15 =	vshrl.u32 v15, $0x3;
	v38 =	vshll.u32 v43, v33;
	v43 =	vld [tilespmem:s0+$0xFFFFFF30]  }
0x453: {  	v4 =	vmov s9;
	v15 =	vshll.u32 v15, v33;
	[tilespmem:v5+s25+$0x0] =	vst.idx.msk $0xffff, v35;
	v35 =	vadd.f32 v52, v10;
	v52 =	vld [tilespmem:$0x1FE80]  }
0x454: {  	s28 =	sadd.s32 $0x5, s9;
	v4 =	vshrl.u32 v4, $0x3;
	v34 =	vbroadcast v15, $0x0;
	[tilespmem:v32+s25+$0x0] =	vst.idx.msk $0xffff, v24;
	v24 =	vld [tilespmem:$0x1FF10]  }
0x455: {  	s10 =	sadd.s32 $0x6, s9;
	s9 =	sadd.s32 $0x3, s9;
	v47 =	vmov s28;
	v15 =	vbroadcast v41, $0x0;
	v5 =	vshll.u32 v7, v33;
	v7 =	vld [tilespmem:s6+$0xFFFFFF50]  }
0x456: {  	v47 =	vshrl.u32 v47, $0x3;
	v51 =	vmov s9;
	v6 =	vadd.s32 v6, v34;
	[tilespmem:v36+s25+$0x0] =	vst.idx.msk $0xffff, v35;
	v36 =	vld [tilespmem:s6+$0xFFFFFED0]  }
0x457: {  	v45 =	vadd.s32 v53, v15;
	v53 =	vadd.f32 v49, v12;
	v49 =	vld [tilespmem:s0+$0xFFFFFE20];
	v42 =	vadd.f32 v42, v10  }
0x458: {  	v41 =	vadd.s32 v52, v34;
	v52 =	vshll.u32 v4, v33;
	v4 =	vshrl.u32 v51, $0x3;
	v51 =	vld [tilespmem:s6+$0xFFFFFFD0]  }
0x459: {  	v48 =	vadd.f32 v54, v11;
	v54 =	vmov s10;
	v35 =	vadd.f32 v50, v12;
	[tilespmem:v30+s25+$0x0] =	vst.idx.msk $0xffff, v42;
	v30 =	vld [tilespmem:s0+$0xFFFFFEC0]  }
0x45a: {  	v5 =	vbroadcast v5, $0x0;
	[tilespmem:v29+s25+$0x0] =	vst.idx.msk $0xffff, v25;
	v29 =	vshrl.u32 v54, $0x3;
	v54 =	vshll.u32 v47, v33;
	v47 =	vld [tilespmem:s0+$0xFFFFFE80]  }
0x45b: {  	[tilespmem:v6+s25+$0x0] =	vst.idx.msk $0xffff, v35;
	v6 =	vld [tilespmem:$0x1FFE0]  }
0x45c: {  	[tilespmem:v3+s25+$0x0] =	vst.idx.msk $0xffff, v48;
	v0 =	vadd.s32 v0, v5;
	v3 =	vld [tilespmem:s0+$0xFFFFFFE0]  }
0x45d: {  	v25 =	vadd.f32 v46, v12;
	v46 =	vld [tilespmem:s0+$0xFFFFFFB0];
	v29 =	vshll.u32 v29, v33  }
0x45e: {  	v48 =	vbroadcast v29, $0x0;
	v29 =	vshll.u32 v4, v33;
	v4 =	vld [tilespmem:$0x1FE70]  }
0x45f: {  	[tilespmem:v45+s25+$0x0] =	vst.idx.msk $0xffff, v53;
	v45 =	vadd.s32 v24, v5;
	v24 =	vld [tilespmem:$0x1FE30]  }
0x460: {  	v39 =	vadd.s32 v39, v16;
	v53 =	vadd.s32 v6, v16;
	v16 =	vmov v5;
	v5 =	vld [tilespmem:$0x1FFC0]  }
0x461: {  	[tilespmem:v0+s25+$0x0] =	vst.idx.msk $0xffff, v25;
	v0 =	vbroadcast v54, $0x0;
	v54 =	vld [tilespmem:s6+$0xFFFFFE60];
	v3 =	vadd.f32 v3, v11  }
0x462: {  	v6 =	vld [tilespmem:$0x1FF90]  }
0x463: {  	[tilespmem:v1+s25+$0x0] =	vst.idx.msk $0xffff, v3;
	v1 =	vld [tilespmem:$0x1FEC0]  }
0x464: {  	v37 =	vadd.f32 v37, v12;
	v3 =	vld [tilespmem:$0x1FEE0]  }
0x465: {  	v38 =	vbroadcast v38, $0x0;
	v35 =	vadd.s32 v5, v15;
	v5 =	vld [tilespmem:$0x1FF40]  }
0x466: {  	v44 =	vadd.f32 v44, v11;
	v42 =	vld [tilespmem:s6+$0xFFFFFF20];
	v32 =	vadd.s32 v24, v0;
	v24 =	vmovc v37;
	v37 =	vbroadcast v29, $0x0  }
0x467: {  	v25 =	vadd.f32 v51, v12;
	v51 =	vld [tilespmem:s0+$0xFFFFFEF0];
	v29 =	vadd.s32 v6, v38;
	v6 =	vadd.f32 v43, v10  }
0x468: {  	[tilespmem:v23+s25+$0x0] =	vst.idx.msk $0xffff, v44;
	v50 =	vadd.s32 v4, v34;
	v4 =	vld [tilespmem:$0x1FF50];
	v1 =	vadd.s32 v1, v37  }
0x469: {  	[tilespmem:v39+s25+$0x0] =	vst.idx.msk $0xffff, v6;
	v39 =	vld [tilespmem:s0+$0xFFFFFF70];
	v6 =	vadd.f32 v49, v11  }
0x46a: {  	v43 =	vadd.s32 v3, v37;
	v3 =	vld [tilespmem:s0+$0xFFFFFFF0];
	v5 =	vadd.s32 v5, v18;
	v18 =	vmovc v0;
	v0 =	vadd.f32 v47, v9  }
0x46b: {  	v36 =	vadd.f32 v36, v12;
	v44 =	vld [tilespmem:s0+$0xFFFFFF40];
	[tilespmem:v31+s25+$0x0] =	vst.idx.msk $0xffff, v6  }
0x46c: {  	[tilespmem:v14+s25+$0x0] =	vst.idx.msk $0xffff, v0;
	v0 =	vld [tilespmem:$0x1FF60]  }
0x46d: {  	[tilespmem:v1+s25+$0x0] =	vst.idx.msk $0xffff, v36;
	v36 =	vld [tilespmem:s0+$0xFFFFFE30];
	v1 =	vadd.f32 v51, v10  }
0x46e: {  	v51 =	vadd.f32 v54, v11;
	v54 =	vld [tilespmem:s6+$0xFFFFFEE0];
	v39 =	vadd.f32 v39, v10  }
0x46f: {  	v2 =	vadd.s32 v2, v20;
	[tilespmem:v22+s25+$0x0] =	vst.idx.msk $0xffff, v1;
	v1 =	vld [tilespmem:$0x1FC10]  }
0x470: {  	v40 =	vadd.f32 v40, v12;
	v52 =	vbroadcast v52, $0x0;
	v31 =	vadd.f32 v3, v10;
	[tilespmem:v26+s25+$0x0] =	vst.idx.msk $0xffff, v39;
	v26 =	vld [tilespmem:$0x1FF80]  }
0x471: {  	v6 =	vadd.f32 v30, v9;
	v30 =	vadd.f32 v46, v10;
	v3 =	vadd.s32 v0, v48;
	v0 =	vld [tilespmem:$0x1FEF0]  }
0x472: {  	v7 =	vadd.f32 v7, v12;
	v23 =	vmov v32;
	v32 =	vadd.s32 v55, v52;
	v47 =	vld [tilespmem:s6+$0xFFFFFEA0];
	[tilespmem:v28+s25+$0x0] =	vst.idx.msk $0xffff, v31  }
0x473: {  	v4 =	vadd.s32 v4, v48;
	[tilespmem:v27+s25+$0x0] =	vst.idx.msk $0xffff, v30;
	v28 =	vadd.f32 v44, v9;
	v55 =	vld [tilespmem:s0+$0x0]  }
0x474: {  	v22 =	vmovc v43;
	v43 =	vadd.s32 v1, v21;
	v21 =	vmov v38;
	v38 =	vadd.f32 v54, v11;
	v54 =	vld [tilespmem:$0x1FF30]  }
0x475: {  	v49 =	vadd.f32 v42, v11;
	[tilespmem:v50+s25+$0x0] =	vst.idx.msk $0xffff, v51;
	v42 =	vadd.s32 v26, v17;
	v26 =	vld [tilespmem:$0x1FE50]  }
0x476: {  	p1 =	slt.u32 s5, $0x78;
	v14 =	vmov v41;
	[tilespmem:v53+s25+$0x0] =	vst.idx.msk $0xffff, v28;
	v27 =	vadd.f32 v36, v10;
	v41 =	vadd.s32 v0, v19;
	v0 =	vld [tilespmem:$0x1FED0]  }
.Ltmp9:
0x477: {  	v30 =	vadd.s32 v61, v34;
	v46 =	vadd.f32 v47, v11;
	[tilespmem:v45+s25+$0x0] =	vst.idx.msk $0xffff, v49;
	(pc) =	sbr.rel @p1 .LBB2_17-.Ltmp9, $4  }
0x478: {  	v44 =	vld [tilespmem:s0+$0xFFFFFFC0];
	v36 =	vadd.s32 v8, v15;
	[tilespmem:v2+s25+$0x0] =	vst.idx.msk $0xffff, v27;
	v1 =	vadd.s32 v58, v21  }
0x479: {  	v47 =	vld [tilespmem:s0+$0xFFFFFF00];
	v17 =	vmovc v48;
	v48 =	vadd.s32 v56, v18;
	v49 =	vadd.f32 v55, v9;
	v28 =	vadd.s32 v62, v21  }
0x47a: {  	v34 =	vld [tilespmem:s0+$0xFFFFFF80];
	v27 =	vadd.s32 v57, v17;
	v19 =	vmovc v37;
	v37 =	vadd.s32 v26, v20;
	v20 =	vmov v52  }
0x47b: {  	s5 =	sadd.s32 $0x8, s5;
	v55 =	vmovc v60;
	v45 =	vld [tilespmem:s0+$0xFFFFFE40];
	s0 =	smov.u32 s6;
	s6 =	sadd.s32 $0x200, s6;
	v26 =	vadd.s32 v59, v18;
	v31 =	vadd.s32 v54, v20;
	v0 =	vadd.s32 v0, v19  }
0x47c: {  	_ =	sdelay $0x3  }
0x47d: {  	[tilespmem:v4+s25+$0x0] =	vst.idx.msk $0xffff, v40  }
0x47e: {  	[tilespmem:v35+s25+$0x0] =	vst.idx.msk $0xffff, v46  }
0x47f: {  	[tilespmem:v29+s25+$0x0] =	vst.idx.msk $0xffff, v25  }
0x480: {  	[tilespmem:v43+s25+$0x0] =	vst.idx.msk $0xffff, v49  }
0x481: {  	[tilespmem:v48+s25+$0x0] =	vst.idx.msk $0xffff, v7;
	v2 =	vadd.f32 v47, v9;
	v47 =	vld [tilespmem:s0+$0xFFFFFFE0]  }
0x482: {  	v12 =	vadd.s32 v63, v13;
	[tilespmem:v32+s25+$0x0] =	vst.idx.msk $0xffff, v24;
	v49 =	vadd.f32 v44, v9  }
0x483: {  	[tilespmem:v0+s25+$0x0] =	vst.idx.msk $0xffff, v38  }
0x484: {  	v52 =	vadd.f32 v34, v9;
	[tilespmem:v42+s25+$0x0] =	vst.idx.msk $0xffff, v49  }
0x485: {  	[tilespmem:v41+s25+$0x0] =	vst.idx.msk $0xffff, v2  }
0x486: {  	[tilespmem:v5+s25+$0x0] =	vst.idx.msk $0xffff, v52;
	v4 =	vadd.f32 v47, v11  }
0x487: {  	v50 =	vld [tilespmem:s0+$0xFFFFFFA0];
	[tilespmem:v12+s25+$0x0] =	vst.idx.msk $0xffff, v6  }
0x488: {  	v51 =	vld [tilespmem:s0+$0xFFFFFF60];
	[tilespmem:v1+s25+$0x0] =	vst.idx.msk $0xffff, v4  }
0x489: {  	v42 =	vld [tilespmem:$0x1FFD0]  }
0x48a: {  	v53 =	vld [tilespmem:s0+$0xFFFFFE20]  }
0x48b: {  	v56 =	vld [tilespmem:s0+$0xFFFFFE70]  }
0x48c: {  	v57 =	vld [tilespmem:s0+$0xFFFFFF30];
	v2 =	vadd.f32 v50, v11  }
0x48d: {  	v58 =	vadd.f32 v51, v11;
	v1 =	vld [tilespmem:s0+$0xFFFFFFF0]  }
0x48e: {  	v61 =	vld [tilespmem:s0+$0xFFFFFEF0];
	v60 =	vadd.f32 v45, v9;
	[tilespmem:v3+s25+$0x0] =	vst.idx.msk $0xffff, v2;
	v59 =	vadd.s32 v42, v16  }
0x48f: {  	v62 =	vadd.f32 v53, v11;
	[tilespmem:v23+s25+$0x0] =	vst.idx.msk $0xffff, v58  }
0x490: {  	v13 =	vadd.f32 v56, v10;
	[tilespmem:v37+s25+$0x0] =	vst.idx.msk $0xffff, v60  }
0x491: {  	v6 =	vadd.f32 v57, v10;
	[tilespmem:v31+s25+$0x0] =	vst.idx.msk $0xffff, v62  }
0x492: {  	[tilespmem:v30+s25+$0x0] =	vst.idx.msk $0xffff, v13;
	v3 =	vld [tilespmem:s0+$0xFFFFFFB0];
	v1 =	vadd.f32 v1, v10  }
0x493: {  	v2 =	vadd.f32 v61, v10;
	v23 =	vld [tilespmem:s0+$0xFFFFFF70];
	[tilespmem:v59+s25+$0x0] =	vst.idx.msk $0xffff, v6  }
0x494: {  	v51 =	vld [tilespmem:$0x1FFF0];
	[tilespmem:v28+s25+$0x0] =	vst.idx.msk $0xffff, v1  }
0x495: {  	v24 =	vld [tilespmem:s0+$0xFFFFFEB0];
	[tilespmem:v22+s25+$0x0] =	vst.idx.msk $0xffff, v2  }
0x496: {  	v62 =	vld [tilespmem:$0x1FFE0]  }
0x497: {  	v0 =	vld [tilespmem:s0+$0xFFFFFE30]  }
0x498: {  	v5 =	vld [tilespmem:s0+$0xFFFFFE80];
	v3 =	vadd.f32 v3, v10  }
0x499: {  	v37 =	vadd.f32 v23, v10;
	v6 =	vld [tilespmem:s0+$0xFFFFFF40];
	v25 =	vadd.s32 v51, v20  }
0x49a: {  	v39 =	vadd.f32 v24, v10;
	v38 =	vld [tilespmem:s0+$0x0];
	[tilespmem:v27+s25+$0x0] =	vst.idx.msk $0xffff, v3  }
0x49b: {  	v3 =	vld [tilespmem:$0x1FC10];
	[tilespmem:v26+s25+$0x0] =	vst.idx.msk $0xffff, v37;
	v40 =	vadd.s32 v62, v16  }
0x49c: {  	v0 =	vadd.f32 v0, v10;
	v41 =	vld [tilespmem:s0+$0xFFFFFF00];
	[tilespmem:v36+s25+$0x0] =	vst.idx.msk $0xffff, v39  }
0x49d: {  	v5 =	vadd.f32 v5, v9;
	v60 =	vld [tilespmem:$0x1FEF0]  }
0x49e: {  	v35 =	vld [tilespmem:$0x1FF80];
	v6 =	vadd.f32 v6, v9;
	[tilespmem:v25+s25+$0x0] =	vst.idx.msk $0xffff, v0  }
0x49f: {  	v30 =	vld [tilespmem:$0x1FF40];
	[tilespmem:v14+s25+$0x0] =	vst.idx.msk $0xffff, v5  }
0x4a0: {  	v46 =	vld [tilespmem:s0+$0xFFFFFEC0];
	[tilespmem:v40+s25+$0x0] =	vst.idx.msk $0xffff, v6  }
0x4a1: {  	v3 =	vadd.s32 v3, v21;
	v50 =	vld [tilespmem:$0x1FE50]  }
0x4a2: {  	v56 =	vadd.s32 v63, v15;
	v43 =	vld [tilespmem:s0+$0xFFFFFFC0]  }
0x4a3: {  	v45 =	vld [tilespmem:s0+$0xFFFFFF80];
	v44 =	vadd.s32 v60, v19  }
0x4a4: {  	v2 =	vadd.f32 v38, v9;
	v47 =	vadd.s32 v35, v17;
	v4 =	vld [tilespmem:s0+$0xFFFFFE40]  }
0x4a5: {  	v59 =	vadd.f32 v46, v9;
	v52 =	vadd.s32 v30, v18  }
0x4a6: {  	v53 =	vadd.f32 v41, v9;
	[tilespmem:v3+s25+$0x0] =	vst.idx.msk $0xffff, v2;
	v57 =	vadd.s32 v50, v20  }
0x4a7: {  	v1 =	vadd.f32 v43, v9;
	[tilespmem:v56+s25+$0x0] =	vst.idx.msk $0xffff, v59  }
0x4a8: {  	s9 =	sshll.u32 s1, $0x12;
	v58 =	vadd.f32 v45, v9;
	[tilespmem:v44+s25+$0x0] =	vst.idx.msk $0xffff, v53  }
0x4a9: {  	s0 =	sor.u32 s7, s9;
	[tilespmem:v47+s25+$0x0] =	vst.idx.msk $0xffff, v1;
	v61 =	vadd.f32 v4, v9  }
0x4aa: {  	s0 =	sshrl.u32 s0, $0x3;
	[tilespmem:v52+s25+$0x0] =	vst.idx.msk $0xffff, v58  }
0x4ab: {  	s10 =	simm.s32 $0x17E00;
	s1 =	sadd.s32 s2, s0;
	[tilespmem:v57+s25+$0x0] =	vst.idx.msk $0xffff, v61  }
0x4ac: {  	[hbm4b:s1+s3] =	stream.linear.scatter [tilespmem:s10], [sflag:$0x4], $0x80, $0x38;
	[tilespmem:$0x1A000] =	vst v63  }
0x4ad: {  	s26 =	simm.s32 $0x17E88;
	s5 =	sadd.s32 $0x10, s1  }
0x4ae: {  	[hbm4b:s5+s3] =	stream.linear.scatter [tilespmem:s26], [sflag:$0x4], $0x80, $0x38;
	[tilespmem:$0x1A000] =	vst v63  }
0x4af: {  	s28 =	simm.s32 $0x17F10;
	s8 =	simm.s32 $0x18020;
	s29 =	sadd.s32 $0x20, s1  }
0x4b0: {  	[hbm4b:s29+s3] =	stream.linear.scatter [tilespmem:s28], [sflag:$0x4], $0x80, $0x38;
	[tilespmem:$0x1A000] =	vst v63  }
0x4b1: {  	s0 =	simm.s32 $0x440;
	s6 =	sadd.s32 $0x30, s1;
	s5 =	simm.s32 $0x17F98  }
0x4b2: {  	[hbm4b:s6+s3] =	stream.linear.scatter [tilespmem:s5], [sflag:$0x4], $0x80, $0x38;
	[tilespmem:$0x1A000] =	vst v63  }
0x4b3: {  	s9 =	sadd.s32 $0x40, s1;
	s10 =	simm.s32 $0x180A8;
	s26 =	sadd.s32 $0x50, s1  }
0x4b4: {  	[hbm4b:s9+s3] =	stream.linear.scatter [tilespmem:s8], [sflag:$0x4], $0x80, $0x38;
	[tilespmem:$0x1A000] =	vst v63  }
0x4b5: {  	s28 =	simm.s32 $0x18130;
	s29 =	sadd.s32 $0x60, s1;
	s5 =	simm.s32 $0x2200  }
0x4b6: {  	[hbm4b:s26+s3] =	stream.linear.scatter [tilespmem:s10], [sflag:$0x4], $0x80, $0x38;
	[tilespmem:$0x1A000] =	vst v63  }
0x4b7: {  	s6 =	simm.s32 $0x181B8;
	s10 =	sadd.s32 $0x70, s1;
	s1 =	sadd.s32 $0x1000, s1  }
0x4b8: {  	v43 =	vmov v63;
	[hbm4b:s29+s3] =	stream.linear.scatter [tilespmem:s28], [sflag:$0x4], $0x80, $0x38;
	[tilespmem:$0x1A000] =	vst v63  }
.LBB2_19:
0x4b9: {  	[hbm4b:s10+s3] =	stream.linear.scatter [tilespmem:s6], [sflag:$0x4], $0x80, $0x38;
	[tilespmem:$0x1A000] =	vst v63  }
0x4ba: {  	s6 =	smov.u32 s0;
	s0 =	smov.u32 s5  }
0x4bb: {  	s8 =	sadd.s32 $0x1100, s5;
	s0 =	sshra.s32 s0, $0x2;
	s9 =	sadd.s32 $0x17E00, s6  }
0x4bc: {  	[hbm4b:s1+s3] =	stream.linear.scatter [tilespmem:s9], [sflag:$0x4], $0x80, $0x38;
	[tilespmem:$0x1A000] =	vst v63  }
0x4bd: {  	p1 =	sne.s32 s5, $0x7700;
	s5 =	sadd.s32 $0x17E88, s6;
	s9 =	sadd.s32 $0x10, s1  }
0x4be: {  	[hbm4b:s9+s3] =	stream.linear.scatter [tilespmem:s5], [sflag:$0x4], $0x80, $0x38;
	[tilespmem:$0x1A000] =	vst v63  }
0x4bf: {  	s5 =	sadd.s32 $0x17F10, s6;
	s9 =	sadd.s32 $0x20, s1  }
0x4c0: {  	[hbm4b:s9+s3] =	stream.linear.scatter [tilespmem:s5], [sflag:$0x4], $0x80, $0x38;
	[tilespmem:$0x1A000] =	vst v63  }
0x4c1: {  	s5 =	sadd.s32 $0x17F98, s6;
	s9 =	sadd.s32 $0x30, s1  }
0x4c2: {  	[hbm4b:s9+s3] =	stream.linear.scatter [tilespmem:s5], [sflag:$0x4], $0x80, $0x38;
	[tilespmem:$0x1A000] =	vst v63  }
0x4c3: {  	s5 =	sadd.s32 $0x18020, s6;
	s9 =	sadd.s32 $0x40, s1  }
0x4c4: {  	[hbm4b:s9+s3] =	stream.linear.scatter [tilespmem:s5], [sflag:$0x4], $0x80, $0x38;
	[tilespmem:$0x1A000] =	vst v63  }
.Ltmp10:
0x4c5: {  	s5 =	sadd.s32 $0x180A8, s6;
	s9 =	sadd.s32 $0x50, s1;
	(pc) =	sbr.rel @p1 .LBB2_19-.Ltmp10, $4  }
0x4c6: {  	[hbm4b:s9+s3] =	stream.linear.scatter [tilespmem:s5], [sflag:$0x4], $0x80, $0x38;
	[tilespmem:$0x1A000] =	vst v63  }
0x4c7: {  	s10 =	sadd.s32 $0x70, s1;
	s5 =	sadd.s32 $0x18130, s6;
	s9 =	sadd.s32 $0x60, s1  }
0x4c8: {  	[hbm4b:s9+s3] =	stream.linear.scatter [tilespmem:s5], [sflag:$0x4], $0x80, $0x38;
	[tilespmem:$0x1A000] =	vst v63  }
0x4c9: {  	s6 =	sadd.s32 $0x181B8, s6;
	s1 =	sadd.s32 $0x1000, s1;
	s5 =	smov.u32 s8  }
0x4ca: {  	[hbm4b:s10+s3] =	stream.linear.scatter [tilespmem:s6], [sflag:$0x4], $0x80, $0x38;
	v39 =	vld [tilespmem:$0x1FE60]  }
0x4cb: {  	s5 =	sadd.s32 $0x17E00, s0;
	v52 =	vld [tilespmem:$0x1FE70]  }
0x4cc: {  	v53 =	vld [tilespmem:$0x1FE90];
	[hbm4b:s1+s3] =	stream.linear.scatter [tilespmem:s5], [sflag:$0x4], $0x80, $0x38  }
0x4cd: {  	s28 =	sadd.s32 $0x17E88, s0;
	s29 =	sadd.s32 $0x10, s1;
	v48 =	vld [tilespmem:$0x1FE80]  }
0x4ce: {  	v58 =	vld [tilespmem:$0x1FEA0];
	[hbm4b:s29+s3] =	stream.linear.scatter [tilespmem:s28], [sflag:$0x4], $0x80, $0x38  }
0x4cf: {  	s8 =	sadd.s32 $0x17F10, s0;
	s9 =	sadd.s32 $0x20, s1;
	v56 =	vld [tilespmem:$0x1FEC0]  }
0x4d0: {  	v57 =	vld [tilespmem:$0x1FED0];
	[hbm4b:s9+s3] =	stream.linear.scatter [tilespmem:s8], [sflag:$0x4], $0x80, $0x38  }
0x4d1: {  	s10 =	sadd.s32 $0x17F98, s0;
	s26 =	sadd.s32 $0x30, s1;
	v59 =	vld [tilespmem:$0x1FEE0]  }
0x4d2: {  	v47 =	vld [tilespmem:$0x1FF00];
	[hbm4b:s26+s3] =	stream.linear.scatter [tilespmem:s10], [sflag:$0x4], $0x80, $0x38  }
0x4d3: {  	v61 =	vld [tilespmem:$0x1FF10];
	s28 =	sadd.s32 $0x18020, s0;
	s29 =	sadd.s32 $0x40, s1  }
0x4d4: {  	v63 =	vld [tilespmem:$0x1FF20];
	[hbm4b:s29+s3] =	stream.linear.scatter [tilespmem:s28], [sflag:$0x4], $0x80, $0x38  }
0x4d5: {  	v32 =	vld [tilespmem:$0x1FF50];
	s8 =	sadd.s32 $0x180A8, s0;
	s9 =	sadd.s32 $0x50, s1  }
0x4d6: {  	v34 =	vld [tilespmem:$0x1FF60];
	[hbm4b:s9+s3] =	stream.linear.scatter [tilespmem:s8], [sflag:$0x4], $0x80, $0x38  }
.Ltmp11:
0x4d7: {  	v31 =	vld [tilespmem:$0x1FF70];
	(pc) =	sbr.rel @p0 .LBB2_22-.Ltmp11, $4  }
0x4d8: {  	v36 =	vld [tilespmem:$0x1FF90];
	s10 =	sadd.s32 $0x18130, s0;
	s26 =	sadd.s32 $0x60, s1  }
0x4d9: {  	v37 =	vld [tilespmem:$0x1FFA0];
	[hbm4b:s26+s3] =	stream.linear.scatter [tilespmem:s10], [sflag:$0x4], $0x80, $0x38  }
0x4da: {  	v38 =	vld [tilespmem:$0x1FFB0];
	s28 =	sadd.s32 $0x181B8, s0;
	s29 =	sadd.s32 $0x70, s1  }
0x4db: {  	v40 =	vld [tilespmem:$0x1FFC0];
	[hbm4b:s29+s3] =	stream.linear.scatter [tilespmem:s28], [sflag:$0x4], $0x80, $0x38  }
0x4dc: {  	v3 =	vld [tilespmem:$0x1FE00];
	_ =	sdelay $0x1  }
0x4dd: {  	s0 =	sadd.s32 $0x6, s31  }
0x4de: {  	v0 =	vmov s0  }
0x4df: {  	v0 =	vand.u32 $0x1FE, v0  }
0x4e0: {  	v1 =	vadd.s32 v3, v0;
	_ =	sdelay $0x1  }
0x4e1: {  	v4 =	vld [tilespmem:$0x1FC20];
	_ =	sdelay $0x2  }
0x4e2: {  	v1 =	vld.idx.msk [tilespmem:v1+s3+$0x0], $0xffff;
	_ =	sdelay $0x1  }
0x4e3: {  	v2 =	vadd.s32 v4, v0;
	_ =	sdelay $0x1  }
0x4e4: {  	v5 =	vld [tilespmem:$0x1FC30]  }
0x4e5: {  	v1 =	vshll.u32 v1, $0x1  }
0x4e6: {  	[tilespmem:$0x9700] =	vst v1  }
0x4e7: {  	v1 =	vld.idx.msk [tilespmem:v2+s3+$0x0], $0xffff;
	_ =	sdelay $0x1  }
0x4e8: {  	v20 =	vadd.s32 v5, v0;
	_ =	sdelay $0x1  }
0x4e9: {  	v6 =	vld [tilespmem:$0x1FC40]  }
0x4ea: {  	v1 =	vshll.u32 v1, $0x1  }
0x4eb: {  	[tilespmem:$0x9710] =	vst v1  }
0x4ec: {  	v1 =	vld.idx.msk [tilespmem:v20+s3+$0x0], $0xffff;
	_ =	sdelay $0x1  }
0x4ed: {  	v21 =	vadd.s32 v6, v0;
	_ =	sdelay $0x1  }
0x4ee: {  	v7 =	vld [tilespmem:$0x1FC50]  }
0x4ef: {  	v1 =	vshll.u32 v1, $0x1  }
0x4f0: {  	[tilespmem:$0x9720] =	vst v1  }
0x4f1: {  	v1 =	vld.idx.msk [tilespmem:v21+s3+$0x0], $0xffff;
	_ =	sdelay $0x1  }
0x4f2: {  	v22 =	vadd.s32 v7, v0;
	_ =	sdelay $0x1  }
0x4f3: {  	v8 =	vld [tilespmem:$0x1FC60]  }
0x4f4: {  	v1 =	vshll.u32 v1, $0x1  }
0x4f5: {  	[tilespmem:$0x9730] =	vst v1  }
0x4f6: {  	v1 =	vld.idx.msk [tilespmem:v22+s3+$0x0], $0xffff;
	_ =	sdelay $0x1  }
0x4f7: {  	v23 =	vadd.s32 v8, v0;
	_ =	sdelay $0x1  }
0x4f8: {  	v9 =	vld [tilespmem:$0x1FC70]  }
0x4f9: {  	v1 =	vshll.u32 v1, $0x1  }
0x4fa: {  	[tilespmem:$0x9740] =	vst v1  }
0x4fb: {  	v1 =	vld.idx.msk [tilespmem:v23+s3+$0x0], $0xffff;
	_ =	sdelay $0x1  }
0x4fc: {  	v24 =	vadd.s32 v9, v0;
	_ =	sdelay $0x1  }
0x4fd: {  	v10 =	vld [tilespmem:$0x1FC80]  }
0x4fe: {  	v1 =	vshll.u32 v1, $0x1  }
0x4ff: {  	[tilespmem:$0x9750] =	vst v1  }
0x500: {  	v1 =	vld.idx.msk [tilespmem:v24+s3+$0x0], $0xffff;
	_ =	sdelay $0x1  }
0x501: {  	v0 =	vadd.s32 v10, v0;
	_ =	sdelay $0x2  }
0x502: {  	v1 =	vshll.u32 v1, $0x1  }
0x503: {  	s31 =	sadd.s32 $0x7, s31;
	[tilespmem:$0x9760] =	vst v1  }
0x504: {  	v25 =	vmov s31;
	v0 =	vld.idx.msk [tilespmem:v0+s3+$0x0], $0xffff  }
0x505: {  	v1 =	vand.u32 $0x1FF, v25  }
0x506: {  	v26 =	vadd.s32 v3, v1;
	_ =	sdelay $0x2  }
0x507: {  	v0 =	vshll.u32 v0, $0x1  }
0x508: {  	[tilespmem:$0x9770] =	vst v0  }
0x509: {  	v0 =	vld.idx.msk [tilespmem:v26+s3+$0x0], $0xffff;
	_ =	sdelay $0x1  }
0x50a: {  	v27 =	vadd.s32 v4, v1;
	_ =	sdelay $0x2  }
0x50b: {  	v0 =	vshll.u32 v0, $0x1  }
0x50c: {  	[tilespmem:$0x9780] =	vst v0  }
0x50d: {  	v0 =	vld.idx.msk [tilespmem:v27+s3+$0x0], $0xffff;
	_ =	sdelay $0x1  }
0x50e: {  	v41 =	vadd.s32 v5, v1;
	_ =	sdelay $0x2  }
0x50f: {  	v0 =	vshll.u32 v0, $0x1  }
0x510: {  	[tilespmem:$0x9790] =	vst v0  }
0x511: {  	v0 =	vld.idx.msk [tilespmem:v41+s3+$0x0], $0xffff;
	_ =	sdelay $0x1  }
0x512: {  	v44 =	vadd.s32 v6, v1;
	_ =	sdelay $0x2  }
0x513: {  	v0 =	vshll.u32 v0, $0x1  }
0x514: {  	[tilespmem:$0x97A0] =	vst v0  }
0x515: {  	v0 =	vld.idx.msk [tilespmem:v44+s3+$0x0], $0xffff;
	_ =	sdelay $0x1  }
0x516: {  	v45 =	vadd.s32 v7, v1;
	_ =	sdelay $0x2  }
0x517: {  	v0 =	vshll.u32 v0, $0x1  }
0x518: {  	[tilespmem:$0x97B0] =	vst v0  }
0x519: {  	v0 =	vld.idx.msk [tilespmem:v45+s3+$0x0], $0xffff;
	_ =	sdelay $0x1  }
0x51a: {  	v46 =	vadd.s32 v8, v1;
	_ =	sdelay $0x2  }
0x51b: {  	v0 =	vshll.u32 v0, $0x1  }
0x51c: {  	[tilespmem:$0x97C0] =	vst v0  }
0x51d: {  	v0 =	vld.idx.msk [tilespmem:v46+s3+$0x0], $0xffff;
	_ =	sdelay $0x1  }
0x51e: {  	v49 =	vadd.s32 v9, v1;
	_ =	sdelay $0x2  }
0x51f: {  	v0 =	vshll.u32 v0, $0x1  }
0x520: {  	[tilespmem:$0x97D0] =	vst v0  }
0x521: {  	v0 =	vld.idx.msk [tilespmem:v49+s3+$0x0], $0xffff;
	_ =	sdelay $0x1  }
0x522: {  	v1 =	vadd.s32 v10, v1;
	_ =	sdelay $0x2  }
0x523: {  	v0 =	vshll.u32 v0, $0x1  }
0x524: {  	[tilespmem:$0x97E0] =	vst v0  }
0x525: {  	v0 =	vld.idx.msk [tilespmem:v1+s3+$0x0], $0xffff;
	_ =	sdelay $0x4  }
.Ltmp12:
0x526: {  	v0 =	vshll.u32 v0, $0x1;
	(pc) =	sbr.rel .LBB2_2-.Ltmp12, $4  }
0x527: {  	[tilespmem:$0x97F0] =	vst v0  }
0x528: {  	[tilespmem:s17], [sflag:$0x2] =	stream.indirect.gather [hbm4b:s4+s11], $0x40, s16, s11, $0xb8;
	[tilespmem:$0x1A000] =	vst v63  }
0x529: {  	s30 =	sadd.s32 $0x1, s30  }
0x52a: {  	[tilespmem:s19], [sflag:$0x2] =	stream.indirect.gather [hbm4b:s4+s11], $0x40, s18, s11, $0xb8;
	[tilespmem:$0x1A000] =	vst v63  }
.LBB2_23:
0x52b: {  	_ =	sfence.sel $0x180000  }
0x52c: {  	[bflag:$0x0] =	sbarrier.arrive $0xFFFF  }
0x52d: {  	_ =	strace $0x90000047  }
0x52e: {  	s0 =	stileid.u32;
	[bflag:$0x2] =	sbarrier.arrive $0xFFFF  }
0x52f: {  	p0 =	sne.s32 s0, $0x0;
	s0 =	rddreg [dreg:$0x2]  }
0x530: {  	s0 =	sadd.s32 @!p0 $0x100000, s0  }
0x531: {  	[sflag:s0] =	ssyncadd.tile.s32 @!p0 $0x1;
	_ =	shalt  }
.Lfunc_end2:
_tile_overlayer_lowered:
.L_overlay_start_2:
0x532: {  	(tag) =	ssettag $0x2  }
0x533: {  	s0 =	rddreg [dreg:$0x0];
	s2 =	stileid.u32  }
0x534: {  	s1 =	rddreg [dreg:$0x1];
	p0 =	sne.s32 s2, $0x0  }
0x535: {  	s3 =	rddreg [dreg:$0x2];
	[bflag:$0x3] =	sbarrier.arrive $0xFFFF;
	s2 =	simm.s32 @!p0 $0x1C05  }
0x536: {  	[timem:s3], [sflag:s2] =	dma.local @!p0 [hbm:s0], s1  }
0x537: {  	s0 =	simm.s32 @!p0 $0x5  }
0x538: {  	_ =	swait.ge @!p0 [sflag:s0], s1  }
0x539: {  	s1 =	ssub.s32 @!p0 $0x0, s1;
	[sflag:s0] =	ssyncset.done @!p0 $0x0  }
0x53a: {  	[sflag:s0] =	ssyncadd.s32 @!p0 s1  }
0x53b: {  	[bflag:$0x3] =	sbarrier.arrive $0xFFFF  }
0x53c: {  	_ =	shalt  }

</sc_bundles>
